<compile_context>
chip_gen: v7x
topology: tpu7x:2x2x1
jax: 0.10.2.dev20260603
libtpu: 0.0.44.dev20260713+nightly
codegen_flags: <defaults>
</compile_context>

<pallas_src>
import functools

import jax
import jax.numpy as jnp
from jax import lax
from jax.experimental import pallas as pl
from jax.experimental.pallas import tpu as pltpu
from jax.experimental.pallas import tpu_sc as plsc

DIM = 768
NPATCH = 576
BATCH = 32
K1 = 112
K2 = 224
NROWS = 192
ROWW = 1152
NWORKERS = 32
ROWS_PER_W = NROWS // NWORKERS
CHUNKS = ROWW // 16



def _projq_body(g_ref, wq_ref, bq_ref, q_ref):
    q_ref[...] = lax.dot_general(
        g_ref[...], wq_ref[...], (((1,), (1,)), ((), ())),
        preferred_element_type=jnp.float32) + bq_ref[...]


def _proj_q(gflat, wq, bq):
    return pl.pallas_call(
        _projq_body,
        out_shape=jax.ShapeDtypeStruct((3 * BATCH, DIM), jnp.float32),
    )(gflat, wq, bq.reshape(1, DIM))



MB = 4


def _logits_body(p_ref, wk_ref, bk_ref, c_ref, lt_ref, it_ref):
    pm = p_ref[...].reshape(MB * NPATCH, DIM)
    k_ = lax.dot_general(pm, wk_ref[...], (((1,), (1,)), ((), ())),
                         preferred_element_type=jnp.float32) + bk_ref[...]
    for i in range(MB):
        c = c_ref[i]
        ks = k_[i * NPATCH:(i + 1) * NPATCH]
        ps = pm[i * NPATCH:(i + 1) * NPATCH]
        lt_ref[i] = lax.dot_general(c, ks, (((1,), (1,)), ((), ())),
                                    preferred_element_type=jnp.float32)
        it_ref[i] = lax.dot_general(c, ps, (((1,), (1,)), ((), ())),
                                    preferred_element_type=jnp.float32)


def _logits(patches, wk, bk, c):
    return pl.pallas_call(
        _logits_body,
        grid=(BATCH // MB,),
        in_specs=[
            pl.BlockSpec((MB, NPATCH, DIM), lambda b: (b, 0, 0)),
            pl.BlockSpec((DIM, DIM), lambda b: (0, 0)),
            pl.BlockSpec((1, DIM), lambda b: (0, 0)),
            pl.BlockSpec((MB, 8, DIM), lambda b: (b, 0, 0)),
        ],
        out_specs=[
            pl.BlockSpec((MB, 8, NPATCH), lambda b: (b, 0, 0)),
            pl.BlockSpec((MB, 8, NPATCH), lambda b: (b, 0, 0)),
        ],
        out_shape=[
            jax.ShapeDtypeStruct((BATCH, 8, NPATCH), jnp.float32),
            jax.ShapeDtypeStruct((BATCH, 8, NPATCH), jnp.float32),
        ],
    )(patches, wk, bk.reshape(1, DIM), c)



def _sc_topk_body(sel_hbm, mask_hbm, u_v, buf_v, cand_v, sem):
    del sem
    wid = lax.axis_index("s") * 2 + lax.axis_index("c")
    f16_1 = jnp.full((16,), 1.0, jnp.float32)
    f16_0 = jnp.zeros((16,), jnp.float32)
    i16_1 = jnp.full((16,), 1, jnp.int32)
    i16_0 = jnp.zeros((16,), jnp.int32)
    iota16 = lax.iota(jnp.int32, 16)

    def do_row(r, rcarry):
        row = r * NWORKERS + wid
        is_inter = row < 96
        k = jnp.where(is_inter, jnp.int32(K2), jnp.int32(K1))
        nch = jnp.where(is_inter, jnp.int32(CHUNKS), jnp.int32(CHUNKS // 2))
        pltpu.sync_copy(sel_hbm.at[row], buf_v)

        def conv(j, carry):
            x = buf_v[pl.ds(j * 16, 16)]
            ub = lax.bitcast_convert_type(x, jnp.uint32)
            neg = ub >= jnp.uint32(0x80000000)
            u = jnp.where(neg, ub ^ jnp.uint32(0xFFFFFFFF),
                          ub | jnp.uint32(0x80000000))
            u_v[pl.ds(j * 16, 16)] = u
            return carry
        lax.fori_loop(0, nch, conv, jnp.int32(0))

        def count_ge(c):
            cb = jnp.broadcast_to(c, (16,))

            def step(j, acc):
                u = u_v[pl.ds(j * 16, 16)]
                return acc + jnp.where(u >= cb, i16_1, i16_0)
            return jnp.sum(lax.fori_loop(0, nch, step, i16_0))

        p = jnp.uint32(0)
        for t in range(16):
            c = p | (jnp.uint32(0x80000000) >> t)
            p = jnp.where(count_ge(c) >= k, c, p)

        nxt = p + jnp.uint32(0x00010000)
        topgt = jnp.where(nxt == jnp.uint32(0),
                          jnp.int32(0), count_ge(nxt))

        pfx = jnp.broadcast_to(p, (16,))
        m16 = jnp.full((16,), jnp.uint32(0xFFFF0000), jnp.uint32)

        def compact(j, off):
            u = u_v[pl.ds(j * 16, 16)]
            m = (u & m16) == pfx
            mi = jnp.where(m, i16_1, i16_0)
            pre = plsc.cumsum(mi)
            idx = jnp.broadcast_to(off, (16,)) + pre - 1
            plsc.store_scatter(cand_v, [idx],
                               plsc.bitcast(u, jnp.int32), mask=m)
            return off + jnp.sum(mi)
        nc = lax.fori_loop(0, nch, compact, jnp.int32(0))
        ncch = (nc + 15) // 16
        idxz = jnp.broadcast_to(nc, (16,)) + iota16
        plsc.store_scatter(cand_v, [idxz], i16_0,
                           mask=idxz < jnp.broadcast_to(ncch * 16, (16,)))

        for t in range(16, 32):
            c = p | (jnp.uint32(0x80000000) >> t)
            cb = jnp.broadcast_to(c, (16,))

            def step(j, acc, cb=cb):
                uc = plsc.bitcast(cand_v[pl.ds(j * 16, 16)], jnp.uint32)
                return acc + jnp.where(uc >= cb, i16_1, i16_0)
            cnt = topgt + jnp.sum(lax.fori_loop(0, ncch, step, i16_0))
            p = jnp.where(cnt >= k, c, p)

        pb = jnp.broadcast_to(p, (16,))
        cge = count_ge(p)
        def eqcnt(j, acc):
            u = u_v[pl.ds(j * 16, 16)]
            return acc + jnp.where(u == pb, i16_1, i16_0)
        neq = jnp.sum(lax.fori_loop(0, nch, eqcnt, i16_0))
        rem = k - (cge - neq)
        remv = jnp.broadcast_to(rem, (16,))

        def emit(j, carry):
            u = u_v[pl.ds(j * 16, 16)]
            eq = u == pb
            eqi = jnp.where(eq, i16_1, i16_0)
            pre = plsc.cumsum(eqi) + jnp.broadcast_to(carry, (16,))
            sel = (u > pb) | (eq & (pre <= remv))
            buf_v[pl.ds(j * 16, 16)] = jnp.where(sel, f16_1, f16_0)
            return carry + jnp.sum(eqi)
        lax.fori_loop(0, nch, emit, jnp.int32(0))

        def zpad(j, carry):
            buf_v[pl.ds(j * 16, 16)] = f16_0
            return carry
        lax.fori_loop(nch, CHUNKS, zpad, jnp.int32(0))
        pltpu.sync_copy(buf_v, mask_hbm.at[row])
        return rcarry

    lax.fori_loop(0, ROWS_PER_W, do_row, jnp.int32(0))


def _sc_topk(sel):
    mesh = plsc.VectorSubcoreMesh(core_axis_name="c", subcore_axis_name="s")
    fn = functools.partial(
        pl.kernel,
        out_type=jax.ShapeDtypeStruct((NROWS, ROWW), jnp.float32),
        mesh=mesh,
        compiler_params=pltpu.CompilerParams(needs_layout_passes=False),
        scratch_types=[
            pltpu.VMEM((ROWW,), jnp.uint32),
            pltpu.VMEM((ROWW,), jnp.float32),
            pltpu.VMEM((ROWW + 16,), jnp.int32),
            pltpu.SemaphoreType.DMA,
        ],
    )(_sc_topk_body)
    return fn(sel)



def _apply_body(p_ref, m1_ref, m2_ref, m3_ref, o_ref, c1, c2, c3):
    for i in range(MB):
        s = (m1_ref[i, 0, c1:c1 + NPATCH] + m2_ref[i, 0, c2:c2 + NPATCH]
             + m3_ref[i, 0, c3:c3 + NPATCH])
        maskv = (s > 0.0).astype(jnp.float32)
        o_ref[i] = p_ref[i] * maskv[:, None]


def _apply(patches, maskf3, srcs):
    (r1, c1), (r2, c2), (r3, c3) = srcs

    def mspec(rowbase):
        return pl.BlockSpec((MB, 1, ROWW),
                            lambda b, rb=rowbase: (rb // MB + b, 0, 0))

    body = functools.partial(_apply_body, c1=c1, c2=c2, c3=c3)
    return pl.pallas_call(
        body,
        grid=(BATCH // MB,),
        in_specs=[
            pl.BlockSpec((MB, NPATCH, DIM), lambda b: (b, 0, 0)),
            mspec(r1), mspec(r2), mspec(r3),
        ],
        out_specs=pl.BlockSpec((MB, NPATCH, DIM), lambda b: (b, 0, 0)),
        out_shape=jax.ShapeDtypeStruct((BATCH, NPATCH, DIM), jnp.float32),
    )(patches, maskf3, maskf3, maskf3)



def kernel(rgb_patches, nir_patches, tir_patches, rgb_global, nir_global,
           tir_global, Wq_w, Wq_b, Wk_w, Wk_b):
    G = jnp.stack([rgb_global, nir_global, tir_global], axis=1)
    Q = _proj_q(G.reshape(3 * BATCH, DIM), Wq_w, Wq_b)
    C = jnp.concatenate(
        [Q.reshape(BATCH, 3, DIM), G,
         jnp.zeros((BATCH, 2, DIM), jnp.float32)], axis=1)

    LT_rgb, IT_rgb = _logits(rgb_patches, Wk_w, Wk_b, C)
    LT_nir, IT_nir = _logits(nir_patches, Wk_w, Wk_b, C)
    LT_tir, IT_tir = _logits(tir_patches, Wk_w, Wk_b, C)

    neg = jnp.full((BATCH, NPATCH), -jnp.inf, jnp.float32)
    sel = jnp.concatenate([
        jnp.concatenate([LT_nir[:, 0, :], LT_tir[:, 0, :]], axis=1),
        jnp.concatenate([LT_rgb[:, 1, :], LT_tir[:, 1, :]], axis=1),
        jnp.concatenate([LT_rgb[:, 2, :], LT_nir[:, 2, :]], axis=1),
        jnp.concatenate([IT_rgb[:, 3, :], neg], axis=1),
        jnp.concatenate([IT_nir[:, 4, :], neg], axis=1),
        jnp.concatenate([IT_tir[:, 5, :], neg], axis=1),
    ], axis=0)

    maskf3 = _sc_topk(sel).reshape(NROWS, 1, ROWW)

    return (_apply(rgb_patches, maskf3, ((32, 0), (64, 0), (96, 0))),
            _apply(nir_patches, maskf3, ((0, 0), (64, NPATCH), (128, 0))),
            _apply(tir_patches, maskf3, ((0, NPATCH), (32, NPATCH), (160, 0))))

# --- scband reference (transcript-rebuilt; emitter-appended) ---
"""Pipeline reference for scband-token-selection-3152505995575 (READ-ONLY COPY).

The authoritative reference and input builder live on the scoring server;
editing this copy changes nothing except your own understanding.
"""

import jax, jax.numpy as jnp
import numpy as np
import math

DIM = 768
K1 = 112
K2 = 224


def setup_inputs(seed: int = 0) -> dict:
    key = jax.random.key(seed)
    ks = jax.random.split(key, 10)
    B, N, D = 32, 576, DIM
    return {
        "rgb_patches": jax.random.normal(ks[0], (B, N, D), jnp.float32),
        "nir_patches": jax.random.normal(ks[1], (B, N, D), jnp.float32),
        "tir_patches": jax.random.normal(ks[2], (B, N, D), jnp.float32),
        "rgb_global": jax.random.normal(ks[3], (B, D), jnp.float32),
        "nir_global": jax.random.normal(ks[4], (B, D), jnp.float32),
        "tir_global": jax.random.normal(ks[5], (B, D), jnp.float32),
        "Wq_w": jax.random.normal(ks[6], (D, D), jnp.float32) * 0.02,
        "Wq_b": jnp.zeros((D,), jnp.float32),
        "Wk_w": jax.random.normal(ks[7], (D, D), jnp.float32) * 0.02,
        "Wk_b": jnp.zeros((D,), jnp.float32),
    }


def _intra_mask(patches, g):
    scores = jax.nn.softmax(jnp.einsum('bd,bnd->bn', g, patches) / math.sqrt(DIM), axis=1)
    B, N = scores.shape
    _, idx = jax.lax.top_k(scores, min(K1, N))
    mask = jnp.zeros((B, N), scores.dtype).at[jnp.arange(B)[:, None], idx].set(1.0)
    return mask


def _forward(rgb_patches, nir_patches, tir_patches, rgb_global, nir_global, tir_global, Wq_w, Wq_b, Wk_w, Wk_b):
    B = rgb_patches.shape[0]
    n_rgb = rgb_patches.shape[1]
    n_nir = nir_patches.shape[1]
    n_tir = tir_patches.shape[1]

    # ---- inter-modal token selection ----
    queries = jnp.stack([rgb_global, nir_global, tir_global], axis=1)  # [B,3,D]
    keys = jnp.concatenate([rgb_patches, nir_patches, tir_patches], axis=1)  # [B,3N,D]
    q = queries @ Wq_w.T + Wq_b
    k_ = keys @ Wk_w.T + Wk_b
    scores = jax.nn.softmax(jnp.einsum('bqd,bnd->bqn', q, k_) / math.sqrt(DIM), axis=2)
    rgb_scores = jnp.concatenate([scores[:, 0, n_rgb:n_rgb + n_nir], scores[:, 0, n_rgb + n_nir:]], axis=1)
    nir_scores = jnp.concatenate([scores[:, 1, :n_rgb], scores[:, 1, n_rgb + n_nir:]], axis=1)
    tir_scores = jnp.concatenate([scores[:, 2, :n_rgb], scores[:, 2, n_rgb:n_rgb + n_nir]], axis=1)
    _, rgb_idx = jax.lax.top_k(rgb_scores, min(K2, rgb_scores.shape[1]))
    _, nir_idx = jax.lax.top_k(nir_scores, min(K2, nir_scores.shape[1]))
    _, tir_idx = jax.lax.top_k(tir_scores, min(K2, tir_scores.shape[1]))

    b = jnp.arange(B)[:, None]

    def split_set(mask_a, mask_b, idx, split, size_a, size_b):
        # indices < split go to mask_a as-is; indices >= split go to mask_b shifted by split.
        # out-of-range sentinel indices are dropped by the scatter.
        pos_a = jnp.where(idx < split, idx, size_a)
        pos_b = jnp.where(idx >= split, idx - split, size_b)
        mask_a = mask_a.at[b, pos_a].set(1.0, mode='drop')
        mask_b = mask_b.at[b, pos_b].set(1.0, mode='drop')
        return mask_a, mask_b

    rgb_mask_c = jnp.zeros((B, n_rgb), rgb_patches.dtype)
    nir_mask_c = jnp.zeros((B, n_nir), nir_patches.dtype)
    tir_mask_c = jnp.zeros((B, n_tir), tir_patches.dtype)
    nir_mask_c, tir_mask_c = split_set(nir_mask_c, tir_mask_c, rgb_idx, n_nir, n_nir, n_tir)
    rgb_mask_c, tir_mask_c = split_set(rgb_mask_c, tir_mask_c, nir_idx, n_rgb, n_rgb, n_tir)
    rgb_mask_c, nir_mask_c = split_set(rgb_mask_c, nir_mask_c, tir_idx, n_rgb, n_rgb, n_nir)

    # ---- intra-modal token selection ----
    rgb_mask_i = _intra_mask(rgb_patches, rgb_global)
    nir_mask_i = _intra_mask(nir_patches, nir_global)
    tir_mask_i = _intra_mask(tir_patches, tir_global)

    rgb_mask = ((rgb_mask_c + rgb_mask_i) > 0).astype(rgb_patches.dtype)[..., None]
    nir_mask = ((nir_mask_c + nir_mask_i) > 0).astype(nir_patches.dtype)[..., None]
    tir_mask = ((tir_mask_c + tir_mask_i) > 0).astype(tir_patches.dtype)[..., None]

    rgb_selected = rgb_patches * rgb_mask
    nir_selected = nir_patches * nir_mask
    tir_selected = tir_patches * tir_mask
    return (rgb_selected, nir_selected, tir_selected)


def reference(rgb_patches, nir_patches, tir_patches, rgb_global, nir_global, tir_global, Wq_w, Wq_b, Wk_w, Wk_b):
    return _forward(rgb_patches, nir_patches, tir_patches, rgb_global, nir_global, tir_global, Wq_w, Wq_b, Wk_w, Wk_b)

if __name__ == "__main__":
    import jax
    _d = setup_inputs()
    print(jax.jit(kernel)(*tuple(_d.values())))

</pallas_src>

<mosaic_0001>
#map = affine_map<(d0, d1) -> (0, 0)>
module attributes {stable_mosaic.version = 14 : i64} {
  func.func @_sc_topk_body(%arg0: i32, %arg1: i32, %arg2: memref<192x1152xf32, #tpu.memory_space<hbm>>, %arg3: memref<192x1152xf32, #tpu.memory_space<hbm>>, %arg4: memref<1152xi32, #tpu.memory_space<vmem>>, %arg5: memref<1152xf32, #tpu.memory_space<vmem>>, %arg6: memref<1168xi32, #tpu.memory_space<vmem>>, %arg7: memref<!tpu.dma_semaphore, #tpu.memory_space<semaphore_mem>>) attributes {dimension_semantics = [#tpu.dimension_semantics<core_parallel>, #tpu.dimension_semantics<subcore_parallel>], iteration_bounds = array<i64: 2, 16>, scalar_prefetch = 0 : i64, scratch_operands = 4 : i64, tpu.core_type = #tpu.core_type<sc_vector_subcore>, window_params = [{transform_indices = #map}, {transform_indices = #map}]} {
    %mul3A = arith.constant 2 : i32
    %mul3A_0 = arith.muli %arg1, %mul3A : i32
    %add3A = arith.addi %mul3A_0, %arg0 : i32
    %broadcast_in_dim3A = arith.constant 1.000000e+00 : f32
    %broadcast_in_dim3A_1 = vector.broadcast %broadcast_in_dim3A : f32 to vector<16xf32>
    %broadcast_in_dim3A_2 = arith.constant 0.000000e+00 : f32
    %broadcast_in_dim3A_3 = vector.broadcast %broadcast_in_dim3A_2 : f32 to vector<16xf32>
    %broadcast_in_dim3A_4 = arith.constant 1 : i32
    %broadcast_in_dim3A_5 = vector.broadcast %broadcast_in_dim3A_4 : i32 to vector<16xi32>
    %broadcast_in_dim3A_6 = arith.constant 0 : i32
    %broadcast_in_dim3A_7 = vector.broadcast %broadcast_in_dim3A_6 : i32 to vector<16xi32>
    %iota3A = tpu.iota {dimensions = array<i32: 0>} : vector<16xi32>
    %scan3A = arith.constant 0 : i32
    %scan3A_8 = arith.constant 0 : i32
    %scan3A_9 = arith.constant 6 : i32
    %scan3A_10 = arith.addi %scan3A_8, %scan3A_9 : i32
    %scan3A_11 = arith.constant 1 : i32
    scf.for %scan3A_13 = %scan3A_8 to %scan3A_10 step %scan3A_11  : i32 {
      %mul3A_14 = arith.constant 32 : i32
      %mul3A_15 = arith.muli %scan3A_13, %mul3A_14 : i32
      %add3A_16 = arith.addi %mul3A_15, %add3A : i32
      %lt3A = arith.constant 96 : i32
      %lt3A_17 = arith.cmpi slt, %add3A_16, %lt3A : i32
      %jit3A = arith.constant 224 : i32
      %jit3A_18 = arith.constant 112 : i32
      %select_n3A = arith.select %lt3A_17, %jit3A, %jit3A_18 : i32
      %jit3A_19 = arith.constant 72 : i32
      %jit3A_20 = arith.constant 36 : i32
      %select_n3A_21 = arith.select %lt3A_17, %jit3A_19, %jit3A_20 : i32
      "tpu.region"() ({
        %run_scoped3A = tpu.sem_alloc : memref<!tpu.dma_semaphore, #tpu.memory_space<semaphore_mem>>
        %dma_start3A = arith.constant 0 : i32
        %dma_start3A_868 = tpu.memref_slice %arg2[%add3A_16, %dma_start3A] : memref<192x1152xf32, #tpu.memory_space<hbm>> -> memref<1x1152xf32, #tpu.memory_space<hbm>>
        %dma_start3A_869 = tpu.memref_squeeze %dma_start3A_868 : memref<1x1152xf32, #tpu.memory_space<hbm>> -> memref<1152xf32, #tpu.memory_space<hbm>>
        %dma_start3A_870 = arith.constant 0 : i32
        %dma_start3A_871 = tpu.memref_slice %arg2[%add3A_16, %dma_start3A_870] : memref<192x1152xf32, #tpu.memory_space<hbm>> -> memref<1x1152xf32, #tpu.memory_space<hbm>>
        %dma_start3A_872 = tpu.memref_squeeze %dma_start3A_871 : memref<1x1152xf32, #tpu.memory_space<hbm>> -> memref<1152xf32, #tpu.memory_space<hbm>>
        tpu.enqueue_dma source(%dma_start3A_872 : memref<1152xf32, #tpu.memory_space<hbm>>) target(%arg5 : memref<1152xf32, #tpu.memory_space<vmem>>) target_semaphore(%run_scoped3A : memref<!tpu.dma_semaphore, #tpu.memory_space<semaphore_mem>>)
        %dma_wait3A = arith.constant 0 : i32
        %dma_wait3A_873 = tpu.memref_slice %arg2[%add3A_16, %dma_wait3A] : memref<192x1152xf32, #tpu.memory_space<hbm>> -> memref<1x1152xf32, #tpu.memory_space<hbm>>
        %dma_wait3A_874 = tpu.memref_squeeze %dma_wait3A_873 : memref<1x1152xf32, #tpu.memory_space<hbm>> -> memref<1152xf32, #tpu.memory_space<hbm>>
        %dma_wait3A_875 = arith.constant 0 : i32
        %dma_wait3A_876 = tpu.memref_slice %arg2[%add3A_16, %dma_wait3A_875] : memref<192x1152xf32, #tpu.memory_space<hbm>> -> memref<1x1152xf32, #tpu.memory_space<hbm>>
        %dma_wait3A_877 = tpu.memref_squeeze %dma_wait3A_876 : memref<1x1152xf32, #tpu.memory_space<hbm>> -> memref<1152xf32, #tpu.memory_space<hbm>>
        tpu.wait_dma2 semaphore(%run_scoped3A : memref<!tpu.dma_semaphore, #tpu.memory_space<semaphore_mem>>) src(%dma_wait3A_877 : memref<1152xf32, #tpu.memory_space<hbm>>) dst(%arg5 : memref<1152xf32, #tpu.memory_space<vmem>>)
        tpu.yield
      }) : () -> ()
      %while3A = arith.constant 0 : i32
      %while3A_22 = arith.constant 0 : i32
      %while3A_23 = arith.subi %select_n3A_21, %while3A_22 : i32
      %while3A_24 = arith.addi %while3A_22, %while3A_23 : i32
      %while3A_25 = arith.constant 1 : i32
      %while3A_26 = arith.divsi %while3A_23, %while3A_25 : i32
      %while3A_27 = arith.muli %while3A_26, %while3A_25 : i32
      %while3A_28 = arith.addi %while3A_22, %while3A_27 : i32
      %while3A_29 = arith.constant 1 : i32
      scf.for %while3A_868 = %while3A_22 to %while3A_28 step %while3A_29  : i32 {
        %mul3A_869 = arith.constant 16 : i32
        %mul3A_870 = arith.muli %while3A_868, %mul3A_869 : i32
        %get3A = arith.index_cast %mul3A_870 : i32 to index
        %get3A_871 = tpu.vector_load %arg5[%get3A] {strides = array<i32>} : memref<1152xf32, #tpu.memory_space<vmem>>, vector<16xf32>,
        %bitcast_convert_type3A = tpu.bitcast %get3A_871 : vector<16xf32> -> vector<16xi32>
        %ge3A_872 = arith.constant -2147483648 : i32
        %ge3A_873 = vector.broadcast %ge3A_872 : i32 to vector<16xi32>
        %ge3A_874 = arith.cmpi uge, %bitcast_convert_type3A, %ge3A_873 : vector<16xi32>
        %xor3A = arith.constant -1 : i32
        %xor3A_875 = vector.broadcast %xor3A : i32 to vector<16xi32>
        %xor3A_876 = arith.xori %bitcast_convert_type3A, %xor3A_875 : vector<16xi32>
        %or3A_877 = arith.constant -2147483648 : i32
        %or3A_878 = vector.broadcast %or3A_877 : i32 to vector<16xi32>
        %or3A_879 = arith.ori %bitcast_convert_type3A, %or3A_878 : vector<16xi32>
        %select_n3A_880 = arith.select %ge3A_874, %xor3A_876, %or3A_879 : vector<16xi1>, vector<16xi32>
        %mul3A_881 = arith.constant 16 : i32
        %mul3A_882 = arith.muli %while3A_868, %mul3A_881 : i32
        %swap3A = arith.index_cast %mul3A_882 : i32 to index
        %swap3A_883 = tpu.vector_load %arg4[%swap3A] {strides = array<i32>} : memref<1152xi32, #tpu.memory_space<vmem>>, vector<16xi32>,
        tpu.vector_store %arg4[%swap3A], %select_n3A_880 {strides = array<i32>} : memref<1152xi32, #tpu.memory_space<vmem>>, vector<16xi32>,
      }
      %while3A_30 = arith.constant 1 : i32
      scf.for %while3A_868 = %while3A_28 to %while3A_24 step %while3A_30  : i32 {
        %mul3A_869 = arith.constant 16 : i32
        %mul3A_870 = arith.muli %while3A_868, %mul3A_869 : i32
        %get3A = arith.index_cast %mul3A_870 : i32 to index
        %get3A_871 = tpu.vector_load %arg5[%get3A] {strides = array<i32>} : memref<1152xf32, #tpu.memory_space<vmem>>, vector<16xf32>,
        %bitcast_convert_type3A = tpu.bitcast %get3A_871 : vector<16xf32> -> vector<16xi32>
        %ge3A_872 = arith.constant -2147483648 : i32
        %ge3A_873 = vector.broadcast %ge3A_872 : i32 to vector<16xi32>
        %ge3A_874 = arith.cmpi uge, %bitcast_convert_type3A, %ge3A_873 : vector<16xi32>
        %xor3A = arith.constant -1 : i32
        %xor3A_875 = vector.broadcast %xor3A : i32 to vector<16xi32>
        %xor3A_876 = arith.xori %bitcast_convert_type3A, %xor3A_875 : vector<16xi32>
        %or3A_877 = arith.constant -2147483648 : i32
        %or3A_878 = vector.broadcast %or3A_877 : i32 to vector<16xi32>
        %or3A_879 = arith.ori %bitcast_convert_type3A, %or3A_878 : vector<16xi32>
        %select_n3A_880 = arith.select %ge3A_874, %xor3A_876, %or3A_879 : vector<16xi1>, vector<16xi32>
        %mul3A_881 = arith.constant 16 : i32
        %mul3A_882 = arith.muli %while3A_868, %mul3A_881 : i32
        %swap3A = arith.index_cast %mul3A_882 : i32 to index
        %swap3A_883 = tpu.vector_load %arg4[%swap3A] {strides = array<i32>} : memref<1152xi32, #tpu.memory_space<vmem>>, vector<16xi32>,
        tpu.vector_store %arg4[%swap3A], %select_n3A_880 {strides = array<i32>} : memref<1152xi32, #tpu.memory_space<vmem>>, vector<16xi32>,
      }
      %shift_right_logical3A = arith.constant -2147483648 : i32
      %shift_right_logical3A_31 = arith.constant 0 : i32
      %shift_right_logical3A_32 = arith.shrui %shift_right_logical3A, %shift_right_logical3A_31 : i32
      %or3A = arith.constant 0 : i32
      %or3A_33 = arith.ori %or3A, %shift_right_logical3A_32 : i32
      %broadcast_in_dim3A_34 = vector.broadcast %or3A_33 : i32 to vector<16xi32>
      %while3A_35 = arith.constant 0 : i32
      %while3A_36 = arith.subi %select_n3A_21, %while3A_35 : i32
      %while3A_37 = arith.addi %while3A_35, %while3A_36 : i32
      %while3A_38 = arith.constant 1 : i32
      %while3A_39 = arith.divsi %while3A_36, %while3A_38 : i32
      %while3A_40 = arith.muli %while3A_39, %while3A_38 : i32
      %while3A_41 = arith.addi %while3A_35, %while3A_40 : i32
      %while3A_42 = arith.constant 1 : i32
      %while3A_43 = scf.for %while3A_868 = %while3A_35 to %while3A_41 step %while3A_42 iter_args(%while3A_869 = %broadcast_in_dim3A_7) -> (vector<16xi32>)  : i32 {
        %mul3A_870 = arith.constant 16 : i32
        %mul3A_871 = arith.muli %while3A_868, %mul3A_870 : i32
        %get3A = arith.index_cast %mul3A_871 : i32 to index
        %get3A_872 = tpu.vector_load %arg4[%get3A] {strides = array<i32>} : memref<1152xi32, #tpu.memory_space<vmem>>, vector<16xi32>,
        %ge3A_873 = arith.cmpi uge, %get3A_872, %broadcast_in_dim3A_34 : vector<16xi32>
        %select_n3A_874 = arith.select %ge3A_873, %broadcast_in_dim3A_5, %broadcast_in_dim3A_7 : vector<16xi1>, vector<16xi32>
        %add3A_875 = arith.addi %while3A_869, %select_n3A_874 : vector<16xi32>
        scf.yield %add3A_875 : vector<16xi32>
      }
      %while3A_44 = arith.constant 1 : i32
      %while3A_45 = scf.for %while3A_868 = %while3A_41 to %while3A_37 step %while3A_44 iter_args(%while3A_869 = %while3A_43) -> (vector<16xi32>)  : i32 {
        %mul3A_870 = arith.constant 16 : i32
        %mul3A_871 = arith.muli %while3A_868, %mul3A_870 : i32
        %get3A = arith.index_cast %mul3A_871 : i32 to index
        %get3A_872 = tpu.vector_load %arg4[%get3A] {strides = array<i32>} : memref<1152xi32, #tpu.memory_space<vmem>>, vector<16xi32>,
        %ge3A_873 = arith.cmpi uge, %get3A_872, %broadcast_in_dim3A_34 : vector<16xi32>
        %select_n3A_874 = arith.select %ge3A_873, %broadcast_in_dim3A_5, %broadcast_in_dim3A_7 : vector<16xi1>, vector<16xi32>
        %add3A_875 = arith.addi %while3A_869, %select_n3A_874 : vector<16xi32>
        scf.yield %add3A_875 : vector<16xi32>
      }
      %reduce_sum3A = arith.constant true
      %reduce_sum3A_46 = vector.broadcast %reduce_sum3A : i1 to vector<16xi1>
      %reduce_sum3A_47 = tpu.scan <sum>, %while3A_45 masked %reduce_sum3A_46 : vector<16xi32>, vector<16xi1> -> vector<16xi32>
      %reduce_sum3A_48 = vector.extract %reduce_sum3A_47[15] : i32 from vector<16xi32>
      %ge3A = arith.cmpi sge, %reduce_sum3A_48, %select_n3A : i32
      %jit3A_49 = arith.constant 0 : i32
      %select_n3A_50 = arith.select %ge3A, %or3A_33, %jit3A_49 : i32
      %shift_right_logical3A_51 = arith.constant -2147483648 : i32
      %shift_right_logical3A_52 = arith.constant 1 : i32
      %shift_right_logical3A_53 = arith.shrui %shift_right_logical3A_51, %shift_right_logical3A_52 : i32
      %or3A_54 = arith.ori %select_n3A_50, %shift_right_logical3A_53 : i32
      %broadcast_in_dim3A_55 = vector.broadcast %or3A_54 : i32 to vector<16xi32>
      %while3A_56 = arith.constant 0 : i32
      %while3A_57 = arith.subi %select_n3A_21, %while3A_56 : i32
      %while3A_58 = arith.addi %while3A_56, %while3A_57 : i32
      %while3A_59 = arith.constant 1 : i32
      %while3A_60 = arith.divsi %while3A_57, %while3A_59 : i32
      %while3A_61 = arith.muli %while3A_60, %while3A_59 : i32
      %while3A_62 = arith.addi %while3A_56, %while3A_61 : i32
      %while3A_63 = arith.constant 1 : i32
      %while3A_64 = scf.for %while3A_868 = %while3A_56 to %while3A_62 step %while3A_63 iter_args(%while3A_869 = %broadcast_in_dim3A_7) -> (vector<16xi32>)  : i32 {
        %mul3A_870 = arith.constant 16 : i32
        %mul3A_871 = arith.muli %while3A_868, %mul3A_870 : i32
        %get3A = arith.index_cast %mul3A_871 : i32 to index
        %get3A_872 = tpu.vector_load %arg4[%get3A] {strides = array<i32>} : memref<1152xi32, #tpu.memory_space<vmem>>, vector<16xi32>,
        %ge3A_873 = arith.cmpi uge, %get3A_872, %broadcast_in_dim3A_55 : vector<16xi32>
        %select_n3A_874 = arith.select %ge3A_873, %broadcast_in_dim3A_5, %broadcast_in_dim3A_7 : vector<16xi1>, vector<16xi32>
        %add3A_875 = arith.addi %while3A_869, %select_n3A_874 : vector<16xi32>
        scf.yield %add3A_875 : vector<16xi32>
      }
      %while3A_65 = arith.constant 1 : i32
      %while3A_66 = scf.for %while3A_868 = %while3A_62 to %while3A_58 step %while3A_65 iter_args(%while3A_869 = %while3A_64) -> (vector<16xi32>)  : i32 {
        %mul3A_870 = arith.constant 16 : i32
        %mul3A_871 = arith.muli %while3A_868, %mul3A_870 : i32
        %get3A = arith.index_cast %mul3A_871 : i32 to index
        %get3A_872 = tpu.vector_load %arg4[%get3A] {strides = array<i32>} : memref<1152xi32, #tpu.memory_space<vmem>>, vector<16xi32>,
        %ge3A_873 = arith.cmpi uge, %get3A_872, %broadcast_in_dim3A_55 : vector<16xi32>
        %select_n3A_874 = arith.select %ge3A_873, %broadcast_in_dim3A_5, %broadcast_in_dim3A_7 : vector<16xi1>, vector<16xi32>
        %add3A_875 = arith.addi %while3A_869, %select_n3A_874 : vector<16xi32>
        scf.yield %add3A_875 : vector<16xi32>
      }
      %reduce_sum3A_67 = arith.constant true
      %reduce_sum3A_68 = vector.broadcast %reduce_sum3A_67 : i1 to vector<16xi1>
      %reduce_sum3A_69 = tpu.scan <sum>, %while3A_66 masked %reduce_sum3A_68 : vector<16xi32>, vector<16xi1> -> vector<16xi32>
      %reduce_sum3A_70 = vector.extract %reduce_sum3A_69[15] : i32 from vector<16xi32>
      %ge3A_71 = arith.cmpi sge, %reduce_sum3A_70, %select_n3A : i32
      %select_n3A_72 = arith.select %ge3A_71, %or3A_54, %select_n3A_50 : i32
      %shift_right_logical3A_73 = arith.constant -2147483648 : i32
      %shift_right_logical3A_74 = arith.constant 2 : i32
      %shift_right_logical3A_75 = arith.shrui %shift_right_logical3A_73, %shift_right_logical3A_74 : i32
      %or3A_76 = arith.ori %select_n3A_72, %shift_right_logical3A_75 : i32
      %broadcast_in_dim3A_77 = vector.broadcast %or3A_76 : i32 to vector<16xi32>
      %while3A_78 = arith.constant 0 : i32
      %while3A_79 = arith.subi %select_n3A_21, %while3A_78 : i32
      %while3A_80 = arith.addi %while3A_78, %while3A_79 : i32
      %while3A_81 = arith.constant 1 : i32
      %while3A_82 = arith.divsi %while3A_79, %while3A_81 : i32
      %while3A_83 = arith.muli %while3A_82, %while3A_81 : i32
      %while3A_84 = arith.addi %while3A_78, %while3A_83 : i32
      %while3A_85 = arith.constant 1 : i32
      %while3A_86 = scf.for %while3A_868 = %while3A_78 to %while3A_84 step %while3A_85 iter_args(%while3A_869 = %broadcast_in_dim3A_7) -> (vector<16xi32>)  : i32 {
        %mul3A_870 = arith.constant 16 : i32
        %mul3A_871 = arith.muli %while3A_868, %mul3A_870 : i32
        %get3A = arith.index_cast %mul3A_871 : i32 to index
        %get3A_872 = tpu.vector_load %arg4[%get3A] {strides = array<i32>} : memref<1152xi32, #tpu.memory_space<vmem>>, vector<16xi32>,
        %ge3A_873 = arith.cmpi uge, %get3A_872, %broadcast_in_dim3A_77 : vector<16xi32>
        %select_n3A_874 = arith.select %ge3A_873, %broadcast_in_dim3A_5, %broadcast_in_dim3A_7 : vector<16xi1>, vector<16xi32>
        %add3A_875 = arith.addi %while3A_869, %select_n3A_874 : vector<16xi32>
        scf.yield %add3A_875 : vector<16xi32>
      }
      %while3A_87 = arith.constant 1 : i32
      %while3A_88 = scf.for %while3A_868 = %while3A_84 to %while3A_80 step %while3A_87 iter_args(%while3A_869 = %while3A_86) -> (vector<16xi32>)  : i32 {
        %mul3A_870 = arith.constant 16 : i32
        %mul3A_871 = arith.muli %while3A_868, %mul3A_870 : i32
        %get3A = arith.index_cast %mul3A_871 : i32 to index
        %get3A_872 = tpu.vector_load %arg4[%get3A] {strides = array<i32>} : memref<1152xi32, #tpu.memory_space<vmem>>, vector<16xi32>,
        %ge3A_873 = arith.cmpi uge, %get3A_872, %broadcast_in_dim3A_77 : vector<16xi32>
        %select_n3A_874 = arith.select %ge3A_873, %broadcast_in_dim3A_5, %broadcast_in_dim3A_7 : vector<16xi1>, vector<16xi32>
        %add3A_875 = arith.addi %while3A_869, %select_n3A_874 : vector<16xi32>
        scf.yield %add3A_875 : vector<16xi32>
      }
      %reduce_sum3A_89 = arith.constant true
      %reduce_sum3A_90 = vector.broadcast %reduce_sum3A_89 : i1 to vector<16xi1>
      %reduce_sum3A_91 = tpu.scan <sum>, %while3A_88 masked %reduce_sum3A_90 : vector<16xi32>, vector<16xi1> -> vector<16xi32>
      %reduce_sum3A_92 = vector.extract %reduce_sum3A_91[15] : i32 from vector<16xi32>
      %ge3A_93 = arith.cmpi sge, %reduce_sum3A_92, %select_n3A : i32
      %select_n3A_94 = arith.select %ge3A_93, %or3A_76, %select_n3A_72 : i32
      %shift_right_logical3A_95 = arith.constant -2147483648 : i32
      %shift_right_logical3A_96 = arith.constant 3 : i32
      %shift_right_logical3A_97 = arith.shrui %shift_right_logical3A_95, %shift_right_logical3A_96 : i32
      %or3A_98 = arith.ori %select_n3A_94, %shift_right_logical3A_97 : i32
      %broadcast_in_dim3A_99 = vector.broadcast %or3A_98 : i32 to vector<16xi32>
      %while3A_100 = arith.constant 0 : i32
      %while3A_101 = arith.subi %select_n3A_21, %while3A_100 : i32
      %while3A_102 = arith.addi %while3A_100, %while3A_101 : i32
      %while3A_103 = arith.constant 1 : i32
      %while3A_104 = arith.divsi %while3A_101, %while3A_103 : i32
      %while3A_105 = arith.muli %while3A_104, %while3A_103 : i32
      %while3A_106 = arith.addi %while3A_100, %while3A_105 : i32
      %while3A_107 = arith.constant 1 : i32
      %while3A_108 = scf.for %while3A_868 = %while3A_100 to %while3A_106 step %while3A_107 iter_args(%while3A_869 = %broadcast_in_dim3A_7) -> (vector<16xi32>)  : i32 {
        %mul3A_870 = arith.constant 16 : i32
        %mul3A_871 = arith.muli %while3A_868, %mul3A_870 : i32
        %get3A = arith.index_cast %mul3A_871 : i32 to index
        %get3A_872 = tpu.vector_load %arg4[%get3A] {strides = array<i32>} : memref<1152xi32, #tpu.memory_space<vmem>>, vector<16xi32>,
        %ge3A_873 = arith.cmpi uge, %get3A_872, %broadcast_in_dim3A_99 : vector<16xi32>
        %select_n3A_874 = arith.select %ge3A_873, %broadcast_in_dim3A_5, %broadcast_in_dim3A_7 : vector<16xi1>, vector<16xi32>
        %add3A_875 = arith.addi %while3A_869, %select_n3A_874 : vector<16xi32>
        scf.yield %add3A_875 : vector<16xi32>
      }
      %while3A_109 = arith.constant 1 : i32
      %while3A_110 = scf.for %while3A_868 = %while3A_106 to %while3A_102 step %while3A_109 iter_args(%while3A_869 = %while3A_108) -> (vector<16xi32>)  : i32 {
        %mul3A_870 = arith.constant 16 : i32
        %mul3A_871 = arith.muli %while3A_868, %mul3A_870 : i32
        %get3A = arith.index_cast %mul3A_871 : i32 to index
        %get3A_872 = tpu.vector_load %arg4[%get3A] {strides = array<i32>} : memref<1152xi32, #tpu.memory_space<vmem>>, vector<16xi32>,
        %ge3A_873 = arith.cmpi uge, %get3A_872, %broadcast_in_dim3A_99 : vector<16xi32>
        %select_n3A_874 = arith.select %ge3A_873, %broadcast_in_dim3A_5, %broadcast_in_dim3A_7 : vector<16xi1>, vector<16xi32>
        %add3A_875 = arith.addi %while3A_869, %select_n3A_874 : vector<16xi32>
        scf.yield %add3A_875 : vector<16xi32>
      }
      %reduce_sum3A_111 = arith.constant true
      %reduce_sum3A_112 = vector.broadcast %reduce_sum3A_111 : i1 to vector<16xi1>
      %reduce_sum3A_113 = tpu.scan <sum>, %while3A_110 masked %reduce_sum3A_112 : vector<16xi32>, vector<16xi1> -> vector<16xi32>
      %reduce_sum3A_114 = vector.extract %reduce_sum3A_113[15] : i32 from vector<16xi32>
      %ge3A_115 = arith.cmpi sge, %reduce_sum3A_114, %select_n3A : i32
      %select_n3A_116 = arith.select %ge3A_115, %or3A_98, %select_n3A_94 : i32
      %shift_right_logical3A_117 = arith.constant -2147483648 : i32
      %shift_right_logical3A_118 = arith.constant 4 : i32
      %shift_right_logical3A_119 = arith.shrui %shift_right_logical3A_117, %shift_right_logical3A_118 : i32
      %or3A_120 = arith.ori %select_n3A_116, %shift_right_logical3A_119 : i32
      %broadcast_in_dim3A_121 = vector.broadcast %or3A_120 : i32 to vector<16xi32>
      %while3A_122 = arith.constant 0 : i32
      %while3A_123 = arith.subi %select_n3A_21, %while3A_122 : i32
      %while3A_124 = arith.addi %while3A_122, %while3A_123 : i32
      %while3A_125 = arith.constant 1 : i32
      %while3A_126 = arith.divsi %while3A_123, %while3A_125 : i32
      %while3A_127 = arith.muli %while3A_126, %while3A_125 : i32
      %while3A_128 = arith.addi %while3A_122, %while3A_127 : i32
      %while3A_129 = arith.constant 1 : i32
      %while3A_130 = scf.for %while3A_868 = %while3A_122 to %while3A_128 step %while3A_129 iter_args(%while3A_869 = %broadcast_in_dim3A_7) -> (vector<16xi32>)  : i32 {
        %mul3A_870 = arith.constant 16 : i32
        %mul3A_871 = arith.muli %while3A_868, %mul3A_870 : i32
        %get3A = arith.index_cast %mul3A_871 : i32 to index
        %get3A_872 = tpu.vector_load %arg4[%get3A] {strides = array<i32>} : memref<1152xi32, #tpu.memory_space<vmem>>, vector<16xi32>,
        %ge3A_873 = arith.cmpi uge, %get3A_872, %broadcast_in_dim3A_121 : vector<16xi32>
        %select_n3A_874 = arith.select %ge3A_873, %broadcast_in_dim3A_5, %broadcast_in_dim3A_7 : vector<16xi1>, vector<16xi32>
        %add3A_875 = arith.addi %while3A_869, %select_n3A_874 : vector<16xi32>
        scf.yield %add3A_875 : vector<16xi32>
      }
      %while3A_131 = arith.constant 1 : i32
      %while3A_132 = scf.for %while3A_868 = %while3A_128 to %while3A_124 step %while3A_131 iter_args(%while3A_869 = %while3A_130) -> (vector<16xi32>)  : i32 {
        %mul3A_870 = arith.constant 16 : i32
        %mul3A_871 = arith.muli %while3A_868, %mul3A_870 : i32
        %get3A = arith.index_cast %mul3A_871 : i32 to index
        %get3A_872 = tpu.vector_load %arg4[%get3A] {strides = array<i32>} : memref<1152xi32, #tpu.memory_space<vmem>>, vector<16xi32>,
        %ge3A_873 = arith.cmpi uge, %get3A_872, %broadcast_in_dim3A_121 : vector<16xi32>
        %select_n3A_874 = arith.select %ge3A_873, %broadcast_in_dim3A_5, %broadcast_in_dim3A_7 : vector<16xi1>, vector<16xi32>
        %add3A_875 = arith.addi %while3A_869, %select_n3A_874 : vector<16xi32>
        scf.yield %add3A_875 : vector<16xi32>
      }
      %reduce_sum3A_133 = arith.constant true
      %reduce_sum3A_134 = vector.broadcast %reduce_sum3A_133 : i1 to vector<16xi1>
      %reduce_sum3A_135 = tpu.scan <sum>, %while3A_132 masked %reduce_sum3A_134 : vector<16xi32>, vector<16xi1> -> vector<16xi32>
      %reduce_sum3A_136 = vector.extract %reduce_sum3A_135[15] : i32 from vector<16xi32>
      %ge3A_137 = arith.cmpi sge, %reduce_sum3A_136, %select_n3A : i32
      %select_n3A_138 = arith.select %ge3A_137, %or3A_120, %select_n3A_116 : i32
      %shift_right_logical3A_139 = arith.constant -2147483648 : i32
      %shift_right_logical3A_140 = arith.constant 5 : i32
      %shift_right_logical3A_141 = arith.shrui %shift_right_logical3A_139, %shift_right_logical3A_140 : i32
      %or3A_142 = arith.ori %select_n3A_138, %shift_right_logical3A_141 : i32
      %broadcast_in_dim3A_143 = vector.broadcast %or3A_142 : i32 to vector<16xi32>
      %while3A_144 = arith.constant 0 : i32
      %while3A_145 = arith.subi %select_n3A_21, %while3A_144 : i32
      %while3A_146 = arith.addi %while3A_144, %while3A_145 : i32
      %while3A_147 = arith.constant 1 : i32
      %while3A_148 = arith.divsi %while3A_145, %while3A_147 : i32
      %while3A_149 = arith.muli %while3A_148, %while3A_147 : i32
      %while3A_150 = arith.addi %while3A_144, %while3A_149 : i32
      %while3A_151 = arith.constant 1 : i32
      %while3A_152 = scf.for %while3A_868 = %while3A_144 to %while3A_150 step %while3A_151 iter_args(%while3A_869 = %broadcast_in_dim3A_7) -> (vector<16xi32>)  : i32 {
        %mul3A_870 = arith.constant 16 : i32
        %mul3A_871 = arith.muli %while3A_868, %mul3A_870 : i32
        %get3A = arith.index_cast %mul3A_871 : i32 to index
        %get3A_872 = tpu.vector_load %arg4[%get3A] {strides = array<i32>} : memref<1152xi32, #tpu.memory_space<vmem>>, vector<16xi32>,
        %ge3A_873 = arith.cmpi uge, %get3A_872, %broadcast_in_dim3A_143 : vector<16xi32>
        %select_n3A_874 = arith.select %ge3A_873, %broadcast_in_dim3A_5, %broadcast_in_dim3A_7 : vector<16xi1>, vector<16xi32>
        %add3A_875 = arith.addi %while3A_869, %select_n3A_874 : vector<16xi32>
        scf.yield %add3A_875 : vector<16xi32>
      }
      %while3A_153 = arith.constant 1 : i32
      %while3A_154 = scf.for %while3A_868 = %while3A_150 to %while3A_146 step %while3A_153 iter_args(%while3A_869 = %while3A_152) -> (vector<16xi32>)  : i32 {
        %mul3A_870 = arith.constant 16 : i32
        %mul3A_871 = arith.muli %while3A_868, %mul3A_870 : i32
        %get3A = arith.index_cast %mul3A_871 : i32 to index
        %get3A_872 = tpu.vector_load %arg4[%get3A] {strides = array<i32>} : memref<1152xi32, #tpu.memory_space<vmem>>, vector<16xi32>,
        %ge3A_873 = arith.cmpi uge, %get3A_872, %broadcast_in_dim3A_143 : vector<16xi32>
        %select_n3A_874 = arith.select %ge3A_873, %broadcast_in_dim3A_5, %broadcast_in_dim3A_7 : vector<16xi1>, vector<16xi32>
        %add3A_875 = arith.addi %while3A_869, %select_n3A_874 : vector<16xi32>
        scf.yield %add3A_875 : vector<16xi32>
      }
      %reduce_sum3A_155 = arith.constant true
      %reduce_sum3A_156 = vector.broadcast %reduce_sum3A_155 : i1 to vector<16xi1>
      %reduce_sum3A_157 = tpu.scan <sum>, %while3A_154 masked %reduce_sum3A_156 : vector<16xi32>, vector<16xi1> -> vector<16xi32>
      %reduce_sum3A_158 = vector.extract %reduce_sum3A_157[15] : i32 from vector<16xi32>
      %ge3A_159 = arith.cmpi sge, %reduce_sum3A_158, %select_n3A : i32
      %select_n3A_160 = arith.select %ge3A_159, %or3A_142, %select_n3A_138 : i32
      %shift_right_logical3A_161 = arith.constant -2147483648 : i32
      %shift_right_logical3A_162 = arith.constant 6 : i32
      %shift_right_logical3A_163 = arith.shrui %shift_right_logical3A_161, %shift_right_logical3A_162 : i32
      %or3A_164 = arith.ori %select_n3A_160, %shift_right_logical3A_163 : i32
      %broadcast_in_dim3A_165 = vector.broadcast %or3A_164 : i32 to vector<16xi32>
      %while3A_166 = arith.constant 0 : i32
      %while3A_167 = arith.subi %select_n3A_21, %while3A_166 : i32
      %while3A_168 = arith.addi %while3A_166, %while3A_167 : i32
      %while3A_169 = arith.constant 1 : i32
      %while3A_170 = arith.divsi %while3A_167, %while3A_169 : i32
      %while3A_171 = arith.muli %while3A_170, %while3A_169 : i32
      %while3A_172 = arith.addi %while3A_166, %while3A_171 : i32
      %while3A_173 = arith.constant 1 : i32
      %while3A_174 = scf.for %while3A_868 = %while3A_166 to %while3A_172 step %while3A_173 iter_args(%while3A_869 = %broadcast_in_dim3A_7) -> (vector<16xi32>)  : i32 {
        %mul3A_870 = arith.constant 16 : i32
        %mul3A_871 = arith.muli %while3A_868, %mul3A_870 : i32
        %get3A = arith.index_cast %mul3A_871 : i32 to index
        %get3A_872 = tpu.vector_load %arg4[%get3A] {strides = array<i32>} : memref<1152xi32, #tpu.memory_space<vmem>>, vector<16xi32>,
        %ge3A_873 = arith.cmpi uge, %get3A_872, %broadcast_in_dim3A_165 : vector<16xi32>
        %select_n3A_874 = arith.select %ge3A_873, %broadcast_in_dim3A_5, %broadcast_in_dim3A_7 : vector<16xi1>, vector<16xi32>
        %add3A_875 = arith.addi %while3A_869, %select_n3A_874 : vector<16xi32>
        scf.yield %add3A_875 : vector<16xi32>
      }
      %while3A_175 = arith.constant 1 : i32
      %while3A_176 = scf.for %while3A_868 = %while3A_172 to %while3A_168 step %while3A_175 iter_args(%while3A_869 = %while3A_174) -> (vector<16xi32>)  : i32 {
        %mul3A_870 = arith.constant 16 : i32
        %mul3A_871 = arith.muli %while3A_868, %mul3A_870 : i32
        %get3A = arith.index_cast %mul3A_871 : i32 to index
        %get3A_872 = tpu.vector_load %arg4[%get3A] {strides = array<i32>} : memref<1152xi32, #tpu.memory_space<vmem>>, vector<16xi32>,
        %ge3A_873 = arith.cmpi uge, %get3A_872, %broadcast_in_dim3A_165 : vector<16xi32>
        %select_n3A_874 = arith.select %ge3A_873, %broadcast_in_dim3A_5, %broadcast_in_dim3A_7 : vector<16xi1>, vector<16xi32>
        %add3A_875 = arith.addi %while3A_869, %select_n3A_874 : vector<16xi32>
        scf.yield %add3A_875 : vector<16xi32>
      }
      %reduce_sum3A_177 = arith.constant true
      %reduce_sum3A_178 = vector.broadcast %reduce_sum3A_177 : i1 to vector<16xi1>
      %reduce_sum3A_179 = tpu.scan <sum>, %while3A_176 masked %reduce_sum3A_178 : vector<16xi32>, vector<16xi1> -> vector<16xi32>
      %reduce_sum3A_180 = vector.extract %reduce_sum3A_179[15] : i32 from vector<16xi32>
      %ge3A_181 = arith.cmpi sge, %reduce_sum3A_180, %select_n3A : i32
      %select_n3A_182 = arith.select %ge3A_181, %or3A_164, %select_n3A_160 : i32
      %shift_right_logical3A_183 = arith.constant -2147483648 : i32
      %shift_right_logical3A_184 = arith.constant 7 : i32
      %shift_right_logical3A_185 = arith.shrui %shift_right_logical3A_183, %shift_right_logical3A_184 : i32
      %or3A_186 = arith.ori %select_n3A_182, %shift_right_logical3A_185 : i32
      %broadcast_in_dim3A_187 = vector.broadcast %or3A_186 : i32 to vector<16xi32>
      %while3A_188 = arith.constant 0 : i32
      %while3A_189 = arith.subi %select_n3A_21, %while3A_188 : i32
      %while3A_190 = arith.addi %while3A_188, %while3A_189 : i32
      %while3A_191 = arith.constant 1 : i32
      %while3A_192 = arith.divsi %while3A_189, %while3A_191 : i32
      %while3A_193 = arith.muli %while3A_192, %while3A_191 : i32
      %while3A_194 = arith.addi %while3A_188, %while3A_193 : i32
      %while3A_195 = arith.constant 1 : i32
      %while3A_196 = scf.for %while3A_868 = %while3A_188 to %while3A_194 step %while3A_195 iter_args(%while3A_869 = %broadcast_in_dim3A_7) -> (vector<16xi32>)  : i32 {
        %mul3A_870 = arith.constant 16 : i32
        %mul3A_871 = arith.muli %while3A_868, %mul3A_870 : i32
        %get3A = arith.index_cast %mul3A_871 : i32 to index
        %get3A_872 = tpu.vector_load %arg4[%get3A] {strides = array<i32>} : memref<1152xi32, #tpu.memory_space<vmem>>, vector<16xi32>,
        %ge3A_873 = arith.cmpi uge, %get3A_872, %broadcast_in_dim3A_187 : vector<16xi32>
        %select_n3A_874 = arith.select %ge3A_873, %broadcast_in_dim3A_5, %broadcast_in_dim3A_7 : vector<16xi1>, vector<16xi32>
        %add3A_875 = arith.addi %while3A_869, %select_n3A_874 : vector<16xi32>
        scf.yield %add3A_875 : vector<16xi32>
      }
      %while3A_197 = arith.constant 1 : i32
      %while3A_198 = scf.for %while3A_868 = %while3A_194 to %while3A_190 step %while3A_197 iter_args(%while3A_869 = %while3A_196) -> (vector<16xi32>)  : i32 {
        %mul3A_870 = arith.constant 16 : i32
        %mul3A_871 = arith.muli %while3A_868, %mul3A_870 : i32
        %get3A = arith.index_cast %mul3A_871 : i32 to index
        %get3A_872 = tpu.vector_load %arg4[%get3A] {strides = array<i32>} : memref<1152xi32, #tpu.memory_space<vmem>>, vector<16xi32>,
        %ge3A_873 = arith.cmpi uge, %get3A_872, %broadcast_in_dim3A_187 : vector<16xi32>
        %select_n3A_874 = arith.select %ge3A_873, %broadcast_in_dim3A_5, %broadcast_in_dim3A_7 : vector<16xi1>, vector<16xi32>
        %add3A_875 = arith.addi %while3A_869, %select_n3A_874 : vector<16xi32>
        scf.yield %add3A_875 : vector<16xi32>
      }
      %reduce_sum3A_199 = arith.constant true
      %reduce_sum3A_200 = vector.broadcast %reduce_sum3A_199 : i1 to vector<16xi1>
      %reduce_sum3A_201 = tpu.scan <sum>, %while3A_198 masked %reduce_sum3A_200 : vector<16xi32>, vector<16xi1> -> vector<16xi32>
      %reduce_sum3A_202 = vector.extract %reduce_sum3A_201[15] : i32 from vector<16xi32>
      %ge3A_203 = arith.cmpi sge, %reduce_sum3A_202, %select_n3A : i32
      %select_n3A_204 = arith.select %ge3A_203, %or3A_186, %select_n3A_182 : i32
      %shift_right_logical3A_205 = arith.constant -2147483648 : i32
      %shift_right_logical3A_206 = arith.constant 8 : i32
      %shift_right_logical3A_207 = arith.shrui %shift_right_logical3A_205, %shift_right_logical3A_206 : i32
      %or3A_208 = arith.ori %select_n3A_204, %shift_right_logical3A_207 : i32
      %broadcast_in_dim3A_209 = vector.broadcast %or3A_208 : i32 to vector<16xi32>
      %while3A_210 = arith.constant 0 : i32
      %while3A_211 = arith.subi %select_n3A_21, %while3A_210 : i32
      %while3A_212 = arith.addi %while3A_210, %while3A_211 : i32
      %while3A_213 = arith.constant 1 : i32
      %while3A_214 = arith.divsi %while3A_211, %while3A_213 : i32
      %while3A_215 = arith.muli %while3A_214, %while3A_213 : i32
      %while3A_216 = arith.addi %while3A_210, %while3A_215 : i32
      %while3A_217 = arith.constant 1 : i32
      %while3A_218 = scf.for %while3A_868 = %while3A_210 to %while3A_216 step %while3A_217 iter_args(%while3A_869 = %broadcast_in_dim3A_7) -> (vector<16xi32>)  : i32 {
        %mul3A_870 = arith.constant 16 : i32
        %mul3A_871 = arith.muli %while3A_868, %mul3A_870 : i32
        %get3A = arith.index_cast %mul3A_871 : i32 to index
        %get3A_872 = tpu.vector_load %arg4[%get3A] {strides = array<i32>} : memref<1152xi32, #tpu.memory_space<vmem>>, vector<16xi32>,
        %ge3A_873 = arith.cmpi uge, %get3A_872, %broadcast_in_dim3A_209 : vector<16xi32>
        %select_n3A_874 = arith.select %ge3A_873, %broadcast_in_dim3A_5, %broadcast_in_dim3A_7 : vector<16xi1>, vector<16xi32>
        %add3A_875 = arith.addi %while3A_869, %select_n3A_874 : vector<16xi32>
        scf.yield %add3A_875 : vector<16xi32>
      }
      %while3A_219 = arith.constant 1 : i32
      %while3A_220 = scf.for %while3A_868 = %while3A_216 to %while3A_212 step %while3A_219 iter_args(%while3A_869 = %while3A_218) -> (vector<16xi32>)  : i32 {
        %mul3A_870 = arith.constant 16 : i32
        %mul3A_871 = arith.muli %while3A_868, %mul3A_870 : i32
        %get3A = arith.index_cast %mul3A_871 : i32 to index
        %get3A_872 = tpu.vector_load %arg4[%get3A] {strides = array<i32>} : memref<1152xi32, #tpu.memory_space<vmem>>, vector<16xi32>,
        %ge3A_873 = arith.cmpi uge, %get3A_872, %broadcast_in_dim3A_209 : vector<16xi32>
        %select_n3A_874 = arith.select %ge3A_873, %broadcast_in_dim3A_5, %broadcast_in_dim3A_7 : vector<16xi1>, vector<16xi32>
        %add3A_875 = arith.addi %while3A_869, %select_n3A_874 : vector<16xi32>
        scf.yield %add3A_875 : vector<16xi32>
      }
      %reduce_sum3A_221 = arith.constant true
      %reduce_sum3A_222 = vector.broadcast %reduce_sum3A_221 : i1 to vector<16xi1>
      %reduce_sum3A_223 = tpu.scan <sum>, %while3A_220 masked %reduce_sum3A_222 : vector<16xi32>, vector<16xi1> -> vector<16xi32>
      %reduce_sum3A_224 = vector.extract %reduce_sum3A_223[15] : i32 from vector<16xi32>
      %ge3A_225 = arith.cmpi sge, %reduce_sum3A_224, %select_n3A : i32
      %select_n3A_226 = arith.select %ge3A_225, %or3A_208, %select_n3A_204 : i32
      %shift_right_logical3A_227 = arith.constant -2147483648 : i32
      %shift_right_logical3A_228 = arith.constant 9 : i32
      %shift_right_logical3A_229 = arith.shrui %shift_right_logical3A_227, %shift_right_logical3A_228 : i32
      %or3A_230 = arith.ori %select_n3A_226, %shift_right_logical3A_229 : i32
      %broadcast_in_dim3A_231 = vector.broadcast %or3A_230 : i32 to vector<16xi32>
      %while3A_232 = arith.constant 0 : i32
      %while3A_233 = arith.subi %select_n3A_21, %while3A_232 : i32
      %while3A_234 = arith.addi %while3A_232, %while3A_233 : i32
      %while3A_235 = arith.constant 1 : i32
      %while3A_236 = arith.divsi %while3A_233, %while3A_235 : i32
      %while3A_237 = arith.muli %while3A_236, %while3A_235 : i32
      %while3A_238 = arith.addi %while3A_232, %while3A_237 : i32
      %while3A_239 = arith.constant 1 : i32
      %while3A_240 = scf.for %while3A_868 = %while3A_232 to %while3A_238 step %while3A_239 iter_args(%while3A_869 = %broadcast_in_dim3A_7) -> (vector<16xi32>)  : i32 {
        %mul3A_870 = arith.constant 16 : i32
        %mul3A_871 = arith.muli %while3A_868, %mul3A_870 : i32
        %get3A = arith.index_cast %mul3A_871 : i32 to index
        %get3A_872 = tpu.vector_load %arg4[%get3A] {strides = array<i32>} : memref<1152xi32, #tpu.memory_space<vmem>>, vector<16xi32>,
        %ge3A_873 = arith.cmpi uge, %get3A_872, %broadcast_in_dim3A_231 : vector<16xi32>
        %select_n3A_874 = arith.select %ge3A_873, %broadcast_in_dim3A_5, %broadcast_in_dim3A_7 : vector<16xi1>, vector<16xi32>
        %add3A_875 = arith.addi %while3A_869, %select_n3A_874 : vector<16xi32>
        scf.yield %add3A_875 : vector<16xi32>
      }
      %while3A_241 = arith.constant 1 : i32
      %while3A_242 = scf.for %while3A_868 = %while3A_238 to %while3A_234 step %while3A_241 iter_args(%while3A_869 = %while3A_240) -> (vector<16xi32>)  : i32 {
        %mul3A_870 = arith.constant 16 : i32
        %mul3A_871 = arith.muli %while3A_868, %mul3A_870 : i32
        %get3A = arith.index_cast %mul3A_871 : i32 to index
        %get3A_872 = tpu.vector_load %arg4[%get3A] {strides = array<i32>} : memref<1152xi32, #tpu.memory_space<vmem>>, vector<16xi32>,
        %ge3A_873 = arith.cmpi uge, %get3A_872, %broadcast_in_dim3A_231 : vector<16xi32>
        %select_n3A_874 = arith.select %ge3A_873, %broadcast_in_dim3A_5, %broadcast_in_dim3A_7 : vector<16xi1>, vector<16xi32>
        %add3A_875 = arith.addi %while3A_869, %select_n3A_874 : vector<16xi32>
        scf.yield %add3A_875 : vector<16xi32>
      }
      %reduce_sum3A_243 = arith.constant true
      %reduce_sum3A_244 = vector.broadcast %reduce_sum3A_243 : i1 to vector<16xi1>
      %reduce_sum3A_245 = tpu.scan <sum>, %while3A_242 masked %reduce_sum3A_244 : vector<16xi32>, vector<16xi1> -> vector<16xi32>
      %reduce_sum3A_246 = vector.extract %reduce_sum3A_245[15] : i32 from vector<16xi32>
      %ge3A_247 = arith.cmpi sge, %reduce_sum3A_246, %select_n3A : i32
      %select_n3A_248 = arith.select %ge3A_247, %or3A_230, %select_n3A_226 : i32
      %shift_right_logical3A_249 = arith.constant -2147483648 : i32
      %shift_right_logical3A_250 = arith.constant 10 : i32
      %shift_right_logical3A_251 = arith.shrui %shift_right_logical3A_249, %shift_right_logical3A_250 : i32
      %or3A_252 = arith.ori %select_n3A_248, %shift_right_logical3A_251 : i32
      %broadcast_in_dim3A_253 = vector.broadcast %or3A_252 : i32 to vector<16xi32>
      %while3A_254 = arith.constant 0 : i32
      %while3A_255 = arith.subi %select_n3A_21, %while3A_254 : i32
      %while3A_256 = arith.addi %while3A_254, %while3A_255 : i32
      %while3A_257 = arith.constant 1 : i32
      %while3A_258 = arith.divsi %while3A_255, %while3A_257 : i32
      %while3A_259 = arith.muli %while3A_258, %while3A_257 : i32
      %while3A_260 = arith.addi %while3A_254, %while3A_259 : i32
      %while3A_261 = arith.constant 1 : i32
      %while3A_262 = scf.for %while3A_868 = %while3A_254 to %while3A_260 step %while3A_261 iter_args(%while3A_869 = %broadcast_in_dim3A_7) -> (vector<16xi32>)  : i32 {
        %mul3A_870 = arith.constant 16 : i32
        %mul3A_871 = arith.muli %while3A_868, %mul3A_870 : i32
        %get3A = arith.index_cast %mul3A_871 : i32 to index
        %get3A_872 = tpu.vector_load %arg4[%get3A] {strides = array<i32>} : memref<1152xi32, #tpu.memory_space<vmem>>, vector<16xi32>,
        %ge3A_873 = arith.cmpi uge, %get3A_872, %broadcast_in_dim3A_253 : vector<16xi32>
        %select_n3A_874 = arith.select %ge3A_873, %broadcast_in_dim3A_5, %broadcast_in_dim3A_7 : vector<16xi1>, vector<16xi32>
        %add3A_875 = arith.addi %while3A_869, %select_n3A_874 : vector<16xi32>
        scf.yield %add3A_875 : vector<16xi32>
      }
      %while3A_263 = arith.constant 1 : i32
      %while3A_264 = scf.for %while3A_868 = %while3A_260 to %while3A_256 step %while3A_263 iter_args(%while3A_869 = %while3A_262) -> (vector<16xi32>)  : i32 {
        %mul3A_870 = arith.constant 16 : i32
        %mul3A_871 = arith.muli %while3A_868, %mul3A_870 : i32
        %get3A = arith.index_cast %mul3A_871 : i32 to index
        %get3A_872 = tpu.vector_load %arg4[%get3A] {strides = array<i32>} : memref<1152xi32, #tpu.memory_space<vmem>>, vector<16xi32>,
        %ge3A_873 = arith.cmpi uge, %get3A_872, %broadcast_in_dim3A_253 : vector<16xi32>
        %select_n3A_874 = arith.select %ge3A_873, %broadcast_in_dim3A_5, %broadcast_in_dim3A_7 : vector<16xi1>, vector<16xi32>
        %add3A_875 = arith.addi %while3A_869, %select_n3A_874 : vector<16xi32>
        scf.yield %add3A_875 : vector<16xi32>
      }
      %reduce_sum3A_265 = arith.constant true
      %reduce_sum3A_266 = vector.broadcast %reduce_sum3A_265 : i1 to vector<16xi1>
      %reduce_sum3A_267 = tpu.scan <sum>, %while3A_264 masked %reduce_sum3A_266 : vector<16xi32>, vector<16xi1> -> vector<16xi32>
      %reduce_sum3A_268 = vector.extract %reduce_sum3A_267[15] : i32 from vector<16xi32>
      %ge3A_269 = arith.cmpi sge, %reduce_sum3A_268, %select_n3A : i32
      %select_n3A_270 = arith.select %ge3A_269, %or3A_252, %select_n3A_248 : i32
      %shift_right_logical3A_271 = arith.constant -2147483648 : i32
      %shift_right_logical3A_272 = arith.constant 11 : i32
      %shift_right_logical3A_273 = arith.shrui %shift_right_logical3A_271, %shift_right_logical3A_272 : i32
      %or3A_274 = arith.ori %select_n3A_270, %shift_right_logical3A_273 : i32
      %broadcast_in_dim3A_275 = vector.broadcast %or3A_274 : i32 to vector<16xi32>
      %while3A_276 = arith.constant 0 : i32
      %while3A_277 = arith.subi %select_n3A_21, %while3A_276 : i32
      %while3A_278 = arith.addi %while3A_276, %while3A_277 : i32
      %while3A_279 = arith.constant 1 : i32
      %while3A_280 = arith.divsi %while3A_277, %while3A_279 : i32
      %while3A_281 = arith.muli %while3A_280, %while3A_279 : i32
      %while3A_282 = arith.addi %while3A_276, %while3A_281 : i32
      %while3A_283 = arith.constant 1 : i32
      %while3A_284 = scf.for %while3A_868 = %while3A_276 to %while3A_282 step %while3A_283 iter_args(%while3A_869 = %broadcast_in_dim3A_7) -> (vector<16xi32>)  : i32 {
        %mul3A_870 = arith.constant 16 : i32
        %mul3A_871 = arith.muli %while3A_868, %mul3A_870 : i32
        %get3A = arith.index_cast %mul3A_871 : i32 to index
        %get3A_872 = tpu.vector_load %arg4[%get3A] {strides = array<i32>} : memref<1152xi32, #tpu.memory_space<vmem>>, vector<16xi32>,
        %ge3A_873 = arith.cmpi uge, %get3A_872, %broadcast_in_dim3A_275 : vector<16xi32>
        %select_n3A_874 = arith.select %ge3A_873, %broadcast_in_dim3A_5, %broadcast_in_dim3A_7 : vector<16xi1>, vector<16xi32>
        %add3A_875 = arith.addi %while3A_869, %select_n3A_874 : vector<16xi32>
        scf.yield %add3A_875 : vector<16xi32>
      }
      %while3A_285 = arith.constant 1 : i32
      %while3A_286 = scf.for %while3A_868 = %while3A_282 to %while3A_278 step %while3A_285 iter_args(%while3A_869 = %while3A_284) -> (vector<16xi32>)  : i32 {
        %mul3A_870 = arith.constant 16 : i32
        %mul3A_871 = arith.muli %while3A_868, %mul3A_870 : i32
        %get3A = arith.index_cast %mul3A_871 : i32 to index
        %get3A_872 = tpu.vector_load %arg4[%get3A] {strides = array<i32>} : memref<1152xi32, #tpu.memory_space<vmem>>, vector<16xi32>,
        %ge3A_873 = arith.cmpi uge, %get3A_872, %broadcast_in_dim3A_275 : vector<16xi32>
        %select_n3A_874 = arith.select %ge3A_873, %broadcast_in_dim3A_5, %broadcast_in_dim3A_7 : vector<16xi1>, vector<16xi32>
        %add3A_875 = arith.addi %while3A_869, %select_n3A_874 : vector<16xi32>
        scf.yield %add3A_875 : vector<16xi32>
      }
      %reduce_sum3A_287 = arith.constant true
      %reduce_sum3A_288 = vector.broadcast %reduce_sum3A_287 : i1 to vector<16xi1>
      %reduce_sum3A_289 = tpu.scan <sum>, %while3A_286 masked %reduce_sum3A_288 : vector<16xi32>, vector<16xi1> -> vector<16xi32>
      %reduce_sum3A_290 = vector.extract %reduce_sum3A_289[15] : i32 from vector<16xi32>
      %ge3A_291 = arith.cmpi sge, %reduce_sum3A_290, %select_n3A : i32
      %select_n3A_292 = arith.select %ge3A_291, %or3A_274, %select_n3A_270 : i32
      %shift_right_logical3A_293 = arith.constant -2147483648 : i32
      %shift_right_logical3A_294 = arith.constant 12 : i32
      %shift_right_logical3A_295 = arith.shrui %shift_right_logical3A_293, %shift_right_logical3A_294 : i32
      %or3A_296 = arith.ori %select_n3A_292, %shift_right_logical3A_295 : i32
      %broadcast_in_dim3A_297 = vector.broadcast %or3A_296 : i32 to vector<16xi32>
      %while3A_298 = arith.constant 0 : i32
      %while3A_299 = arith.subi %select_n3A_21, %while3A_298 : i32
      %while3A_300 = arith.addi %while3A_298, %while3A_299 : i32
      %while3A_301 = arith.constant 1 : i32
      %while3A_302 = arith.divsi %while3A_299, %while3A_301 : i32
      %while3A_303 = arith.muli %while3A_302, %while3A_301 : i32
      %while3A_304 = arith.addi %while3A_298, %while3A_303 : i32
      %while3A_305 = arith.constant 1 : i32
      %while3A_306 = scf.for %while3A_868 = %while3A_298 to %while3A_304 step %while3A_305 iter_args(%while3A_869 = %broadcast_in_dim3A_7) -> (vector<16xi32>)  : i32 {
        %mul3A_870 = arith.constant 16 : i32
        %mul3A_871 = arith.muli %while3A_868, %mul3A_870 : i32
        %get3A = arith.index_cast %mul3A_871 : i32 to index
        %get3A_872 = tpu.vector_load %arg4[%get3A] {strides = array<i32>} : memref<1152xi32, #tpu.memory_space<vmem>>, vector<16xi32>,
        %ge3A_873 = arith.cmpi uge, %get3A_872, %broadcast_in_dim3A_297 : vector<16xi32>
        %select_n3A_874 = arith.select %ge3A_873, %broadcast_in_dim3A_5, %broadcast_in_dim3A_7 : vector<16xi1>, vector<16xi32>
        %add3A_875 = arith.addi %while3A_869, %select_n3A_874 : vector<16xi32>
        scf.yield %add3A_875 : vector<16xi32>
      }
      %while3A_307 = arith.constant 1 : i32
      %while3A_308 = scf.for %while3A_868 = %while3A_304 to %while3A_300 step %while3A_307 iter_args(%while3A_869 = %while3A_306) -> (vector<16xi32>)  : i32 {
        %mul3A_870 = arith.constant 16 : i32
        %mul3A_871 = arith.muli %while3A_868, %mul3A_870 : i32
        %get3A = arith.index_cast %mul3A_871 : i32 to index
        %get3A_872 = tpu.vector_load %arg4[%get3A] {strides = array<i32>} : memref<1152xi32, #tpu.memory_space<vmem>>, vector<16xi32>,
        %ge3A_873 = arith.cmpi uge, %get3A_872, %broadcast_in_dim3A_297 : vector<16xi32>
        %select_n3A_874 = arith.select %ge3A_873, %broadcast_in_dim3A_5, %broadcast_in_dim3A_7 : vector<16xi1>, vector<16xi32>
        %add3A_875 = arith.addi %while3A_869, %select_n3A_874 : vector<16xi32>
        scf.yield %add3A_875 : vector<16xi32>
      }
      %reduce_sum3A_309 = arith.constant true
      %reduce_sum3A_310 = vector.broadcast %reduce_sum3A_309 : i1 to vector<16xi1>
      %reduce_sum3A_311 = tpu.scan <sum>, %while3A_308 masked %reduce_sum3A_310 : vector<16xi32>, vector<16xi1> -> vector<16xi32>
      %reduce_sum3A_312 = vector.extract %reduce_sum3A_311[15] : i32 from vector<16xi32>
      %ge3A_313 = arith.cmpi sge, %reduce_sum3A_312, %select_n3A : i32
      %select_n3A_314 = arith.select %ge3A_313, %or3A_296, %select_n3A_292 : i32
      %shift_right_logical3A_315 = arith.constant -2147483648 : i32
      %shift_right_logical3A_316 = arith.constant 13 : i32
      %shift_right_logical3A_317 = arith.shrui %shift_right_logical3A_315, %shift_right_logical3A_316 : i32
      %or3A_318 = arith.ori %select_n3A_314, %shift_right_logical3A_317 : i32
      %broadcast_in_dim3A_319 = vector.broadcast %or3A_318 : i32 to vector<16xi32>
      %while3A_320 = arith.constant 0 : i32
      %while3A_321 = arith.subi %select_n3A_21, %while3A_320 : i32
      %while3A_322 = arith.addi %while3A_320, %while3A_321 : i32
      %while3A_323 = arith.constant 1 : i32
      %while3A_324 = arith.divsi %while3A_321, %while3A_323 : i32
      %while3A_325 = arith.muli %while3A_324, %while3A_323 : i32
      %while3A_326 = arith.addi %while3A_320, %while3A_325 : i32
      %while3A_327 = arith.constant 1 : i32
      %while3A_328 = scf.for %while3A_868 = %while3A_320 to %while3A_326 step %while3A_327 iter_args(%while3A_869 = %broadcast_in_dim3A_7) -> (vector<16xi32>)  : i32 {
        %mul3A_870 = arith.constant 16 : i32
        %mul3A_871 = arith.muli %while3A_868, %mul3A_870 : i32
        %get3A = arith.index_cast %mul3A_871 : i32 to index
        %get3A_872 = tpu.vector_load %arg4[%get3A] {strides = array<i32>} : memref<1152xi32, #tpu.memory_space<vmem>>, vector<16xi32>,
        %ge3A_873 = arith.cmpi uge, %get3A_872, %broadcast_in_dim3A_319 : vector<16xi32>
        %select_n3A_874 = arith.select %ge3A_873, %broadcast_in_dim3A_5, %broadcast_in_dim3A_7 : vector<16xi1>, vector<16xi32>
        %add3A_875 = arith.addi %while3A_869, %select_n3A_874 : vector<16xi32>
        scf.yield %add3A_875 : vector<16xi32>
      }
      %while3A_329 = arith.constant 1 : i32
      %while3A_330 = scf.for %while3A_868 = %while3A_326 to %while3A_322 step %while3A_329 iter_args(%while3A_869 = %while3A_328) -> (vector<16xi32>)  : i32 {
        %mul3A_870 = arith.constant 16 : i32
        %mul3A_871 = arith.muli %while3A_868, %mul3A_870 : i32
        %get3A = arith.index_cast %mul3A_871 : i32 to index
        %get3A_872 = tpu.vector_load %arg4[%get3A] {strides = array<i32>} : memref<1152xi32, #tpu.memory_space<vmem>>, vector<16xi32>,
        %ge3A_873 = arith.cmpi uge, %get3A_872, %broadcast_in_dim3A_319 : vector<16xi32>
        %select_n3A_874 = arith.select %ge3A_873, %broadcast_in_dim3A_5, %broadcast_in_dim3A_7 : vector<16xi1>, vector<16xi32>
        %add3A_875 = arith.addi %while3A_869, %select_n3A_874 : vector<16xi32>
        scf.yield %add3A_875 : vector<16xi32>
      }
      %reduce_sum3A_331 = arith.constant true
      %reduce_sum3A_332 = vector.broadcast %reduce_sum3A_331 : i1 to vector<16xi1>
      %reduce_sum3A_333 = tpu.scan <sum>, %while3A_330 masked %reduce_sum3A_332 : vector<16xi32>, vector<16xi1> -> vector<16xi32>
      %reduce_sum3A_334 = vector.extract %reduce_sum3A_333[15] : i32 from vector<16xi32>
      %ge3A_335 = arith.cmpi sge, %reduce_sum3A_334, %select_n3A : i32
      %select_n3A_336 = arith.select %ge3A_335, %or3A_318, %select_n3A_314 : i32
      %shift_right_logical3A_337 = arith.constant -2147483648 : i32
      %shift_right_logical3A_338 = arith.constant 14 : i32
      %shift_right_logical3A_339 = arith.shrui %shift_right_logical3A_337, %shift_right_logical3A_338 : i32
      %or3A_340 = arith.ori %select_n3A_336, %shift_right_logical3A_339 : i32
      %broadcast_in_dim3A_341 = vector.broadcast %or3A_340 : i32 to vector<16xi32>
      %while3A_342 = arith.constant 0 : i32
      %while3A_343 = arith.subi %select_n3A_21, %while3A_342 : i32
      %while3A_344 = arith.addi %while3A_342, %while3A_343 : i32
      %while3A_345 = arith.constant 1 : i32
      %while3A_346 = arith.divsi %while3A_343, %while3A_345 : i32
      %while3A_347 = arith.muli %while3A_346, %while3A_345 : i32
      %while3A_348 = arith.addi %while3A_342, %while3A_347 : i32
      %while3A_349 = arith.constant 1 : i32
      %while3A_350 = scf.for %while3A_868 = %while3A_342 to %while3A_348 step %while3A_349 iter_args(%while3A_869 = %broadcast_in_dim3A_7) -> (vector<16xi32>)  : i32 {
        %mul3A_870 = arith.constant 16 : i32
        %mul3A_871 = arith.muli %while3A_868, %mul3A_870 : i32
        %get3A = arith.index_cast %mul3A_871 : i32 to index
        %get3A_872 = tpu.vector_load %arg4[%get3A] {strides = array<i32>} : memref<1152xi32, #tpu.memory_space<vmem>>, vector<16xi32>,
        %ge3A_873 = arith.cmpi uge, %get3A_872, %broadcast_in_dim3A_341 : vector<16xi32>
        %select_n3A_874 = arith.select %ge3A_873, %broadcast_in_dim3A_5, %broadcast_in_dim3A_7 : vector<16xi1>, vector<16xi32>
        %add3A_875 = arith.addi %while3A_869, %select_n3A_874 : vector<16xi32>
        scf.yield %add3A_875 : vector<16xi32>
      }
      %while3A_351 = arith.constant 1 : i32
      %while3A_352 = scf.for %while3A_868 = %while3A_348 to %while3A_344 step %while3A_351 iter_args(%while3A_869 = %while3A_350) -> (vector<16xi32>)  : i32 {
        %mul3A_870 = arith.constant 16 : i32
        %mul3A_871 = arith.muli %while3A_868, %mul3A_870 : i32
        %get3A = arith.index_cast %mul3A_871 : i32 to index
        %get3A_872 = tpu.vector_load %arg4[%get3A] {strides = array<i32>} : memref<1152xi32, #tpu.memory_space<vmem>>, vector<16xi32>,
        %ge3A_873 = arith.cmpi uge, %get3A_872, %broadcast_in_dim3A_341 : vector<16xi32>
        %select_n3A_874 = arith.select %ge3A_873, %broadcast_in_dim3A_5, %broadcast_in_dim3A_7 : vector<16xi1>, vector<16xi32>
        %add3A_875 = arith.addi %while3A_869, %select_n3A_874 : vector<16xi32>
        scf.yield %add3A_875 : vector<16xi32>
      }
      %reduce_sum3A_353 = arith.constant true
      %reduce_sum3A_354 = vector.broadcast %reduce_sum3A_353 : i1 to vector<16xi1>
      %reduce_sum3A_355 = tpu.scan <sum>, %while3A_352 masked %reduce_sum3A_354 : vector<16xi32>, vector<16xi1> -> vector<16xi32>
      %reduce_sum3A_356 = vector.extract %reduce_sum3A_355[15] : i32 from vector<16xi32>
      %ge3A_357 = arith.cmpi sge, %reduce_sum3A_356, %select_n3A : i32
      %select_n3A_358 = arith.select %ge3A_357, %or3A_340, %select_n3A_336 : i32
      %shift_right_logical3A_359 = arith.constant -2147483648 : i32
      %shift_right_logical3A_360 = arith.constant 15 : i32
      %shift_right_logical3A_361 = arith.shrui %shift_right_logical3A_359, %shift_right_logical3A_360 : i32
      %or3A_362 = arith.ori %select_n3A_358, %shift_right_logical3A_361 : i32
      %broadcast_in_dim3A_363 = vector.broadcast %or3A_362 : i32 to vector<16xi32>
      %while3A_364 = arith.constant 0 : i32
      %while3A_365 = arith.subi %select_n3A_21, %while3A_364 : i32
      %while3A_366 = arith.addi %while3A_364, %while3A_365 : i32
      %while3A_367 = arith.constant 1 : i32
      %while3A_368 = arith.divsi %while3A_365, %while3A_367 : i32
      %while3A_369 = arith.muli %while3A_368, %while3A_367 : i32
      %while3A_370 = arith.addi %while3A_364, %while3A_369 : i32
      %while3A_371 = arith.constant 1 : i32
      %while3A_372 = scf.for %while3A_868 = %while3A_364 to %while3A_370 step %while3A_371 iter_args(%while3A_869 = %broadcast_in_dim3A_7) -> (vector<16xi32>)  : i32 {
        %mul3A_870 = arith.constant 16 : i32
        %mul3A_871 = arith.muli %while3A_868, %mul3A_870 : i32
        %get3A = arith.index_cast %mul3A_871 : i32 to index
        %get3A_872 = tpu.vector_load %arg4[%get3A] {strides = array<i32>} : memref<1152xi32, #tpu.memory_space<vmem>>, vector<16xi32>,
        %ge3A_873 = arith.cmpi uge, %get3A_872, %broadcast_in_dim3A_363 : vector<16xi32>
        %select_n3A_874 = arith.select %ge3A_873, %broadcast_in_dim3A_5, %broadcast_in_dim3A_7 : vector<16xi1>, vector<16xi32>
        %add3A_875 = arith.addi %while3A_869, %select_n3A_874 : vector<16xi32>
        scf.yield %add3A_875 : vector<16xi32>
      }
      %while3A_373 = arith.constant 1 : i32
      %while3A_374 = scf.for %while3A_868 = %while3A_370 to %while3A_366 step %while3A_373 iter_args(%while3A_869 = %while3A_372) -> (vector<16xi32>)  : i32 {
        %mul3A_870 = arith.constant 16 : i32
        %mul3A_871 = arith.muli %while3A_868, %mul3A_870 : i32
        %get3A = arith.index_cast %mul3A_871 : i32 to index
        %get3A_872 = tpu.vector_load %arg4[%get3A] {strides = array<i32>} : memref<1152xi32, #tpu.memory_space<vmem>>, vector<16xi32>,
        %ge3A_873 = arith.cmpi uge, %get3A_872, %broadcast_in_dim3A_363 : vector<16xi32>
        %select_n3A_874 = arith.select %ge3A_873, %broadcast_in_dim3A_5, %broadcast_in_dim3A_7 : vector<16xi1>, vector<16xi32>
        %add3A_875 = arith.addi %while3A_869, %select_n3A_874 : vector<16xi32>
        scf.yield %add3A_875 : vector<16xi32>
      }
      %reduce_sum3A_375 = arith.constant true
      %reduce_sum3A_376 = vector.broadcast %reduce_sum3A_375 : i1 to vector<16xi1>
      %reduce_sum3A_377 = tpu.scan <sum>, %while3A_374 masked %reduce_sum3A_376 : vector<16xi32>, vector<16xi1> -> vector<16xi32>
      %reduce_sum3A_378 = vector.extract %reduce_sum3A_377[15] : i32 from vector<16xi32>
      %ge3A_379 = arith.cmpi sge, %reduce_sum3A_378, %select_n3A : i32
      %select_n3A_380 = arith.select %ge3A_379, %or3A_362, %select_n3A_358 : i32
      %add3A_381 = arith.constant 65536 : i32
      %add3A_382 = arith.addi %select_n3A_380, %add3A_381 : i32
      %eq3A = arith.constant 0 : i32
      %eq3A_383 = arith.cmpi eq, %add3A_382, %eq3A : i32
      %broadcast_in_dim3A_384 = vector.broadcast %add3A_382 : i32 to vector<16xi32>
      %while3A_385 = arith.constant 0 : i32
      %while3A_386 = arith.subi %select_n3A_21, %while3A_385 : i32
      %while3A_387 = arith.addi %while3A_385, %while3A_386 : i32
      %while3A_388 = arith.constant 1 : i32
      %while3A_389 = arith.divsi %while3A_386, %while3A_388 : i32
      %while3A_390 = arith.muli %while3A_389, %while3A_388 : i32
      %while3A_391 = arith.addi %while3A_385, %while3A_390 : i32
      %while3A_392 = arith.constant 1 : i32
      %while3A_393 = scf.for %while3A_868 = %while3A_385 to %while3A_391 step %while3A_392 iter_args(%while3A_869 = %broadcast_in_dim3A_7) -> (vector<16xi32>)  : i32 {
        %mul3A_870 = arith.constant 16 : i32
        %mul3A_871 = arith.muli %while3A_868, %mul3A_870 : i32
        %get3A = arith.index_cast %mul3A_871 : i32 to index
        %get3A_872 = tpu.vector_load %arg4[%get3A] {strides = array<i32>} : memref<1152xi32, #tpu.memory_space<vmem>>, vector<16xi32>,
        %ge3A_873 = arith.cmpi uge, %get3A_872, %broadcast_in_dim3A_384 : vector<16xi32>
        %select_n3A_874 = arith.select %ge3A_873, %broadcast_in_dim3A_5, %broadcast_in_dim3A_7 : vector<16xi1>, vector<16xi32>
        %add3A_875 = arith.addi %while3A_869, %select_n3A_874 : vector<16xi32>
        scf.yield %add3A_875 : vector<16xi32>
      }
      %while3A_394 = arith.constant 1 : i32
      %while3A_395 = scf.for %while3A_868 = %while3A_391 to %while3A_387 step %while3A_394 iter_args(%while3A_869 = %while3A_393) -> (vector<16xi32>)  : i32 {
        %mul3A_870 = arith.constant 16 : i32
        %mul3A_871 = arith.muli %while3A_868, %mul3A_870 : i32
        %get3A = arith.index_cast %mul3A_871 : i32 to index
        %get3A_872 = tpu.vector_load %arg4[%get3A] {strides = array<i32>} : memref<1152xi32, #tpu.memory_space<vmem>>, vector<16xi32>,
        %ge3A_873 = arith.cmpi uge, %get3A_872, %broadcast_in_dim3A_384 : vector<16xi32>
        %select_n3A_874 = arith.select %ge3A_873, %broadcast_in_dim3A_5, %broadcast_in_dim3A_7 : vector<16xi1>, vector<16xi32>
        %add3A_875 = arith.addi %while3A_869, %select_n3A_874 : vector<16xi32>
        scf.yield %add3A_875 : vector<16xi32>
      }
      %reduce_sum3A_396 = arith.constant true
      %reduce_sum3A_397 = vector.broadcast %reduce_sum3A_396 : i1 to vector<16xi1>
      %reduce_sum3A_398 = tpu.scan <sum>, %while3A_395 masked %reduce_sum3A_397 : vector<16xi32>, vector<16xi1> -> vector<16xi32>
      %reduce_sum3A_399 = vector.extract %reduce_sum3A_398[15] : i32 from vector<16xi32>
      %jit3A_400 = arith.constant 0 : i32
      %select_n3A_401 = arith.select %eq3A_383, %jit3A_400, %reduce_sum3A_399 : i32
      %broadcast_in_dim3A_402 = vector.broadcast %select_n3A_380 : i32 to vector<16xi32>
      %broadcast_in_dim3A_403 = arith.constant -65536 : i32
      %broadcast_in_dim3A_404 = vector.broadcast %broadcast_in_dim3A_403 : i32 to vector<16xi32>
      %while3A_405 = arith.constant 0 : i32
      %while3A_406 = arith.constant 0 : i32
      %while3A_407 = arith.subi %select_n3A_21, %while3A_405 : i32
      %while3A_408 = arith.addi %while3A_405, %while3A_407 : i32
      %while3A_409 = arith.constant 1 : i32
      %while3A_410 = arith.divsi %while3A_407, %while3A_409 : i32
      %while3A_411 = arith.muli %while3A_410, %while3A_409 : i32
      %while3A_412 = arith.addi %while3A_405, %while3A_411 : i32
      %while3A_413 = arith.constant 1 : i32
      %while3A_414 = scf.for %while3A_868 = %while3A_405 to %while3A_412 step %while3A_413 iter_args(%while3A_869 = %while3A_406) -> (i32)  : i32 {
        %mul3A_870 = arith.constant 16 : i32
        %mul3A_871 = arith.muli %while3A_868, %mul3A_870 : i32
        %get3A = arith.index_cast %mul3A_871 : i32 to index
        %get3A_872 = tpu.vector_load %arg4[%get3A] {strides = array<i32>} : memref<1152xi32, #tpu.memory_space<vmem>>, vector<16xi32>,
        %and3A_873 = arith.andi %get3A_872, %broadcast_in_dim3A_404 : vector<16xi32>
        %eq3A_874 = arith.cmpi eq, %and3A_873, %broadcast_in_dim3A_402 : vector<16xi32>
        %select_n3A_875 = arith.select %eq3A_874, %broadcast_in_dim3A_5, %broadcast_in_dim3A_7 : vector<16xi1>, vector<16xi32>
        %broadcast_in_dim3A_876 = arith.constant true
        %broadcast_in_dim3A_877 = vector.broadcast %broadcast_in_dim3A_876 : i1 to vector<16xi1>
        %masked_cumsum3A = tpu.scan <sum>, %select_n3A_875 masked %broadcast_in_dim3A_877 : vector<16xi32>, vector<16xi1> -> vector<16xi32>
        %broadcast_in_dim3A_878 = vector.broadcast %while3A_869 : i32 to vector<16xi32>
        %add3A_879 = arith.addi %broadcast_in_dim3A_878, %masked_cumsum3A : vector<16xi32>
        %sub3A_880 = arith.constant 1 : i32
        %sub3A_881 = vector.broadcast %sub3A_880 : i32 to vector<16xi32>
        %sub3A_882 = arith.subi %add3A_879, %sub3A_881 : vector<16xi32>
        %bitcast3A = vector.bitcast %get3A_872 : vector<16xi32> to vector<16xi32>
        tpu.vector_store_idx %arg6[%sub3A_882], %bitcast3A masked %eq3A_874 : memref<1168xi32, #tpu.memory_space<vmem>>[vector<16xi32>], vector<16xi32>, vector<16xi1>
        %reduce_sum3A_883 = arith.constant true
        %reduce_sum3A_884 = vector.broadcast %reduce_sum3A_883 : i1 to vector<16xi1>
        %reduce_sum3A_885 = tpu.scan <sum>, %select_n3A_875 masked %reduce_sum3A_884 : vector<16xi32>, vector<16xi1> -> vector<16xi32>
        %reduce_sum3A_886 = vector.extract %reduce_sum3A_885[15] : i32 from vector<16xi32>
        %add3A_887 = arith.addi %while3A_869, %reduce_sum3A_886 : i32
        scf.yield %add3A_887 : i32
      }
      %while3A_415 = arith.constant 1 : i32
      %while3A_416 = scf.for %while3A_868 = %while3A_412 to %while3A_408 step %while3A_415 iter_args(%while3A_869 = %while3A_414) -> (i32)  : i32 {
        %mul3A_870 = arith.constant 16 : i32
        %mul3A_871 = arith.muli %while3A_868, %mul3A_870 : i32
        %get3A = arith.index_cast %mul3A_871 : i32 to index
        %get3A_872 = tpu.vector_load %arg4[%get3A] {strides = array<i32>} : memref<1152xi32, #tpu.memory_space<vmem>>, vector<16xi32>,
        %and3A_873 = arith.andi %get3A_872, %broadcast_in_dim3A_404 : vector<16xi32>
        %eq3A_874 = arith.cmpi eq, %and3A_873, %broadcast_in_dim3A_402 : vector<16xi32>
        %select_n3A_875 = arith.select %eq3A_874, %broadcast_in_dim3A_5, %broadcast_in_dim3A_7 : vector<16xi1>, vector<16xi32>
        %broadcast_in_dim3A_876 = arith.constant true
        %broadcast_in_dim3A_877 = vector.broadcast %broadcast_in_dim3A_876 : i1 to vector<16xi1>
        %masked_cumsum3A = tpu.scan <sum>, %select_n3A_875 masked %broadcast_in_dim3A_877 : vector<16xi32>, vector<16xi1> -> vector<16xi32>
        %broadcast_in_dim3A_878 = vector.broadcast %while3A_869 : i32 to vector<16xi32>
        %add3A_879 = arith.addi %broadcast_in_dim3A_878, %masked_cumsum3A : vector<16xi32>
        %sub3A_880 = arith.constant 1 : i32
        %sub3A_881 = vector.broadcast %sub3A_880 : i32 to vector<16xi32>
        %sub3A_882 = arith.subi %add3A_879, %sub3A_881 : vector<16xi32>
        %bitcast3A = vector.bitcast %get3A_872 : vector<16xi32> to vector<16xi32>
        tpu.vector_store_idx %arg6[%sub3A_882], %bitcast3A masked %eq3A_874 : memref<1168xi32, #tpu.memory_space<vmem>>[vector<16xi32>], vector<16xi32>, vector<16xi1>
        %reduce_sum3A_883 = arith.constant true
        %reduce_sum3A_884 = vector.broadcast %reduce_sum3A_883 : i1 to vector<16xi1>
        %reduce_sum3A_885 = tpu.scan <sum>, %select_n3A_875 masked %reduce_sum3A_884 : vector<16xi32>, vector<16xi1> -> vector<16xi32>
        %reduce_sum3A_886 = vector.extract %reduce_sum3A_885[15] : i32 from vector<16xi32>
        %add3A_887 = arith.addi %while3A_869, %reduce_sum3A_886 : i32
        scf.yield %add3A_887 : i32
      }
      %add3A_417 = arith.constant 15 : i32
      %add3A_418 = arith.addi %while3A_416, %add3A_417 : i32
      %jit3A_419 = arith.constant 16 : i32
      %div3A = arith.divsi %add3A_418, %jit3A_419 : i32
      %sign3A = arith.constant 0 : i32
      %sign3A_420 = arith.cmpi sgt, %add3A_418, %sign3A : i32
      %sign3A_421 = arith.extui %sign3A_420 : i1 to i32
      %sign3A_422 = arith.constant 0 : i32
      %sign3A_423 = arith.cmpi slt, %add3A_418, %sign3A_422 : i32
      %sign3A_424 = arith.extui %sign3A_423 : i1 to i32
      %sign3A_425 = arith.subi %sign3A_421, %sign3A_424 : i32
      %sign3A_426 = arith.constant 0 : i32
      %sign3A_427 = arith.cmpi sgt, %jit3A_419, %sign3A_426 : i32
      %sign3A_428 = arith.extui %sign3A_427 : i1 to i32
      %sign3A_429 = arith.constant 0 : i32
      %sign3A_430 = arith.cmpi slt, %jit3A_419, %sign3A_429 : i32
      %sign3A_431 = arith.extui %sign3A_430 : i1 to i32
      %sign3A_432 = arith.subi %sign3A_428, %sign3A_431 : i32
      %ne3A = arith.cmpi ne, %sign3A_425, %sign3A_432 : i32
      %rem3A = arith.remsi %add3A_418, %jit3A_419 : i32
      %ne3A_433 = arith.constant 0 : i32
      %ne3A_434 = arith.cmpi ne, %rem3A, %ne3A_433 : i32
      %and3A = arith.andi %ne3A, %ne3A_434 : i1
      %sub3A = arith.constant 1 : i32
      %sub3A_435 = arith.subi %div3A, %sub3A : i32
      %select_n3A_436 = arith.select %and3A, %sub3A_435, %div3A : i32
      %broadcast_in_dim3A_437 = vector.broadcast %while3A_416 : i32 to vector<16xi32>
      %add3A_438 = arith.addi %broadcast_in_dim3A_437, %iota3A : vector<16xi32>
      %mul3A_439 = arith.constant 16 : i32
      %mul3A_440 = arith.muli %select_n3A_436, %mul3A_439 : i32
      %broadcast_in_dim3A_441 = vector.broadcast %mul3A_440 : i32 to vector<16xi32>
      %lt3A_442 = arith.cmpi slt, %add3A_438, %broadcast_in_dim3A_441 : vector<16xi32>
      tpu.vector_store_idx %arg6[%add3A_438], %broadcast_in_dim3A_7 masked %lt3A_442 : memref<1168xi32, #tpu.memory_space<vmem>>[vector<16xi32>], vector<16xi32>, vector<16xi1>
      %shift_right_logical3A_443 = arith.constant -2147483648 : i32
      %shift_right_logical3A_444 = arith.constant 16 : i32
      %shift_right_logical3A_445 = arith.shrui %shift_right_logical3A_443, %shift_right_logical3A_444 : i32
      %or3A_446 = arith.ori %select_n3A_380, %shift_right_logical3A_445 : i32
      %broadcast_in_dim3A_447 = vector.broadcast %or3A_446 : i32 to vector<16xi32>
      %while3A_448 = arith.constant 0 : i32
      %while3A_449 = arith.subi %select_n3A_436, %while3A_448 : i32
      %while3A_450 = arith.addi %while3A_448, %while3A_449 : i32
      %while3A_451 = arith.constant 1 : i32
      %while3A_452 = arith.divsi %while3A_449, %while3A_451 : i32
      %while3A_453 = arith.muli %while3A_452, %while3A_451 : i32
      %while3A_454 = arith.addi %while3A_448, %while3A_453 : i32
      %while3A_455 = arith.constant 1 : i32
      %while3A_456 = scf.for %while3A_868 = %while3A_448 to %while3A_454 step %while3A_455 iter_args(%while3A_869 = %broadcast_in_dim3A_7) -> (vector<16xi32>)  : i32 {
        %mul3A_870 = arith.constant 16 : i32
        %mul3A_871 = arith.muli %while3A_868, %mul3A_870 : i32
        %get3A = arith.index_cast %mul3A_871 : i32 to index
        %get3A_872 = tpu.vector_load %arg6[%get3A] {strides = array<i32>} : memref<1168xi32, #tpu.memory_space<vmem>>, vector<16xi32>,
        %bitcast3A = vector.bitcast %get3A_872 : vector<16xi32> to vector<16xi32>
        %ge3A_873 = arith.cmpi uge, %bitcast3A, %broadcast_in_dim3A_447 : vector<16xi32>
        %select_n3A_874 = arith.select %ge3A_873, %broadcast_in_dim3A_5, %broadcast_in_dim3A_7 : vector<16xi1>, vector<16xi32>
        %add3A_875 = arith.addi %while3A_869, %select_n3A_874 : vector<16xi32>
        scf.yield %add3A_875 : vector<16xi32>
      }
      %while3A_457 = arith.constant 1 : i32
      %while3A_458 = scf.for %while3A_868 = %while3A_454 to %while3A_450 step %while3A_457 iter_args(%while3A_869 = %while3A_456) -> (vector<16xi32>)  : i32 {
        %mul3A_870 = arith.constant 16 : i32
        %mul3A_871 = arith.muli %while3A_868, %mul3A_870 : i32
        %get3A = arith.index_cast %mul3A_871 : i32 to index
        %get3A_872 = tpu.vector_load %arg6[%get3A] {strides = array<i32>} : memref<1168xi32, #tpu.memory_space<vmem>>, vector<16xi32>,
        %bitcast3A = vector.bitcast %get3A_872 : vector<16xi32> to vector<16xi32>
        %ge3A_873 = arith.cmpi uge, %bitcast3A, %broadcast_in_dim3A_447 : vector<16xi32>
        %select_n3A_874 = arith.select %ge3A_873, %broadcast_in_dim3A_5, %broadcast_in_dim3A_7 : vector<16xi1>, vector<16xi32>
        %add3A_875 = arith.addi %while3A_869, %select_n3A_874 : vector<16xi32>
        scf.yield %add3A_875 : vector<16xi32>
      }
      %reduce_sum3A_459 = arith.constant true
      %reduce_sum3A_460 = vector.broadcast %reduce_sum3A_459 : i1 to vector<16xi1>
      %reduce_sum3A_461 = tpu.scan <sum>, %while3A_458 masked %reduce_sum3A_460 : vector<16xi32>, vector<16xi1> -> vector<16xi32>
      %reduce_sum3A_462 = vector.extract %reduce_sum3A_461[15] : i32 from vector<16xi32>
      %add3A_463 = arith.addi %select_n3A_401, %reduce_sum3A_462 : i32
      %ge3A_464 = arith.cmpi sge, %add3A_463, %select_n3A : i32
      %select_n3A_465 = arith.select %ge3A_464, %or3A_446, %select_n3A_380 : i32
      %shift_right_logical3A_466 = arith.constant -2147483648 : i32
      %shift_right_logical3A_467 = arith.constant 17 : i32
      %shift_right_logical3A_468 = arith.shrui %shift_right_logical3A_466, %shift_right_logical3A_467 : i32
      %or3A_469 = arith.ori %select_n3A_465, %shift_right_logical3A_468 : i32
      %broadcast_in_dim3A_470 = vector.broadcast %or3A_469 : i32 to vector<16xi32>
      %while3A_471 = arith.constant 0 : i32
      %while3A_472 = arith.subi %select_n3A_436, %while3A_471 : i32
      %while3A_473 = arith.addi %while3A_471, %while3A_472 : i32
      %while3A_474 = arith.constant 1 : i32
      %while3A_475 = arith.divsi %while3A_472, %while3A_474 : i32
      %while3A_476 = arith.muli %while3A_475, %while3A_474 : i32
      %while3A_477 = arith.addi %while3A_471, %while3A_476 : i32
      %while3A_478 = arith.constant 1 : i32
      %while3A_479 = scf.for %while3A_868 = %while3A_471 to %while3A_477 step %while3A_478 iter_args(%while3A_869 = %broadcast_in_dim3A_7) -> (vector<16xi32>)  : i32 {
        %mul3A_870 = arith.constant 16 : i32
        %mul3A_871 = arith.muli %while3A_868, %mul3A_870 : i32
        %get3A = arith.index_cast %mul3A_871 : i32 to index
        %get3A_872 = tpu.vector_load %arg6[%get3A] {strides = array<i32>} : memref<1168xi32, #tpu.memory_space<vmem>>, vector<16xi32>,
        %bitcast3A = vector.bitcast %get3A_872 : vector<16xi32> to vector<16xi32>
        %ge3A_873 = arith.cmpi uge, %bitcast3A, %broadcast_in_dim3A_470 : vector<16xi32>
        %select_n3A_874 = arith.select %ge3A_873, %broadcast_in_dim3A_5, %broadcast_in_dim3A_7 : vector<16xi1>, vector<16xi32>
        %add3A_875 = arith.addi %while3A_869, %select_n3A_874 : vector<16xi32>
        scf.yield %add3A_875 : vector<16xi32>
      }
      %while3A_480 = arith.constant 1 : i32
      %while3A_481 = scf.for %while3A_868 = %while3A_477 to %while3A_473 step %while3A_480 iter_args(%while3A_869 = %while3A_479) -> (vector<16xi32>)  : i32 {
        %mul3A_870 = arith.constant 16 : i32
        %mul3A_871 = arith.muli %while3A_868, %mul3A_870 : i32
        %get3A = arith.index_cast %mul3A_871 : i32 to index
        %get3A_872 = tpu.vector_load %arg6[%get3A] {strides = array<i32>} : memref<1168xi32, #tpu.memory_space<vmem>>, vector<16xi32>,
        %bitcast3A = vector.bitcast %get3A_872 : vector<16xi32> to vector<16xi32>
        %ge3A_873 = arith.cmpi uge, %bitcast3A, %broadcast_in_dim3A_470 : vector<16xi32>
        %select_n3A_874 = arith.select %ge3A_873, %broadcast_in_dim3A_5, %broadcast_in_dim3A_7 : vector<16xi1>, vector<16xi32>
        %add3A_875 = arith.addi %while3A_869, %select_n3A_874 : vector<16xi32>
        scf.yield %add3A_875 : vector<16xi32>
      }
      %reduce_sum3A_482 = arith.constant true
      %reduce_sum3A_483 = vector.broadcast %reduce_sum3A_482 : i1 to vector<16xi1>
      %reduce_sum3A_484 = tpu.scan <sum>, %while3A_481 masked %reduce_sum3A_483 : vector<16xi32>, vector<16xi1> -> vector<16xi32>
      %reduce_sum3A_485 = vector.extract %reduce_sum3A_484[15] : i32 from vector<16xi32>
      %add3A_486 = arith.addi %select_n3A_401, %reduce_sum3A_485 : i32
      %ge3A_487 = arith.cmpi sge, %add3A_486, %select_n3A : i32
      %select_n3A_488 = arith.select %ge3A_487, %or3A_469, %select_n3A_465 : i32
      %shift_right_logical3A_489 = arith.constant -2147483648 : i32
      %shift_right_logical3A_490 = arith.constant 18 : i32
      %shift_right_logical3A_491 = arith.shrui %shift_right_logical3A_489, %shift_right_logical3A_490 : i32
      %or3A_492 = arith.ori %select_n3A_488, %shift_right_logical3A_491 : i32
      %broadcast_in_dim3A_493 = vector.broadcast %or3A_492 : i32 to vector<16xi32>
      %while3A_494 = arith.constant 0 : i32
      %while3A_495 = arith.subi %select_n3A_436, %while3A_494 : i32
      %while3A_496 = arith.addi %while3A_494, %while3A_495 : i32
      %while3A_497 = arith.constant 1 : i32
      %while3A_498 = arith.divsi %while3A_495, %while3A_497 : i32
      %while3A_499 = arith.muli %while3A_498, %while3A_497 : i32
      %while3A_500 = arith.addi %while3A_494, %while3A_499 : i32
      %while3A_501 = arith.constant 1 : i32
      %while3A_502 = scf.for %while3A_868 = %while3A_494 to %while3A_500 step %while3A_501 iter_args(%while3A_869 = %broadcast_in_dim3A_7) -> (vector<16xi32>)  : i32 {
        %mul3A_870 = arith.constant 16 : i32
        %mul3A_871 = arith.muli %while3A_868, %mul3A_870 : i32
        %get3A = arith.index_cast %mul3A_871 : i32 to index
        %get3A_872 = tpu.vector_load %arg6[%get3A] {strides = array<i32>} : memref<1168xi32, #tpu.memory_space<vmem>>, vector<16xi32>,
        %bitcast3A = vector.bitcast %get3A_872 : vector<16xi32> to vector<16xi32>
        %ge3A_873 = arith.cmpi uge, %bitcast3A, %broadcast_in_dim3A_493 : vector<16xi32>
        %select_n3A_874 = arith.select %ge3A_873, %broadcast_in_dim3A_5, %broadcast_in_dim3A_7 : vector<16xi1>, vector<16xi32>
        %add3A_875 = arith.addi %while3A_869, %select_n3A_874 : vector<16xi32>
        scf.yield %add3A_875 : vector<16xi32>
      }
      %while3A_503 = arith.constant 1 : i32
      %while3A_504 = scf.for %while3A_868 = %while3A_500 to %while3A_496 step %while3A_503 iter_args(%while3A_869 = %while3A_502) -> (vector<16xi32>)  : i32 {
        %mul3A_870 = arith.constant 16 : i32
        %mul3A_871 = arith.muli %while3A_868, %mul3A_870 : i32
        %get3A = arith.index_cast %mul3A_871 : i32 to index
        %get3A_872 = tpu.vector_load %arg6[%get3A] {strides = array<i32>} : memref<1168xi32, #tpu.memory_space<vmem>>, vector<16xi32>,
        %bitcast3A = vector.bitcast %get3A_872 : vector<16xi32> to vector<16xi32>
        %ge3A_873 = arith.cmpi uge, %bitcast3A, %broadcast_in_dim3A_493 : vector<16xi32>
        %select_n3A_874 = arith.select %ge3A_873, %broadcast_in_dim3A_5, %broadcast_in_dim3A_7 : vector<16xi1>, vector<16xi32>
        %add3A_875 = arith.addi %while3A_869, %select_n3A_874 : vector<16xi32>
        scf.yield %add3A_875 : vector<16xi32>
      }
      %reduce_sum3A_505 = arith.constant true
      %reduce_sum3A_506 = vector.broadcast %reduce_sum3A_505 : i1 to vector<16xi1>
      %reduce_sum3A_507 = tpu.scan <sum>, %while3A_504 masked %reduce_sum3A_506 : vector<16xi32>, vector<16xi1> -> vector<16xi32>
      %reduce_sum3A_508 = vector.extract %reduce_sum3A_507[15] : i32 from vector<16xi32>
      %add3A_509 = arith.addi %select_n3A_401, %reduce_sum3A_508 : i32
      %ge3A_510 = arith.cmpi sge, %add3A_509, %select_n3A : i32
      %select_n3A_511 = arith.select %ge3A_510, %or3A_492, %select_n3A_488 : i32
      %shift_right_logical3A_512 = arith.constant -2147483648 : i32
      %shift_right_logical3A_513 = arith.constant 19 : i32
      %shift_right_logical3A_514 = arith.shrui %shift_right_logical3A_512, %shift_right_logical3A_513 : i32
      %or3A_515 = arith.ori %select_n3A_511, %shift_right_logical3A_514 : i32
      %broadcast_in_dim3A_516 = vector.broadcast %or3A_515 : i32 to vector<16xi32>
      %while3A_517 = arith.constant 0 : i32
      %while3A_518 = arith.subi %select_n3A_436, %while3A_517 : i32
      %while3A_519 = arith.addi %while3A_517, %while3A_518 : i32
      %while3A_520 = arith.constant 1 : i32
      %while3A_521 = arith.divsi %while3A_518, %while3A_520 : i32
      %while3A_522 = arith.muli %while3A_521, %while3A_520 : i32
      %while3A_523 = arith.addi %while3A_517, %while3A_522 : i32
      %while3A_524 = arith.constant 1 : i32
      %while3A_525 = scf.for %while3A_868 = %while3A_517 to %while3A_523 step %while3A_524 iter_args(%while3A_869 = %broadcast_in_dim3A_7) -> (vector<16xi32>)  : i32 {
        %mul3A_870 = arith.constant 16 : i32
        %mul3A_871 = arith.muli %while3A_868, %mul3A_870 : i32
        %get3A = arith.index_cast %mul3A_871 : i32 to index
        %get3A_872 = tpu.vector_load %arg6[%get3A] {strides = array<i32>} : memref<1168xi32, #tpu.memory_space<vmem>>, vector<16xi32>,
        %bitcast3A = vector.bitcast %get3A_872 : vector<16xi32> to vector<16xi32>
        %ge3A_873 = arith.cmpi uge, %bitcast3A, %broadcast_in_dim3A_516 : vector<16xi32>
        %select_n3A_874 = arith.select %ge3A_873, %broadcast_in_dim3A_5, %broadcast_in_dim3A_7 : vector<16xi1>, vector<16xi32>
        %add3A_875 = arith.addi %while3A_869, %select_n3A_874 : vector<16xi32>
        scf.yield %add3A_875 : vector<16xi32>
      }
      %while3A_526 = arith.constant 1 : i32
      %while3A_527 = scf.for %while3A_868 = %while3A_523 to %while3A_519 step %while3A_526 iter_args(%while3A_869 = %while3A_525) -> (vector<16xi32>)  : i32 {
        %mul3A_870 = arith.constant 16 : i32
        %mul3A_871 = arith.muli %while3A_868, %mul3A_870 : i32
        %get3A = arith.index_cast %mul3A_871 : i32 to index
        %get3A_872 = tpu.vector_load %arg6[%get3A] {strides = array<i32>} : memref<1168xi32, #tpu.memory_space<vmem>>, vector<16xi32>,
        %bitcast3A = vector.bitcast %get3A_872 : vector<16xi32> to vector<16xi32>
        %ge3A_873 = arith.cmpi uge, %bitcast3A, %broadcast_in_dim3A_516 : vector<16xi32>
        %select_n3A_874 = arith.select %ge3A_873, %broadcast_in_dim3A_5, %broadcast_in_dim3A_7 : vector<16xi1>, vector<16xi32>
        %add3A_875 = arith.addi %while3A_869, %select_n3A_874 : vector<16xi32>
        scf.yield %add3A_875 : vector<16xi32>
      }
      %reduce_sum3A_528 = arith.constant true
      %reduce_sum3A_529 = vector.broadcast %reduce_sum3A_528 : i1 to vector<16xi1>
      %reduce_sum3A_530 = tpu.scan <sum>, %while3A_527 masked %reduce_sum3A_529 : vector<16xi32>, vector<16xi1> -> vector<16xi32>
      %reduce_sum3A_531 = vector.extract %reduce_sum3A_530[15] : i32 from vector<16xi32>
      %add3A_532 = arith.addi %select_n3A_401, %reduce_sum3A_531 : i32
      %ge3A_533 = arith.cmpi sge, %add3A_532, %select_n3A : i32
      %select_n3A_534 = arith.select %ge3A_533, %or3A_515, %select_n3A_511 : i32
      %shift_right_logical3A_535 = arith.constant -2147483648 : i32
      %shift_right_logical3A_536 = arith.constant 20 : i32
      %shift_right_logical3A_537 = arith.shrui %shift_right_logical3A_535, %shift_right_logical3A_536 : i32
      %or3A_538 = arith.ori %select_n3A_534, %shift_right_logical3A_537 : i32
      %broadcast_in_dim3A_539 = vector.broadcast %or3A_538 : i32 to vector<16xi32>
      %while3A_540 = arith.constant 0 : i32
      %while3A_541 = arith.subi %select_n3A_436, %while3A_540 : i32
      %while3A_542 = arith.addi %while3A_540, %while3A_541 : i32
      %while3A_543 = arith.constant 1 : i32
      %while3A_544 = arith.divsi %while3A_541, %while3A_543 : i32
      %while3A_545 = arith.muli %while3A_544, %while3A_543 : i32
      %while3A_546 = arith.addi %while3A_540, %while3A_545 : i32
      %while3A_547 = arith.constant 1 : i32
      %while3A_548 = scf.for %while3A_868 = %while3A_540 to %while3A_546 step %while3A_547 iter_args(%while3A_869 = %broadcast_in_dim3A_7) -> (vector<16xi32>)  : i32 {
        %mul3A_870 = arith.constant 16 : i32
        %mul3A_871 = arith.muli %while3A_868, %mul3A_870 : i32
        %get3A = arith.index_cast %mul3A_871 : i32 to index
        %get3A_872 = tpu.vector_load %arg6[%get3A] {strides = array<i32>} : memref<1168xi32, #tpu.memory_space<vmem>>, vector<16xi32>,
        %bitcast3A = vector.bitcast %get3A_872 : vector<16xi32> to vector<16xi32>
        %ge3A_873 = arith.cmpi uge, %bitcast3A, %broadcast_in_dim3A_539 : vector<16xi32>
        %select_n3A_874 = arith.select %ge3A_873, %broadcast_in_dim3A_5, %broadcast_in_dim3A_7 : vector<16xi1>, vector<16xi32>
        %add3A_875 = arith.addi %while3A_869, %select_n3A_874 : vector<16xi32>
        scf.yield %add3A_875 : vector<16xi32>
      }
      %while3A_549 = arith.constant 1 : i32
      %while3A_550 = scf.for %while3A_868 = %while3A_546 to %while3A_542 step %while3A_549 iter_args(%while3A_869 = %while3A_548) -> (vector<16xi32>)  : i32 {
        %mul3A_870 = arith.constant 16 : i32
        %mul3A_871 = arith.muli %while3A_868, %mul3A_870 : i32
        %get3A = arith.index_cast %mul3A_871 : i32 to index
        %get3A_872 = tpu.vector_load %arg6[%get3A] {strides = array<i32>} : memref<1168xi32, #tpu.memory_space<vmem>>, vector<16xi32>,
        %bitcast3A = vector.bitcast %get3A_872 : vector<16xi32> to vector<16xi32>
        %ge3A_873 = arith.cmpi uge, %bitcast3A, %broadcast_in_dim3A_539 : vector<16xi32>
        %select_n3A_874 = arith.select %ge3A_873, %broadcast_in_dim3A_5, %broadcast_in_dim3A_7 : vector<16xi1>, vector<16xi32>
        %add3A_875 = arith.addi %while3A_869, %select_n3A_874 : vector<16xi32>
        scf.yield %add3A_875 : vector<16xi32>
      }
      %reduce_sum3A_551 = arith.constant true
      %reduce_sum3A_552 = vector.broadcast %reduce_sum3A_551 : i1 to vector<16xi1>
      %reduce_sum3A_553 = tpu.scan <sum>, %while3A_550 masked %reduce_sum3A_552 : vector<16xi32>, vector<16xi1> -> vector<16xi32>
      %reduce_sum3A_554 = vector.extract %reduce_sum3A_553[15] : i32 from vector<16xi32>
      %add3A_555 = arith.addi %select_n3A_401, %reduce_sum3A_554 : i32
      %ge3A_556 = arith.cmpi sge, %add3A_555, %select_n3A : i32
      %select_n3A_557 = arith.select %ge3A_556, %or3A_538, %select_n3A_534 : i32
      %shift_right_logical3A_558 = arith.constant -2147483648 : i32
      %shift_right_logical3A_559 = arith.constant 21 : i32
      %shift_right_logical3A_560 = arith.shrui %shift_right_logical3A_558, %shift_right_logical3A_559 : i32
      %or3A_561 = arith.ori %select_n3A_557, %shift_right_logical3A_560 : i32
      %broadcast_in_dim3A_562 = vector.broadcast %or3A_561 : i32 to vector<16xi32>
      %while3A_563 = arith.constant 0 : i32
      %while3A_564 = arith.subi %select_n3A_436, %while3A_563 : i32
      %while3A_565 = arith.addi %while3A_563, %while3A_564 : i32
      %while3A_566 = arith.constant 1 : i32
      %while3A_567 = arith.divsi %while3A_564, %while3A_566 : i32
      %while3A_568 = arith.muli %while3A_567, %while3A_566 : i32
      %while3A_569 = arith.addi %while3A_563, %while3A_568 : i32
      %while3A_570 = arith.constant 1 : i32
      %while3A_571 = scf.for %while3A_868 = %while3A_563 to %while3A_569 step %while3A_570 iter_args(%while3A_869 = %broadcast_in_dim3A_7) -> (vector<16xi32>)  : i32 {
        %mul3A_870 = arith.constant 16 : i32
        %mul3A_871 = arith.muli %while3A_868, %mul3A_870 : i32
        %get3A = arith.index_cast %mul3A_871 : i32 to index
        %get3A_872 = tpu.vector_load %arg6[%get3A] {strides = array<i32>} : memref<1168xi32, #tpu.memory_space<vmem>>, vector<16xi32>,
        %bitcast3A = vector.bitcast %get3A_872 : vector<16xi32> to vector<16xi32>
        %ge3A_873 = arith.cmpi uge, %bitcast3A, %broadcast_in_dim3A_562 : vector<16xi32>
        %select_n3A_874 = arith.select %ge3A_873, %broadcast_in_dim3A_5, %broadcast_in_dim3A_7 : vector<16xi1>, vector<16xi32>
        %add3A_875 = arith.addi %while3A_869, %select_n3A_874 : vector<16xi32>
        scf.yield %add3A_875 : vector<16xi32>
      }
      %while3A_572 = arith.constant 1 : i32
      %while3A_573 = scf.for %while3A_868 = %while3A_569 to %while3A_565 step %while3A_572 iter_args(%while3A_869 = %while3A_571) -> (vector<16xi32>)  : i32 {
        %mul3A_870 = arith.constant 16 : i32
        %mul3A_871 = arith.muli %while3A_868, %mul3A_870 : i32
        %get3A = arith.index_cast %mul3A_871 : i32 to index
        %get3A_872 = tpu.vector_load %arg6[%get3A] {strides = array<i32>} : memref<1168xi32, #tpu.memory_space<vmem>>, vector<16xi32>,
        %bitcast3A = vector.bitcast %get3A_872 : vector<16xi32> to vector<16xi32>
        %ge3A_873 = arith.cmpi uge, %bitcast3A, %broadcast_in_dim3A_562 : vector<16xi32>
        %select_n3A_874 = arith.select %ge3A_873, %broadcast_in_dim3A_5, %broadcast_in_dim3A_7 : vector<16xi1>, vector<16xi32>
        %add3A_875 = arith.addi %while3A_869, %select_n3A_874 : vector<16xi32>
        scf.yield %add3A_875 : vector<16xi32>
      }
      %reduce_sum3A_574 = arith.constant true
      %reduce_sum3A_575 = vector.broadcast %reduce_sum3A_574 : i1 to vector<16xi1>
      %reduce_sum3A_576 = tpu.scan <sum>, %while3A_573 masked %reduce_sum3A_575 : vector<16xi32>, vector<16xi1> -> vector<16xi32>
      %reduce_sum3A_577 = vector.extract %reduce_sum3A_576[15] : i32 from vector<16xi32>
      %add3A_578 = arith.addi %select_n3A_401, %reduce_sum3A_577 : i32
      %ge3A_579 = arith.cmpi sge, %add3A_578, %select_n3A : i32
      %select_n3A_580 = arith.select %ge3A_579, %or3A_561, %select_n3A_557 : i32
      %shift_right_logical3A_581 = arith.constant -2147483648 : i32
      %shift_right_logical3A_582 = arith.constant 22 : i32
      %shift_right_logical3A_583 = arith.shrui %shift_right_logical3A_581, %shift_right_logical3A_582 : i32
      %or3A_584 = arith.ori %select_n3A_580, %shift_right_logical3A_583 : i32
      %broadcast_in_dim3A_585 = vector.broadcast %or3A_584 : i32 to vector<16xi32>
      %while3A_586 = arith.constant 0 : i32
      %while3A_587 = arith.subi %select_n3A_436, %while3A_586 : i32
      %while3A_588 = arith.addi %while3A_586, %while3A_587 : i32
      %while3A_589 = arith.constant 1 : i32
      %while3A_590 = arith.divsi %while3A_587, %while3A_589 : i32
      %while3A_591 = arith.muli %while3A_590, %while3A_589 : i32
      %while3A_592 = arith.addi %while3A_586, %while3A_591 : i32
      %while3A_593 = arith.constant 1 : i32
      %while3A_594 = scf.for %while3A_868 = %while3A_586 to %while3A_592 step %while3A_593 iter_args(%while3A_869 = %broadcast_in_dim3A_7) -> (vector<16xi32>)  : i32 {
        %mul3A_870 = arith.constant 16 : i32
        %mul3A_871 = arith.muli %while3A_868, %mul3A_870 : i32
        %get3A = arith.index_cast %mul3A_871 : i32 to index
        %get3A_872 = tpu.vector_load %arg6[%get3A] {strides = array<i32>} : memref<1168xi32, #tpu.memory_space<vmem>>, vector<16xi32>,
        %bitcast3A = vector.bitcast %get3A_872 : vector<16xi32> to vector<16xi32>
        %ge3A_873 = arith.cmpi uge, %bitcast3A, %broadcast_in_dim3A_585 : vector<16xi32>
        %select_n3A_874 = arith.select %ge3A_873, %broadcast_in_dim3A_5, %broadcast_in_dim3A_7 : vector<16xi1>, vector<16xi32>
        %add3A_875 = arith.addi %while3A_869, %select_n3A_874 : vector<16xi32>
        scf.yield %add3A_875 : vector<16xi32>
      }
      %while3A_595 = arith.constant 1 : i32
      %while3A_596 = scf.for %while3A_868 = %while3A_592 to %while3A_588 step %while3A_595 iter_args(%while3A_869 = %while3A_594) -> (vector<16xi32>)  : i32 {
        %mul3A_870 = arith.constant 16 : i32
        %mul3A_871 = arith.muli %while3A_868, %mul3A_870 : i32
        %get3A = arith.index_cast %mul3A_871 : i32 to index
        %get3A_872 = tpu.vector_load %arg6[%get3A] {strides = array<i32>} : memref<1168xi32, #tpu.memory_space<vmem>>, vector<16xi32>,
        %bitcast3A = vector.bitcast %get3A_872 : vector<16xi32> to vector<16xi32>
        %ge3A_873 = arith.cmpi uge, %bitcast3A, %broadcast_in_dim3A_585 : vector<16xi32>
        %select_n3A_874 = arith.select %ge3A_873, %broadcast_in_dim3A_5, %broadcast_in_dim3A_7 : vector<16xi1>, vector<16xi32>
        %add3A_875 = arith.addi %while3A_869, %select_n3A_874 : vector<16xi32>
        scf.yield %add3A_875 : vector<16xi32>
      }
      %reduce_sum3A_597 = arith.constant true
      %reduce_sum3A_598 = vector.broadcast %reduce_sum3A_597 : i1 to vector<16xi1>
      %reduce_sum3A_599 = tpu.scan <sum>, %while3A_596 masked %reduce_sum3A_598 : vector<16xi32>, vector<16xi1> -> vector<16xi32>
      %reduce_sum3A_600 = vector.extract %reduce_sum3A_599[15] : i32 from vector<16xi32>
      %add3A_601 = arith.addi %select_n3A_401, %reduce_sum3A_600 : i32
      %ge3A_602 = arith.cmpi sge, %add3A_601, %select_n3A : i32
      %select_n3A_603 = arith.select %ge3A_602, %or3A_584, %select_n3A_580 : i32
      %shift_right_logical3A_604 = arith.constant -2147483648 : i32
      %shift_right_logical3A_605 = arith.constant 23 : i32
      %shift_right_logical3A_606 = arith.shrui %shift_right_logical3A_604, %shift_right_logical3A_605 : i32
      %or3A_607 = arith.ori %select_n3A_603, %shift_right_logical3A_606 : i32
      %broadcast_in_dim3A_608 = vector.broadcast %or3A_607 : i32 to vector<16xi32>
      %while3A_609 = arith.constant 0 : i32
      %while3A_610 = arith.subi %select_n3A_436, %while3A_609 : i32
      %while3A_611 = arith.addi %while3A_609, %while3A_610 : i32
      %while3A_612 = arith.constant 1 : i32
      %while3A_613 = arith.divsi %while3A_610, %while3A_612 : i32
      %while3A_614 = arith.muli %while3A_613, %while3A_612 : i32
      %while3A_615 = arith.addi %while3A_609, %while3A_614 : i32
      %while3A_616 = arith.constant 1 : i32
      %while3A_617 = scf.for %while3A_868 = %while3A_609 to %while3A_615 step %while3A_616 iter_args(%while3A_869 = %broadcast_in_dim3A_7) -> (vector<16xi32>)  : i32 {
        %mul3A_870 = arith.constant 16 : i32
        %mul3A_871 = arith.muli %while3A_868, %mul3A_870 : i32
        %get3A = arith.index_cast %mul3A_871 : i32 to index
        %get3A_872 = tpu.vector_load %arg6[%get3A] {strides = array<i32>} : memref<1168xi32, #tpu.memory_space<vmem>>, vector<16xi32>,
        %bitcast3A = vector.bitcast %get3A_872 : vector<16xi32> to vector<16xi32>
        %ge3A_873 = arith.cmpi uge, %bitcast3A, %broadcast_in_dim3A_608 : vector<16xi32>
        %select_n3A_874 = arith.select %ge3A_873, %broadcast_in_dim3A_5, %broadcast_in_dim3A_7 : vector<16xi1>, vector<16xi32>
        %add3A_875 = arith.addi %while3A_869, %select_n3A_874 : vector<16xi32>
        scf.yield %add3A_875 : vector<16xi32>
      }
      %while3A_618 = arith.constant 1 : i32
      %while3A_619 = scf.for %while3A_868 = %while3A_615 to %while3A_611 step %while3A_618 iter_args(%while3A_869 = %while3A_617) -> (vector<16xi32>)  : i32 {
        %mul3A_870 = arith.constant 16 : i32
        %mul3A_871 = arith.muli %while3A_868, %mul3A_870 : i32
        %get3A = arith.index_cast %mul3A_871 : i32 to index
        %get3A_872 = tpu.vector_load %arg6[%get3A] {strides = array<i32>} : memref<1168xi32, #tpu.memory_space<vmem>>, vector<16xi32>,
        %bitcast3A = vector.bitcast %get3A_872 : vector<16xi32> to vector<16xi32>
        %ge3A_873 = arith.cmpi uge, %bitcast3A, %broadcast_in_dim3A_608 : vector<16xi32>
        %select_n3A_874 = arith.select %ge3A_873, %broadcast_in_dim3A_5, %broadcast_in_dim3A_7 : vector<16xi1>, vector<16xi32>
        %add3A_875 = arith.addi %while3A_869, %select_n3A_874 : vector<16xi32>
        scf.yield %add3A_875 : vector<16xi32>
      }
      %reduce_sum3A_620 = arith.constant true
      %reduce_sum3A_621 = vector.broadcast %reduce_sum3A_620 : i1 to vector<16xi1>
      %reduce_sum3A_622 = tpu.scan <sum>, %while3A_619 masked %reduce_sum3A_621 : vector<16xi32>, vector<16xi1> -> vector<16xi32>
      %reduce_sum3A_623 = vector.extract %reduce_sum3A_622[15] : i32 from vector<16xi32>
      %add3A_624 = arith.addi %select_n3A_401, %reduce_sum3A_623 : i32
      %ge3A_625 = arith.cmpi sge, %add3A_624, %select_n3A : i32
      %select_n3A_626 = arith.select %ge3A_625, %or3A_607, %select_n3A_603 : i32
      %shift_right_logical3A_627 = arith.constant -2147483648 : i32
      %shift_right_logical3A_628 = arith.constant 24 : i32
      %shift_right_logical3A_629 = arith.shrui %shift_right_logical3A_627, %shift_right_logical3A_628 : i32
      %or3A_630 = arith.ori %select_n3A_626, %shift_right_logical3A_629 : i32
      %broadcast_in_dim3A_631 = vector.broadcast %or3A_630 : i32 to vector<16xi32>
      %while3A_632 = arith.constant 0 : i32
      %while3A_633 = arith.subi %select_n3A_436, %while3A_632 : i32
      %while3A_634 = arith.addi %while3A_632, %while3A_633 : i32
      %while3A_635 = arith.constant 1 : i32
      %while3A_636 = arith.divsi %while3A_633, %while3A_635 : i32
      %while3A_637 = arith.muli %while3A_636, %while3A_635 : i32
      %while3A_638 = arith.addi %while3A_632, %while3A_637 : i32
      %while3A_639 = arith.constant 1 : i32
      %while3A_640 = scf.for %while3A_868 = %while3A_632 to %while3A_638 step %while3A_639 iter_args(%while3A_869 = %broadcast_in_dim3A_7) -> (vector<16xi32>)  : i32 {
        %mul3A_870 = arith.constant 16 : i32
        %mul3A_871 = arith.muli %while3A_868, %mul3A_870 : i32
        %get3A = arith.index_cast %mul3A_871 : i32 to index
        %get3A_872 = tpu.vector_load %arg6[%get3A] {strides = array<i32>} : memref<1168xi32, #tpu.memory_space<vmem>>, vector<16xi32>,
        %bitcast3A = vector.bitcast %get3A_872 : vector<16xi32> to vector<16xi32>
        %ge3A_873 = arith.cmpi uge, %bitcast3A, %broadcast_in_dim3A_631 : vector<16xi32>
        %select_n3A_874 = arith.select %ge3A_873, %broadcast_in_dim3A_5, %broadcast_in_dim3A_7 : vector<16xi1>, vector<16xi32>
        %add3A_875 = arith.addi %while3A_869, %select_n3A_874 : vector<16xi32>
        scf.yield %add3A_875 : vector<16xi32>
      }
      %while3A_641 = arith.constant 1 : i32
      %while3A_642 = scf.for %while3A_868 = %while3A_638 to %while3A_634 step %while3A_641 iter_args(%while3A_869 = %while3A_640) -> (vector<16xi32>)  : i32 {
        %mul3A_870 = arith.constant 16 : i32
        %mul3A_871 = arith.muli %while3A_868, %mul3A_870 : i32
        %get3A = arith.index_cast %mul3A_871 : i32 to index
        %get3A_872 = tpu.vector_load %arg6[%get3A] {strides = array<i32>} : memref<1168xi32, #tpu.memory_space<vmem>>, vector<16xi32>,
        %bitcast3A = vector.bitcast %get3A_872 : vector<16xi32> to vector<16xi32>
        %ge3A_873 = arith.cmpi uge, %bitcast3A, %broadcast_in_dim3A_631 : vector<16xi32>
        %select_n3A_874 = arith.select %ge3A_873, %broadcast_in_dim3A_5, %broadcast_in_dim3A_7 : vector<16xi1>, vector<16xi32>
        %add3A_875 = arith.addi %while3A_869, %select_n3A_874 : vector<16xi32>
        scf.yield %add3A_875 : vector<16xi32>
      }
      %reduce_sum3A_643 = arith.constant true
      %reduce_sum3A_644 = vector.broadcast %reduce_sum3A_643 : i1 to vector<16xi1>
      %reduce_sum3A_645 = tpu.scan <sum>, %while3A_642 masked %reduce_sum3A_644 : vector<16xi32>, vector<16xi1> -> vector<16xi32>
      %reduce_sum3A_646 = vector.extract %reduce_sum3A_645[15] : i32 from vector<16xi32>
      %add3A_647 = arith.addi %select_n3A_401, %reduce_sum3A_646 : i32
      %ge3A_648 = arith.cmpi sge, %add3A_647, %select_n3A : i32
      %select_n3A_649 = arith.select %ge3A_648, %or3A_630, %select_n3A_626 : i32
      %shift_right_logical3A_650 = arith.constant -2147483648 : i32
      %shift_right_logical3A_651 = arith.constant 25 : i32
      %shift_right_logical3A_652 = arith.shrui %shift_right_logical3A_650, %shift_right_logical3A_651 : i32
      %or3A_653 = arith.ori %select_n3A_649, %shift_right_logical3A_652 : i32
      %broadcast_in_dim3A_654 = vector.broadcast %or3A_653 : i32 to vector<16xi32>
      %while3A_655 = arith.constant 0 : i32
      %while3A_656 = arith.subi %select_n3A_436, %while3A_655 : i32
      %while3A_657 = arith.addi %while3A_655, %while3A_656 : i32
      %while3A_658 = arith.constant 1 : i32
      %while3A_659 = arith.divsi %while3A_656, %while3A_658 : i32
      %while3A_660 = arith.muli %while3A_659, %while3A_658 : i32
      %while3A_661 = arith.addi %while3A_655, %while3A_660 : i32
      %while3A_662 = arith.constant 1 : i32
      %while3A_663 = scf.for %while3A_868 = %while3A_655 to %while3A_661 step %while3A_662 iter_args(%while3A_869 = %broadcast_in_dim3A_7) -> (vector<16xi32>)  : i32 {
        %mul3A_870 = arith.constant 16 : i32
        %mul3A_871 = arith.muli %while3A_868, %mul3A_870 : i32
        %get3A = arith.index_cast %mul3A_871 : i32 to index
        %get3A_872 = tpu.vector_load %arg6[%get3A] {strides = array<i32>} : memref<1168xi32, #tpu.memory_space<vmem>>, vector<16xi32>,
        %bitcast3A = vector.bitcast %get3A_872 : vector<16xi32> to vector<16xi32>
        %ge3A_873 = arith.cmpi uge, %bitcast3A, %broadcast_in_dim3A_654 : vector<16xi32>
        %select_n3A_874 = arith.select %ge3A_873, %broadcast_in_dim3A_5, %broadcast_in_dim3A_7 : vector<16xi1>, vector<16xi32>
        %add3A_875 = arith.addi %while3A_869, %select_n3A_874 : vector<16xi32>
        scf.yield %add3A_875 : vector<16xi32>
      }
      %while3A_664 = arith.constant 1 : i32
      %while3A_665 = scf.for %while3A_868 = %while3A_661 to %while3A_657 step %while3A_664 iter_args(%while3A_869 = %while3A_663) -> (vector<16xi32>)  : i32 {
        %mul3A_870 = arith.constant 16 : i32
        %mul3A_871 = arith.muli %while3A_868, %mul3A_870 : i32
        %get3A = arith.index_cast %mul3A_871 : i32 to index
        %get3A_872 = tpu.vector_load %arg6[%get3A] {strides = array<i32>} : memref<1168xi32, #tpu.memory_space<vmem>>, vector<16xi32>,
        %bitcast3A = vector.bitcast %get3A_872 : vector<16xi32> to vector<16xi32>
        %ge3A_873 = arith.cmpi uge, %bitcast3A, %broadcast_in_dim3A_654 : vector<16xi32>
        %select_n3A_874 = arith.select %ge3A_873, %broadcast_in_dim3A_5, %broadcast_in_dim3A_7 : vector<16xi1>, vector<16xi32>
        %add3A_875 = arith.addi %while3A_869, %select_n3A_874 : vector<16xi32>
        scf.yield %add3A_875 : vector<16xi32>
      }
      %reduce_sum3A_666 = arith.constant true
      %reduce_sum3A_667 = vector.broadcast %reduce_sum3A_666 : i1 to vector<16xi1>
      %reduce_sum3A_668 = tpu.scan <sum>, %while3A_665 masked %reduce_sum3A_667 : vector<16xi32>, vector<16xi1> -> vector<16xi32>
      %reduce_sum3A_669 = vector.extract %reduce_sum3A_668[15] : i32 from vector<16xi32>
      %add3A_670 = arith.addi %select_n3A_401, %reduce_sum3A_669 : i32
      %ge3A_671 = arith.cmpi sge, %add3A_670, %select_n3A : i32
      %select_n3A_672 = arith.select %ge3A_671, %or3A_653, %select_n3A_649 : i32
      %shift_right_logical3A_673 = arith.constant -2147483648 : i32
      %shift_right_logical3A_674 = arith.constant 26 : i32
      %shift_right_logical3A_675 = arith.shrui %shift_right_logical3A_673, %shift_right_logical3A_674 : i32
      %or3A_676 = arith.ori %select_n3A_672, %shift_right_logical3A_675 : i32
      %broadcast_in_dim3A_677 = vector.broadcast %or3A_676 : i32 to vector<16xi32>
      %while3A_678 = arith.constant 0 : i32
      %while3A_679 = arith.subi %select_n3A_436, %while3A_678 : i32
      %while3A_680 = arith.addi %while3A_678, %while3A_679 : i32
      %while3A_681 = arith.constant 1 : i32
      %while3A_682 = arith.divsi %while3A_679, %while3A_681 : i32
      %while3A_683 = arith.muli %while3A_682, %while3A_681 : i32
      %while3A_684 = arith.addi %while3A_678, %while3A_683 : i32
      %while3A_685 = arith.constant 1 : i32
      %while3A_686 = scf.for %while3A_868 = %while3A_678 to %while3A_684 step %while3A_685 iter_args(%while3A_869 = %broadcast_in_dim3A_7) -> (vector<16xi32>)  : i32 {
        %mul3A_870 = arith.constant 16 : i32
        %mul3A_871 = arith.muli %while3A_868, %mul3A_870 : i32
        %get3A = arith.index_cast %mul3A_871 : i32 to index
        %get3A_872 = tpu.vector_load %arg6[%get3A] {strides = array<i32>} : memref<1168xi32, #tpu.memory_space<vmem>>, vector<16xi32>,
        %bitcast3A = vector.bitcast %get3A_872 : vector<16xi32> to vector<16xi32>
        %ge3A_873 = arith.cmpi uge, %bitcast3A, %broadcast_in_dim3A_677 : vector<16xi32>
        %select_n3A_874 = arith.select %ge3A_873, %broadcast_in_dim3A_5, %broadcast_in_dim3A_7 : vector<16xi1>, vector<16xi32>
        %add3A_875 = arith.addi %while3A_869, %select_n3A_874 : vector<16xi32>
        scf.yield %add3A_875 : vector<16xi32>
      }
      %while3A_687 = arith.constant 1 : i32
      %while3A_688 = scf.for %while3A_868 = %while3A_684 to %while3A_680 step %while3A_687 iter_args(%while3A_869 = %while3A_686) -> (vector<16xi32>)  : i32 {
        %mul3A_870 = arith.constant 16 : i32
        %mul3A_871 = arith.muli %while3A_868, %mul3A_870 : i32
        %get3A = arith.index_cast %mul3A_871 : i32 to index
        %get3A_872 = tpu.vector_load %arg6[%get3A] {strides = array<i32>} : memref<1168xi32, #tpu.memory_space<vmem>>, vector<16xi32>,
        %bitcast3A = vector.bitcast %get3A_872 : vector<16xi32> to vector<16xi32>
        %ge3A_873 = arith.cmpi uge, %bitcast3A, %broadcast_in_dim3A_677 : vector<16xi32>
        %select_n3A_874 = arith.select %ge3A_873, %broadcast_in_dim3A_5, %broadcast_in_dim3A_7 : vector<16xi1>, vector<16xi32>
        %add3A_875 = arith.addi %while3A_869, %select_n3A_874 : vector<16xi32>
        scf.yield %add3A_875 : vector<16xi32>
      }
      %reduce_sum3A_689 = arith.constant true
      %reduce_sum3A_690 = vector.broadcast %reduce_sum3A_689 : i1 to vector<16xi1>
      %reduce_sum3A_691 = tpu.scan <sum>, %while3A_688 masked %reduce_sum3A_690 : vector<16xi32>, vector<16xi1> -> vector<16xi32>
      %reduce_sum3A_692 = vector.extract %reduce_sum3A_691[15] : i32 from vector<16xi32>
      %add3A_693 = arith.addi %select_n3A_401, %reduce_sum3A_692 : i32
      %ge3A_694 = arith.cmpi sge, %add3A_693, %select_n3A : i32
      %select_n3A_695 = arith.select %ge3A_694, %or3A_676, %select_n3A_672 : i32
      %shift_right_logical3A_696 = arith.constant -2147483648 : i32
      %shift_right_logical3A_697 = arith.constant 27 : i32
      %shift_right_logical3A_698 = arith.shrui %shift_right_logical3A_696, %shift_right_logical3A_697 : i32
      %or3A_699 = arith.ori %select_n3A_695, %shift_right_logical3A_698 : i32
      %broadcast_in_dim3A_700 = vector.broadcast %or3A_699 : i32 to vector<16xi32>
      %while3A_701 = arith.constant 0 : i32
      %while3A_702 = arith.subi %select_n3A_436, %while3A_701 : i32
      %while3A_703 = arith.addi %while3A_701, %while3A_702 : i32
      %while3A_704 = arith.constant 1 : i32
      %while3A_705 = arith.divsi %while3A_702, %while3A_704 : i32
      %while3A_706 = arith.muli %while3A_705, %while3A_704 : i32
      %while3A_707 = arith.addi %while3A_701, %while3A_706 : i32
      %while3A_708 = arith.constant 1 : i32
      %while3A_709 = scf.for %while3A_868 = %while3A_701 to %while3A_707 step %while3A_708 iter_args(%while3A_869 = %broadcast_in_dim3A_7) -> (vector<16xi32>)  : i32 {
        %mul3A_870 = arith.constant 16 : i32
        %mul3A_871 = arith.muli %while3A_868, %mul3A_870 : i32
        %get3A = arith.index_cast %mul3A_871 : i32 to index
        %get3A_872 = tpu.vector_load %arg6[%get3A] {strides = array<i32>} : memref<1168xi32, #tpu.memory_space<vmem>>, vector<16xi32>,
        %bitcast3A = vector.bitcast %get3A_872 : vector<16xi32> to vector<16xi32>
        %ge3A_873 = arith.cmpi uge, %bitcast3A, %broadcast_in_dim3A_700 : vector<16xi32>
        %select_n3A_874 = arith.select %ge3A_873, %broadcast_in_dim3A_5, %broadcast_in_dim3A_7 : vector<16xi1>, vector<16xi32>
        %add3A_875 = arith.addi %while3A_869, %select_n3A_874 : vector<16xi32>
        scf.yield %add3A_875 : vector<16xi32>
      }
      %while3A_710 = arith.constant 1 : i32
      %while3A_711 = scf.for %while3A_868 = %while3A_707 to %while3A_703 step %while3A_710 iter_args(%while3A_869 = %while3A_709) -> (vector<16xi32>)  : i32 {
        %mul3A_870 = arith.constant 16 : i32
        %mul3A_871 = arith.muli %while3A_868, %mul3A_870 : i32
        %get3A = arith.index_cast %mul3A_871 : i32 to index
        %get3A_872 = tpu.vector_load %arg6[%get3A] {strides = array<i32>} : memref<1168xi32, #tpu.memory_space<vmem>>, vector<16xi32>,
        %bitcast3A = vector.bitcast %get3A_872 : vector<16xi32> to vector<16xi32>
        %ge3A_873 = arith.cmpi uge, %bitcast3A, %broadcast_in_dim3A_700 : vector<16xi32>
        %select_n3A_874 = arith.select %ge3A_873, %broadcast_in_dim3A_5, %broadcast_in_dim3A_7 : vector<16xi1>, vector<16xi32>
        %add3A_875 = arith.addi %while3A_869, %select_n3A_874 : vector<16xi32>
        scf.yield %add3A_875 : vector<16xi32>
      }
      %reduce_sum3A_712 = arith.constant true
      %reduce_sum3A_713 = vector.broadcast %reduce_sum3A_712 : i1 to vector<16xi1>
      %reduce_sum3A_714 = tpu.scan <sum>, %while3A_711 masked %reduce_sum3A_713 : vector<16xi32>, vector<16xi1> -> vector<16xi32>
      %reduce_sum3A_715 = vector.extract %reduce_sum3A_714[15] : i32 from vector<16xi32>
      %add3A_716 = arith.addi %select_n3A_401, %reduce_sum3A_715 : i32
      %ge3A_717 = arith.cmpi sge, %add3A_716, %select_n3A : i32
      %select_n3A_718 = arith.select %ge3A_717, %or3A_699, %select_n3A_695 : i32
      %shift_right_logical3A_719 = arith.constant -2147483648 : i32
      %shift_right_logical3A_720 = arith.constant 28 : i32
      %shift_right_logical3A_721 = arith.shrui %shift_right_logical3A_719, %shift_right_logical3A_720 : i32
      %or3A_722 = arith.ori %select_n3A_718, %shift_right_logical3A_721 : i32
      %broadcast_in_dim3A_723 = vector.broadcast %or3A_722 : i32 to vector<16xi32>
      %while3A_724 = arith.constant 0 : i32
      %while3A_725 = arith.subi %select_n3A_436, %while3A_724 : i32
      %while3A_726 = arith.addi %while3A_724, %while3A_725 : i32
      %while3A_727 = arith.constant 1 : i32
      %while3A_728 = arith.divsi %while3A_725, %while3A_727 : i32
      %while3A_729 = arith.muli %while3A_728, %while3A_727 : i32
      %while3A_730 = arith.addi %while3A_724, %while3A_729 : i32
      %while3A_731 = arith.constant 1 : i32
      %while3A_732 = scf.for %while3A_868 = %while3A_724 to %while3A_730 step %while3A_731 iter_args(%while3A_869 = %broadcast_in_dim3A_7) -> (vector<16xi32>)  : i32 {
        %mul3A_870 = arith.constant 16 : i32
        %mul3A_871 = arith.muli %while3A_868, %mul3A_870 : i32
        %get3A = arith.index_cast %mul3A_871 : i32 to index
        %get3A_872 = tpu.vector_load %arg6[%get3A] {strides = array<i32>} : memref<1168xi32, #tpu.memory_space<vmem>>, vector<16xi32>,
        %bitcast3A = vector.bitcast %get3A_872 : vector<16xi32> to vector<16xi32>
        %ge3A_873 = arith.cmpi uge, %bitcast3A, %broadcast_in_dim3A_723 : vector<16xi32>
        %select_n3A_874 = arith.select %ge3A_873, %broadcast_in_dim3A_5, %broadcast_in_dim3A_7 : vector<16xi1>, vector<16xi32>
        %add3A_875 = arith.addi %while3A_869, %select_n3A_874 : vector<16xi32>
        scf.yield %add3A_875 : vector<16xi32>
      }
      %while3A_733 = arith.constant 1 : i32
      %while3A_734 = scf.for %while3A_868 = %while3A_730 to %while3A_726 step %while3A_733 iter_args(%while3A_869 = %while3A_732) -> (vector<16xi32>)  : i32 {
        %mul3A_870 = arith.constant 16 : i32
        %mul3A_871 = arith.muli %while3A_868, %mul3A_870 : i32
        %get3A = arith.index_cast %mul3A_871 : i32 to index
        %get3A_872 = tpu.vector_load %arg6[%get3A] {strides = array<i32>} : memref<1168xi32, #tpu.memory_space<vmem>>, vector<16xi32>,
        %bitcast3A = vector.bitcast %get3A_872 : vector<16xi32> to vector<16xi32>
        %ge3A_873 = arith.cmpi uge, %bitcast3A, %broadcast_in_dim3A_723 : vector<16xi32>
        %select_n3A_874 = arith.select %ge3A_873, %broadcast_in_dim3A_5, %broadcast_in_dim3A_7 : vector<16xi1>, vector<16xi32>
        %add3A_875 = arith.addi %while3A_869, %select_n3A_874 : vector<16xi32>
        scf.yield %add3A_875 : vector<16xi32>
      }
      %reduce_sum3A_735 = arith.constant true
      %reduce_sum3A_736 = vector.broadcast %reduce_sum3A_735 : i1 to vector<16xi1>
      %reduce_sum3A_737 = tpu.scan <sum>, %while3A_734 masked %reduce_sum3A_736 : vector<16xi32>, vector<16xi1> -> vector<16xi32>
      %reduce_sum3A_738 = vector.extract %reduce_sum3A_737[15] : i32 from vector<16xi32>
      %add3A_739 = arith.addi %select_n3A_401, %reduce_sum3A_738 : i32
      %ge3A_740 = arith.cmpi sge, %add3A_739, %select_n3A : i32
      %select_n3A_741 = arith.select %ge3A_740, %or3A_722, %select_n3A_718 : i32
      %shift_right_logical3A_742 = arith.constant -2147483648 : i32
      %shift_right_logical3A_743 = arith.constant 29 : i32
      %shift_right_logical3A_744 = arith.shrui %shift_right_logical3A_742, %shift_right_logical3A_743 : i32
      %or3A_745 = arith.ori %select_n3A_741, %shift_right_logical3A_744 : i32
      %broadcast_in_dim3A_746 = vector.broadcast %or3A_745 : i32 to vector<16xi32>
      %while3A_747 = arith.constant 0 : i32
      %while3A_748 = arith.subi %select_n3A_436, %while3A_747 : i32
      %while3A_749 = arith.addi %while3A_747, %while3A_748 : i32
      %while3A_750 = arith.constant 1 : i32
      %while3A_751 = arith.divsi %while3A_748, %while3A_750 : i32
      %while3A_752 = arith.muli %while3A_751, %while3A_750 : i32
      %while3A_753 = arith.addi %while3A_747, %while3A_752 : i32
      %while3A_754 = arith.constant 1 : i32
      %while3A_755 = scf.for %while3A_868 = %while3A_747 to %while3A_753 step %while3A_754 iter_args(%while3A_869 = %broadcast_in_dim3A_7) -> (vector<16xi32>)  : i32 {
        %mul3A_870 = arith.constant 16 : i32
        %mul3A_871 = arith.muli %while3A_868, %mul3A_870 : i32
        %get3A = arith.index_cast %mul3A_871 : i32 to index
        %get3A_872 = tpu.vector_load %arg6[%get3A] {strides = array<i32>} : memref<1168xi32, #tpu.memory_space<vmem>>, vector<16xi32>,
        %bitcast3A = vector.bitcast %get3A_872 : vector<16xi32> to vector<16xi32>
        %ge3A_873 = arith.cmpi uge, %bitcast3A, %broadcast_in_dim3A_746 : vector<16xi32>
        %select_n3A_874 = arith.select %ge3A_873, %broadcast_in_dim3A_5, %broadcast_in_dim3A_7 : vector<16xi1>, vector<16xi32>
        %add3A_875 = arith.addi %while3A_869, %select_n3A_874 : vector<16xi32>
        scf.yield %add3A_875 : vector<16xi32>
      }
      %while3A_756 = arith.constant 1 : i32
      %while3A_757 = scf.for %while3A_868 = %while3A_753 to %while3A_749 step %while3A_756 iter_args(%while3A_869 = %while3A_755) -> (vector<16xi32>)  : i32 {
        %mul3A_870 = arith.constant 16 : i32
        %mul3A_871 = arith.muli %while3A_868, %mul3A_870 : i32
        %get3A = arith.index_cast %mul3A_871 : i32 to index
        %get3A_872 = tpu.vector_load %arg6[%get3A] {strides = array<i32>} : memref<1168xi32, #tpu.memory_space<vmem>>, vector<16xi32>,
        %bitcast3A = vector.bitcast %get3A_872 : vector<16xi32> to vector<16xi32>
        %ge3A_873 = arith.cmpi uge, %bitcast3A, %broadcast_in_dim3A_746 : vector<16xi32>
        %select_n3A_874 = arith.select %ge3A_873, %broadcast_in_dim3A_5, %broadcast_in_dim3A_7 : vector<16xi1>, vector<16xi32>
        %add3A_875 = arith.addi %while3A_869, %select_n3A_874 : vector<16xi32>
        scf.yield %add3A_875 : vector<16xi32>
      }
      %reduce_sum3A_758 = arith.constant true
      %reduce_sum3A_759 = vector.broadcast %reduce_sum3A_758 : i1 to vector<16xi1>
      %reduce_sum3A_760 = tpu.scan <sum>, %while3A_757 masked %reduce_sum3A_759 : vector<16xi32>, vector<16xi1> -> vector<16xi32>
      %reduce_sum3A_761 = vector.extract %reduce_sum3A_760[15] : i32 from vector<16xi32>
      %add3A_762 = arith.addi %select_n3A_401, %reduce_sum3A_761 : i32
      %ge3A_763 = arith.cmpi sge, %add3A_762, %select_n3A : i32
      %select_n3A_764 = arith.select %ge3A_763, %or3A_745, %select_n3A_741 : i32
      %shift_right_logical3A_765 = arith.constant -2147483648 : i32
      %shift_right_logical3A_766 = arith.constant 30 : i32
      %shift_right_logical3A_767 = arith.shrui %shift_right_logical3A_765, %shift_right_logical3A_766 : i32
      %or3A_768 = arith.ori %select_n3A_764, %shift_right_logical3A_767 : i32
      %broadcast_in_dim3A_769 = vector.broadcast %or3A_768 : i32 to vector<16xi32>
      %while3A_770 = arith.constant 0 : i32
      %while3A_771 = arith.subi %select_n3A_436, %while3A_770 : i32
      %while3A_772 = arith.addi %while3A_770, %while3A_771 : i32
      %while3A_773 = arith.constant 1 : i32
      %while3A_774 = arith.divsi %while3A_771, %while3A_773 : i32
      %while3A_775 = arith.muli %while3A_774, %while3A_773 : i32
      %while3A_776 = arith.addi %while3A_770, %while3A_775 : i32
      %while3A_777 = arith.constant 1 : i32
      %while3A_778 = scf.for %while3A_868 = %while3A_770 to %while3A_776 step %while3A_777 iter_args(%while3A_869 = %broadcast_in_dim3A_7) -> (vector<16xi32>)  : i32 {
        %mul3A_870 = arith.constant 16 : i32
        %mul3A_871 = arith.muli %while3A_868, %mul3A_870 : i32
        %get3A = arith.index_cast %mul3A_871 : i32 to index
        %get3A_872 = tpu.vector_load %arg6[%get3A] {strides = array<i32>} : memref<1168xi32, #tpu.memory_space<vmem>>, vector<16xi32>,
        %bitcast3A = vector.bitcast %get3A_872 : vector<16xi32> to vector<16xi32>
        %ge3A_873 = arith.cmpi uge, %bitcast3A, %broadcast_in_dim3A_769 : vector<16xi32>
        %select_n3A_874 = arith.select %ge3A_873, %broadcast_in_dim3A_5, %broadcast_in_dim3A_7 : vector<16xi1>, vector<16xi32>
        %add3A_875 = arith.addi %while3A_869, %select_n3A_874 : vector<16xi32>
        scf.yield %add3A_875 : vector<16xi32>
      }
      %while3A_779 = arith.constant 1 : i32
      %while3A_780 = scf.for %while3A_868 = %while3A_776 to %while3A_772 step %while3A_779 iter_args(%while3A_869 = %while3A_778) -> (vector<16xi32>)  : i32 {
        %mul3A_870 = arith.constant 16 : i32
        %mul3A_871 = arith.muli %while3A_868, %mul3A_870 : i32
        %get3A = arith.index_cast %mul3A_871 : i32 to index
        %get3A_872 = tpu.vector_load %arg6[%get3A] {strides = array<i32>} : memref<1168xi32, #tpu.memory_space<vmem>>, vector<16xi32>,
        %bitcast3A = vector.bitcast %get3A_872 : vector<16xi32> to vector<16xi32>
        %ge3A_873 = arith.cmpi uge, %bitcast3A, %broadcast_in_dim3A_769 : vector<16xi32>
        %select_n3A_874 = arith.select %ge3A_873, %broadcast_in_dim3A_5, %broadcast_in_dim3A_7 : vector<16xi1>, vector<16xi32>
        %add3A_875 = arith.addi %while3A_869, %select_n3A_874 : vector<16xi32>
        scf.yield %add3A_875 : vector<16xi32>
      }
      %reduce_sum3A_781 = arith.constant true
      %reduce_sum3A_782 = vector.broadcast %reduce_sum3A_781 : i1 to vector<16xi1>
      %reduce_sum3A_783 = tpu.scan <sum>, %while3A_780 masked %reduce_sum3A_782 : vector<16xi32>, vector<16xi1> -> vector<16xi32>
      %reduce_sum3A_784 = vector.extract %reduce_sum3A_783[15] : i32 from vector<16xi32>
      %add3A_785 = arith.addi %select_n3A_401, %reduce_sum3A_784 : i32
      %ge3A_786 = arith.cmpi sge, %add3A_785, %select_n3A : i32
      %select_n3A_787 = arith.select %ge3A_786, %or3A_768, %select_n3A_764 : i32
      %shift_right_logical3A_788 = arith.constant -2147483648 : i32
      %shift_right_logical3A_789 = arith.constant 31 : i32
      %shift_right_logical3A_790 = arith.shrui %shift_right_logical3A_788, %shift_right_logical3A_789 : i32
      %or3A_791 = arith.ori %select_n3A_787, %shift_right_logical3A_790 : i32
      %broadcast_in_dim3A_792 = vector.broadcast %or3A_791 : i32 to vector<16xi32>
      %while3A_793 = arith.constant 0 : i32
      %while3A_794 = arith.subi %select_n3A_436, %while3A_793 : i32
      %while3A_795 = arith.addi %while3A_793, %while3A_794 : i32
      %while3A_796 = arith.constant 1 : i32
      %while3A_797 = arith.divsi %while3A_794, %while3A_796 : i32
      %while3A_798 = arith.muli %while3A_797, %while3A_796 : i32
      %while3A_799 = arith.addi %while3A_793, %while3A_798 : i32
      %while3A_800 = arith.constant 1 : i32
      %while3A_801 = scf.for %while3A_868 = %while3A_793 to %while3A_799 step %while3A_800 iter_args(%while3A_869 = %broadcast_in_dim3A_7) -> (vector<16xi32>)  : i32 {
        %mul3A_870 = arith.constant 16 : i32
        %mul3A_871 = arith.muli %while3A_868, %mul3A_870 : i32
        %get3A = arith.index_cast %mul3A_871 : i32 to index
        %get3A_872 = tpu.vector_load %arg6[%get3A] {strides = array<i32>} : memref<1168xi32, #tpu.memory_space<vmem>>, vector<16xi32>,
        %bitcast3A = vector.bitcast %get3A_872 : vector<16xi32> to vector<16xi32>
        %ge3A_873 = arith.cmpi uge, %bitcast3A, %broadcast_in_dim3A_792 : vector<16xi32>
        %select_n3A_874 = arith.select %ge3A_873, %broadcast_in_dim3A_5, %broadcast_in_dim3A_7 : vector<16xi1>, vector<16xi32>
        %add3A_875 = arith.addi %while3A_869, %select_n3A_874 : vector<16xi32>
        scf.yield %add3A_875 : vector<16xi32>
      }
      %while3A_802 = arith.constant 1 : i32
      %while3A_803 = scf.for %while3A_868 = %while3A_799 to %while3A_795 step %while3A_802 iter_args(%while3A_869 = %while3A_801) -> (vector<16xi32>)  : i32 {
        %mul3A_870 = arith.constant 16 : i32
        %mul3A_871 = arith.muli %while3A_868, %mul3A_870 : i32
        %get3A = arith.index_cast %mul3A_871 : i32 to index
        %get3A_872 = tpu.vector_load %arg6[%get3A] {strides = array<i32>} : memref<1168xi32, #tpu.memory_space<vmem>>, vector<16xi32>,
        %bitcast3A = vector.bitcast %get3A_872 : vector<16xi32> to vector<16xi32>
        %ge3A_873 = arith.cmpi uge, %bitcast3A, %broadcast_in_dim3A_792 : vector<16xi32>
        %select_n3A_874 = arith.select %ge3A_873, %broadcast_in_dim3A_5, %broadcast_in_dim3A_7 : vector<16xi1>, vector<16xi32>
        %add3A_875 = arith.addi %while3A_869, %select_n3A_874 : vector<16xi32>
        scf.yield %add3A_875 : vector<16xi32>
      }
      %reduce_sum3A_804 = arith.constant true
      %reduce_sum3A_805 = vector.broadcast %reduce_sum3A_804 : i1 to vector<16xi1>
      %reduce_sum3A_806 = tpu.scan <sum>, %while3A_803 masked %reduce_sum3A_805 : vector<16xi32>, vector<16xi1> -> vector<16xi32>
      %reduce_sum3A_807 = vector.extract %reduce_sum3A_806[15] : i32 from vector<16xi32>
      %add3A_808 = arith.addi %select_n3A_401, %reduce_sum3A_807 : i32
      %ge3A_809 = arith.cmpi sge, %add3A_808, %select_n3A : i32
      %select_n3A_810 = arith.select %ge3A_809, %or3A_791, %select_n3A_787 : i32
      %broadcast_in_dim3A_811 = vector.broadcast %select_n3A_810 : i32 to vector<16xi32>
      %broadcast_in_dim3A_812 = vector.broadcast %select_n3A_810 : i32 to vector<16xi32>
      %while3A_813 = arith.constant 0 : i32
      %while3A_814 = arith.subi %select_n3A_21, %while3A_813 : i32
      %while3A_815 = arith.addi %while3A_813, %while3A_814 : i32
      %while3A_816 = arith.constant 1 : i32
      %while3A_817 = arith.divsi %while3A_814, %while3A_816 : i32
      %while3A_818 = arith.muli %while3A_817, %while3A_816 : i32
      %while3A_819 = arith.addi %while3A_813, %while3A_818 : i32
      %while3A_820 = arith.constant 1 : i32
      %while3A_821 = scf.for %while3A_868 = %while3A_813 to %while3A_819 step %while3A_820 iter_args(%while3A_869 = %broadcast_in_dim3A_7) -> (vector<16xi32>)  : i32 {
        %mul3A_870 = arith.constant 16 : i32
        %mul3A_871 = arith.muli %while3A_868, %mul3A_870 : i32
        %get3A = arith.index_cast %mul3A_871 : i32 to index
        %get3A_872 = tpu.vector_load %arg4[%get3A] {strides = array<i32>} : memref<1152xi32, #tpu.memory_space<vmem>>, vector<16xi32>,
        %ge3A_873 = arith.cmpi uge, %get3A_872, %broadcast_in_dim3A_812 : vector<16xi32>
        %select_n3A_874 = arith.select %ge3A_873, %broadcast_in_dim3A_5, %broadcast_in_dim3A_7 : vector<16xi1>, vector<16xi32>
        %add3A_875 = arith.addi %while3A_869, %select_n3A_874 : vector<16xi32>
        scf.yield %add3A_875 : vector<16xi32>
      }
      %while3A_822 = arith.constant 1 : i32
      %while3A_823 = scf.for %while3A_868 = %while3A_819 to %while3A_815 step %while3A_822 iter_args(%while3A_869 = %while3A_821) -> (vector<16xi32>)  : i32 {
        %mul3A_870 = arith.constant 16 : i32
        %mul3A_871 = arith.muli %while3A_868, %mul3A_870 : i32
        %get3A = arith.index_cast %mul3A_871 : i32 to index
        %get3A_872 = tpu.vector_load %arg4[%get3A] {strides = array<i32>} : memref<1152xi32, #tpu.memory_space<vmem>>, vector<16xi32>,
        %ge3A_873 = arith.cmpi uge, %get3A_872, %broadcast_in_dim3A_812 : vector<16xi32>
        %select_n3A_874 = arith.select %ge3A_873, %broadcast_in_dim3A_5, %broadcast_in_dim3A_7 : vector<16xi1>, vector<16xi32>
        %add3A_875 = arith.addi %while3A_869, %select_n3A_874 : vector<16xi32>
        scf.yield %add3A_875 : vector<16xi32>
      }
      %reduce_sum3A_824 = arith.constant true
      %reduce_sum3A_825 = vector.broadcast %reduce_sum3A_824 : i1 to vector<16xi1>
      %reduce_sum3A_826 = tpu.scan <sum>, %while3A_823 masked %reduce_sum3A_825 : vector<16xi32>, vector<16xi1> -> vector<16xi32>
      %reduce_sum3A_827 = vector.extract %reduce_sum3A_826[15] : i32 from vector<16xi32>
      %while3A_828 = arith.constant 0 : i32
      %while3A_829 = arith.subi %select_n3A_21, %while3A_828 : i32
      %while3A_830 = arith.addi %while3A_828, %while3A_829 : i32
      %while3A_831 = arith.constant 1 : i32
      %while3A_832 = arith.divsi %while3A_829, %while3A_831 : i32
      %while3A_833 = arith.muli %while3A_832, %while3A_831 : i32
      %while3A_834 = arith.addi %while3A_828, %while3A_833 : i32
      %while3A_835 = arith.constant 1 : i32
      %while3A_836 = scf.for %while3A_868 = %while3A_828 to %while3A_834 step %while3A_835 iter_args(%while3A_869 = %broadcast_in_dim3A_7) -> (vector<16xi32>)  : i32 {
        %mul3A_870 = arith.constant 16 : i32
        %mul3A_871 = arith.muli %while3A_868, %mul3A_870 : i32
        %get3A = arith.index_cast %mul3A_871 : i32 to index
        %get3A_872 = tpu.vector_load %arg4[%get3A] {strides = array<i32>} : memref<1152xi32, #tpu.memory_space<vmem>>, vector<16xi32>,
        %eq3A_873 = arith.cmpi eq, %get3A_872, %broadcast_in_dim3A_811 : vector<16xi32>
        %select_n3A_874 = arith.select %eq3A_873, %broadcast_in_dim3A_5, %broadcast_in_dim3A_7 : vector<16xi1>, vector<16xi32>
        %add3A_875 = arith.addi %while3A_869, %select_n3A_874 : vector<16xi32>
        scf.yield %add3A_875 : vector<16xi32>
      }
      %while3A_837 = arith.constant 1 : i32
      %while3A_838 = scf.for %while3A_868 = %while3A_834 to %while3A_830 step %while3A_837 iter_args(%while3A_869 = %while3A_836) -> (vector<16xi32>)  : i32 {
        %mul3A_870 = arith.constant 16 : i32
        %mul3A_871 = arith.muli %while3A_868, %mul3A_870 : i32
        %get3A = arith.index_cast %mul3A_871 : i32 to index
        %get3A_872 = tpu.vector_load %arg4[%get3A] {strides = array<i32>} : memref<1152xi32, #tpu.memory_space<vmem>>, vector<16xi32>,
        %eq3A_873 = arith.cmpi eq, %get3A_872, %broadcast_in_dim3A_811 : vector<16xi32>
        %select_n3A_874 = arith.select %eq3A_873, %broadcast_in_dim3A_5, %broadcast_in_dim3A_7 : vector<16xi1>, vector<16xi32>
        %add3A_875 = arith.addi %while3A_869, %select_n3A_874 : vector<16xi32>
        scf.yield %add3A_875 : vector<16xi32>
      }
      %reduce_sum3A_839 = arith.constant true
      %reduce_sum3A_840 = vector.broadcast %reduce_sum3A_839 : i1 to vector<16xi1>
      %reduce_sum3A_841 = tpu.scan <sum>, %while3A_838 masked %reduce_sum3A_840 : vector<16xi32>, vector<16xi1> -> vector<16xi32>
      %reduce_sum3A_842 = vector.extract %reduce_sum3A_841[15] : i32 from vector<16xi32>
      %sub3A_843 = arith.subi %reduce_sum3A_827, %reduce_sum3A_842 : i32
      %sub3A_844 = arith.subi %select_n3A, %sub3A_843 : i32
      %broadcast_in_dim3A_845 = vector.broadcast %sub3A_844 : i32 to vector<16xi32>
      %while3A_846 = arith.constant 0 : i32
      %while3A_847 = arith.constant 0 : i32
      %while3A_848 = arith.subi %select_n3A_21, %while3A_846 : i32
      %while3A_849 = arith.addi %while3A_846, %while3A_848 : i32
      %while3A_850 = arith.constant 1 : i32
      %while3A_851 = arith.divsi %while3A_848, %while3A_850 : i32
      %while3A_852 = arith.muli %while3A_851, %while3A_850 : i32
      %while3A_853 = arith.addi %while3A_846, %while3A_852 : i32
      %while3A_854 = arith.constant 1 : i32
      %while3A_855 = scf.for %while3A_868 = %while3A_846 to %while3A_853 step %while3A_854 iter_args(%while3A_869 = %while3A_847) -> (i32)  : i32 {
        %mul3A_870 = arith.constant 16 : i32
        %mul3A_871 = arith.muli %while3A_868, %mul3A_870 : i32
        %get3A = arith.index_cast %mul3A_871 : i32 to index
        %get3A_872 = tpu.vector_load %arg4[%get3A] {strides = array<i32>} : memref<1152xi32, #tpu.memory_space<vmem>>, vector<16xi32>,
        %eq3A_873 = arith.cmpi eq, %get3A_872, %broadcast_in_dim3A_811 : vector<16xi32>
        %select_n3A_874 = arith.select %eq3A_873, %broadcast_in_dim3A_5, %broadcast_in_dim3A_7 : vector<16xi1>, vector<16xi32>
        %broadcast_in_dim3A_875 = arith.constant true
        %broadcast_in_dim3A_876 = vector.broadcast %broadcast_in_dim3A_875 : i1 to vector<16xi1>
        %masked_cumsum3A = tpu.scan <sum>, %select_n3A_874 masked %broadcast_in_dim3A_876 : vector<16xi32>, vector<16xi1> -> vector<16xi32>
        %broadcast_in_dim3A_877 = vector.broadcast %while3A_869 : i32 to vector<16xi32>
        %add3A_878 = arith.addi %masked_cumsum3A, %broadcast_in_dim3A_877 : vector<16xi32>
        %gt3A = arith.cmpi ugt, %get3A_872, %broadcast_in_dim3A_811 : vector<16xi32>
        %le3A = arith.cmpi sle, %add3A_878, %broadcast_in_dim3A_845 : vector<16xi32>
        %and3A_879 = arith.andi %eq3A_873, %le3A : vector<16xi1>
        %or3A_880 = arith.ori %gt3A, %and3A_879 : vector<16xi1>
        %select_n3A_881 = arith.select %or3A_880, %broadcast_in_dim3A_1, %broadcast_in_dim3A_3 : vector<16xi1>, vector<16xf32>
        %mul3A_882 = arith.constant 16 : i32
        %mul3A_883 = arith.muli %while3A_868, %mul3A_882 : i32
        %swap3A = arith.index_cast %mul3A_883 : i32 to index
        %swap3A_884 = tpu.vector_load %arg5[%swap3A] {strides = array<i32>} : memref<1152xf32, #tpu.memory_space<vmem>>, vector<16xf32>,
        tpu.vector_store %arg5[%swap3A], %select_n3A_881 {strides = array<i32>} : memref<1152xf32, #tpu.memory_space<vmem>>, vector<16xf32>,
        %reduce_sum3A_885 = arith.constant true
        %reduce_sum3A_886 = vector.broadcast %reduce_sum3A_885 : i1 to vector<16xi1>
        %reduce_sum3A_887 = tpu.scan <sum>, %select_n3A_874 masked %reduce_sum3A_886 : vector<16xi32>, vector<16xi1> -> vector<16xi32>
        %reduce_sum3A_888 = vector.extract %reduce_sum3A_887[15] : i32 from vector<16xi32>
        %add3A_889 = arith.addi %while3A_869, %reduce_sum3A_888 : i32
        scf.yield %add3A_889 : i32
      }
      %while3A_856 = arith.constant 1 : i32
      %while3A_857 = scf.for %while3A_868 = %while3A_853 to %while3A_849 step %while3A_856 iter_args(%while3A_869 = %while3A_855) -> (i32)  : i32 {
        %mul3A_870 = arith.constant 16 : i32
        %mul3A_871 = arith.muli %while3A_868, %mul3A_870 : i32
        %get3A = arith.index_cast %mul3A_871 : i32 to index
        %get3A_872 = tpu.vector_load %arg4[%get3A] {strides = array<i32>} : memref<1152xi32, #tpu.memory_space<vmem>>, vector<16xi32>,
        %eq3A_873 = arith.cmpi eq, %get3A_872, %broadcast_in_dim3A_811 : vector<16xi32>
        %select_n3A_874 = arith.select %eq3A_873, %broadcast_in_dim3A_5, %broadcast_in_dim3A_7 : vector<16xi1>, vector<16xi32>
        %broadcast_in_dim3A_875 = arith.constant true
        %broadcast_in_dim3A_876 = vector.broadcast %broadcast_in_dim3A_875 : i1 to vector<16xi1>
        %masked_cumsum3A = tpu.scan <sum>, %select_n3A_874 masked %broadcast_in_dim3A_876 : vector<16xi32>, vector<16xi1> -> vector<16xi32>
        %broadcast_in_dim3A_877 = vector.broadcast %while3A_869 : i32 to vector<16xi32>
        %add3A_878 = arith.addi %masked_cumsum3A, %broadcast_in_dim3A_877 : vector<16xi32>
        %gt3A = arith.cmpi ugt, %get3A_872, %broadcast_in_dim3A_811 : vector<16xi32>
        %le3A = arith.cmpi sle, %add3A_878, %broadcast_in_dim3A_845 : vector<16xi32>
        %and3A_879 = arith.andi %eq3A_873, %le3A : vector<16xi1>
        %or3A_880 = arith.ori %gt3A, %and3A_879 : vector<16xi1>
        %select_n3A_881 = arith.select %or3A_880, %broadcast_in_dim3A_1, %broadcast_in_dim3A_3 : vector<16xi1>, vector<16xf32>
        %mul3A_882 = arith.constant 16 : i32
        %mul3A_883 = arith.muli %while3A_868, %mul3A_882 : i32
        %swap3A = arith.index_cast %mul3A_883 : i32 to index
        %swap3A_884 = tpu.vector_load %arg5[%swap3A] {strides = array<i32>} : memref<1152xf32, #tpu.memory_space<vmem>>, vector<16xf32>,
        tpu.vector_store %arg5[%swap3A], %select_n3A_881 {strides = array<i32>} : memref<1152xf32, #tpu.memory_space<vmem>>, vector<16xf32>,
        %reduce_sum3A_885 = arith.constant true
        %reduce_sum3A_886 = vector.broadcast %reduce_sum3A_885 : i1 to vector<16xi1>
        %reduce_sum3A_887 = tpu.scan <sum>, %select_n3A_874 masked %reduce_sum3A_886 : vector<16xi32>, vector<16xi1> -> vector<16xi32>
        %reduce_sum3A_888 = vector.extract %reduce_sum3A_887[15] : i32 from vector<16xi32>
        %add3A_889 = arith.addi %while3A_869, %reduce_sum3A_888 : i32
        scf.yield %add3A_889 : i32
      }
      %while3A_858 = arith.constant 0 : i32
      %while3A_859 = arith.constant 72 : i32
      %while3A_860 = arith.subi %while3A_859, %select_n3A_21 : i32
      %while3A_861 = arith.addi %select_n3A_21, %while3A_860 : i32
      %while3A_862 = arith.constant 1 : i32
      %while3A_863 = arith.divsi %while3A_860, %while3A_862 : i32
      %while3A_864 = arith.muli %while3A_863, %while3A_862 : i32
      %while3A_865 = arith.addi %select_n3A_21, %while3A_864 : i32
      %while3A_866 = arith.constant 1 : i32
      scf.for %while3A_868 = %select_n3A_21 to %while3A_865 step %while3A_866  : i32 {
        %mul3A_869 = arith.constant 16 : i32
        %mul3A_870 = arith.muli %while3A_868, %mul3A_869 : i32
        %swap3A = arith.index_cast %mul3A_870 : i32 to index
        %swap3A_871 = tpu.vector_load %arg5[%swap3A] {strides = array<i32>} : memref<1152xf32, #tpu.memory_space<vmem>>, vector<16xf32>,
        tpu.vector_store %arg5[%swap3A], %broadcast_in_dim3A_3 {strides = array<i32>} : memref<1152xf32, #tpu.memory_space<vmem>>, vector<16xf32>,
      }
      %while3A_867 = arith.constant 1 : i32
      scf.for %while3A_868 = %while3A_865 to %while3A_861 step %while3A_867  : i32 {
        %mul3A_869 = arith.constant 16 : i32
        %mul3A_870 = arith.muli %while3A_868, %mul3A_869 : i32
        %swap3A = arith.index_cast %mul3A_870 : i32 to index
        %swap3A_871 = tpu.vector_load %arg5[%swap3A] {strides = array<i32>} : memref<1152xf32, #tpu.memory_space<vmem>>, vector<16xf32>,
        tpu.vector_store %arg5[%swap3A], %broadcast_in_dim3A_3 {strides = array<i32>} : memref<1152xf32, #tpu.memory_space<vmem>>, vector<16xf32>,
      }
      "tpu.region"() ({
        %run_scoped3A = tpu.sem_alloc : memref<!tpu.dma_semaphore, #tpu.memory_space<semaphore_mem>>
        %dma_start3A = arith.constant 0 : i32
        %dma_start3A_868 = tpu.memref_slice %arg3[%add3A_16, %dma_start3A] : memref<192x1152xf32, #tpu.memory_space<hbm>> -> memref<1x1152xf32, #tpu.memory_space<hbm>>
        %dma_start3A_869 = tpu.memref_squeeze %dma_start3A_868 : memref<1x1152xf32, #tpu.memory_space<hbm>> -> memref<1152xf32, #tpu.memory_space<hbm>>
        %dma_start3A_870 = arith.constant 0 : i32
        %dma_start3A_871 = tpu.memref_slice %arg3[%add3A_16, %dma_start3A_870] : memref<192x1152xf32, #tpu.memory_space<hbm>> -> memref<1x1152xf32, #tpu.memory_space<hbm>>
        %dma_start3A_872 = tpu.memref_squeeze %dma_start3A_871 : memref<1x1152xf32, #tpu.memory_space<hbm>> -> memref<1152xf32, #tpu.memory_space<hbm>>
        tpu.enqueue_dma source(%arg5 : memref<1152xf32, #tpu.memory_space<vmem>>) target(%dma_start3A_872 : memref<1152xf32, #tpu.memory_space<hbm>>) target_semaphore(%run_scoped3A : memref<!tpu.dma_semaphore, #tpu.memory_space<semaphore_mem>>)
        %dma_wait3A = arith.constant 0 : i32
        %dma_wait3A_873 = tpu.memref_slice %arg3[%add3A_16, %dma_wait3A] : memref<192x1152xf32, #tpu.memory_space<hbm>> -> memref<1x1152xf32, #tpu.memory_space<hbm>>
        %dma_wait3A_874 = tpu.memref_squeeze %dma_wait3A_873 : memref<1x1152xf32, #tpu.memory_space<hbm>> -> memref<1152xf32, #tpu.memory_space<hbm>>
        %dma_wait3A_875 = arith.constant 0 : i32
        %dma_wait3A_876 = tpu.memref_slice %arg3[%add3A_16, %dma_wait3A_875] : memref<192x1152xf32, #tpu.memory_space<hbm>> -> memref<1x1152xf32, #tpu.memory_space<hbm>>
        %dma_wait3A_877 = tpu.memref_squeeze %dma_wait3A_876 : memref<1x1152xf32, #tpu.memory_space<hbm>> -> memref<1152xf32, #tpu.memory_space<hbm>>
        tpu.wait_dma2 semaphore(%run_scoped3A : memref<!tpu.dma_semaphore, #tpu.memory_space<semaphore_mem>>) src(%arg5 : memref<1152xf32, #tpu.memory_space<vmem>>) dst(%dma_wait3A_877 : memref<1152xf32, #tpu.memory_space<hbm>>)
        tpu.yield
      }) : () -> ()
    }
    %scan3A_12 = arith.constant 6 : i32
    return
  }
}

module attributes {stable_mosaic.version = 14 : i64} {
  func.func @_projq_body(%arg0: memref<96x768xf32, #tpu.memory_space<vmem>>, %arg1: memref<768x768xf32, #tpu.memory_space<vmem>>, %arg2: memref<1x768xf32, #tpu.memory_space<vmem>>, %arg3: memref<96x768xf32, #tpu.memory_space<vmem>>) attributes {dimension_semantics = [], scalar_prefetch = 0 : i64, scratch_operands = 0 : i64, tpu.core_type = #tpu.core_type<tc>} {
    %get3A = arith.constant 0 : index
    %get3A_0 = arith.constant 0 : index
    %get3A_1 = vector.load %arg0[%get3A, %get3A_0] : memref<96x768xf32, #tpu.memory_space<vmem>>, vector<96x768xf32>
    %get3A_2 = arith.constant 0 : index
    %get3A_3 = arith.constant 0 : index
    %get3A_4 = vector.load %arg1[%get3A_2, %get3A_3] : memref<768x768xf32, #tpu.memory_space<vmem>>, vector<768x768xf32>
    %dot_general3A = arith.constant dense<0.000000e+00> : vector<96x768xf32>
    %dot_general3A_5 = tpu.matmul %get3A_1, %get3A_4, %dot_general3A {dimension_numbers = #tpu.dot_dimension_numbers<[1], [1], [0], [0], [0, 0, 1, 0], [], []>, transpose_lhs_hint = false} : vector<96x768xf32>, vector<768x768xf32>, vector<96x768xf32> -> vector<96x768xf32>
    %get3A_6 = arith.constant 0 : index
    %get3A_7 = arith.constant 0 : index
    %get3A_8 = vector.load %arg2[%get3A_6, %get3A_7] : memref<1x768xf32, #tpu.memory_space<vmem>>, vector<1x768xf32>
    %add3A = vector.broadcast %get3A_8 : vector<1x768xf32> to vector<96x768xf32>
    %add3A_9 = arith.addf %dot_general3A_5, %add3A : vector<96x768xf32>
    %swap3A = arith.constant 0 : index
    %swap3A_10 = arith.constant 0 : index
    %swap3A_11 = vector.load %arg3[%swap3A, %swap3A_10] : memref<96x768xf32, #tpu.memory_space<vmem>>, vector<96x768xf32>
    tpu.vector_store %arg3[%swap3A, %swap3A_10], %add3A_9 {strides = array<i32>} : memref<96x768xf32, #tpu.memory_space<vmem>>, vector<96x768xf32>,
    return
  }
}

module attributes {stable_mosaic.version = 14 : i64} {
  func.func @_logits_body(%arg0: i32, %arg1: memref<4x576x768xf32, #tpu.memory_space<vmem>>, %arg2: memref<768x768xf32, #tpu.memory_space<vmem>>, %arg3: memref<1x768xf32, #tpu.memory_space<vmem>>, %arg4: memref<4x8x768xf32, #tpu.memory_space<vmem>>, %arg5: memref<4x8x576xf32, #tpu.memory_space<vmem>>, %arg6: memref<4x8x576xf32, #tpu.memory_space<vmem>>) attributes {dimension_semantics = [#tpu.dimension_semantics<arbitrary>], iteration_bounds = array<i64: 8>, scalar_prefetch = 0 : i64, scratch_operands = 0 : i64, tpu.core_type = #tpu.core_type<tc>, window_params = [{transform_indices = @transform_0, window_bounds = array<i64: 4, 576, 768>}, {pipeline_mode = #tpu.pipeline_mode<synchronous>, transform_indices = @transform_1, window_bounds = array<i64: 768, 768>}, {pipeline_mode = #tpu.pipeline_mode<synchronous>, transform_indices = @transform_2, window_bounds = array<i64: 1, 768>}, {transform_indices = @transform_3, window_bounds = array<i64: 4, 8, 768>}, {transform_indices = @transform_4, window_bounds = array<i64: 4, 8, 576>}, {transform_indices = @transform_5, window_bounds = array<i64: 4, 8, 576>}]} {
    %get3A = arith.constant 0 : index
    %get3A_0 = arith.constant 0 : index
    %get3A_1 = arith.constant 0 : index
    %get3A_2 = vector.load %arg1[%get3A, %get3A_0, %get3A_1] : memref<4x576x768xf32, #tpu.memory_space<vmem>>, vector<4x576x768xf32>
    %reshape3A = vector.shape_cast %get3A_2 : vector<4x576x768xf32> to vector<2304x768xf32>
    %get3A_3 = arith.constant 0 : index
    %get3A_4 = arith.constant 0 : index
    %get3A_5 = vector.load %arg2[%get3A_3, %get3A_4] : memref<768x768xf32, #tpu.memory_space<vmem>>, vector<768x768xf32>
    %dot_general3A = arith.constant dense<0.000000e+00> : vector<2304x768xf32>
    %dot_general3A_6 = tpu.matmul %reshape3A, %get3A_5, %dot_general3A {dimension_numbers = #tpu.dot_dimension_numbers<[1], [1], [0], [0], [0, 0, 1, 0], [], []>, transpose_lhs_hint = false} : vector<2304x768xf32>, vector<768x768xf32>, vector<2304x768xf32> -> vector<2304x768xf32>
    %get3A_7 = arith.constant 0 : index
    %get3A_8 = arith.constant 0 : index
    %get3A_9 = vector.load %arg3[%get3A_7, %get3A_8] : memref<1x768xf32, #tpu.memory_space<vmem>>, vector<1x768xf32>
    %add3A = vector.broadcast %get3A_9 : vector<1x768xf32> to vector<2304x768xf32>
    %add3A_10 = arith.addf %dot_general3A_6, %add3A : vector<2304x768xf32>
    %get3A_11 = arith.constant 0 : index
    %get3A_12 = arith.constant 0 : index
    %get3A_13 = arith.constant 0 : index
    %get3A_14 = vector.load %arg4[%get3A_11, %get3A_12, %get3A_13] : memref<4x8x768xf32, #tpu.memory_space<vmem>>, vector<1x8x768xf32>
    %get3A_15 = vector.shape_cast %get3A_14 : vector<1x8x768xf32> to vector<8x768xf32>
    %slice3A = vector.extract_strided_slice %add3A_10 {offsets = [0, 0], sizes = [576, 768], strides = [1, 1]} : vector<2304x768xf32> to vector<576x768xf32>
    %slice3A_16 = vector.extract_strided_slice %reshape3A {offsets = [0, 0], sizes = [576, 768], strides = [1, 1]} : vector<2304x768xf32> to vector<576x768xf32>
    %dot_general3A_17 = arith.constant dense<0.000000e+00> : vector<8x576xf32>
    %dot_general3A_18 = tpu.matmul %get3A_15, %slice3A, %dot_general3A_17 {dimension_numbers = #tpu.dot_dimension_numbers<[1], [1], [0], [0], [0, 0, 1, 0], [], []>, transpose_lhs_hint = false} : vector<8x768xf32>, vector<576x768xf32>, vector<8x576xf32> -> vector<8x576xf32>
    %swap3A = arith.constant 0 : index
    %swap3A_19 = arith.constant 0 : index
    %swap3A_20 = arith.constant 0 : index
    %swap3A_21 = vector.load %arg5[%swap3A, %swap3A_19, %swap3A_20] : memref<4x8x576xf32, #tpu.memory_space<vmem>>, vector<1x8x576xf32>
    %swap3A_22 = vector.shape_cast %swap3A_21 : vector<1x8x576xf32> to vector<8x576xf32>
    %swap3A_23 = vector.shape_cast %dot_general3A_18 : vector<8x576xf32> to vector<1x8x576xf32>
    tpu.vector_store %arg5[%swap3A, %swap3A_19, %swap3A_20], %swap3A_23 {strides = array<i32>} : memref<4x8x576xf32, #tpu.memory_space<vmem>>, vector<1x8x576xf32>,
    %dot_general3A_24 = arith.constant dense<0.000000e+00> : vector<8x576xf32>
    %dot_general3A_25 = tpu.matmul %get3A_15, %slice3A_16, %dot_general3A_24 {dimension_numbers = #tpu.dot_dimension_numbers<[1], [1], [0], [0], [0, 0, 1, 0], [], []>, transpose_lhs_hint = false} : vector<8x768xf32>, vector<576x768xf32>, vector<8x576xf32> -> vector<8x576xf32>
    %swap3A_26 = arith.constant 0 : index
    %swap3A_27 = arith.constant 0 : index
    %swap3A_28 = arith.constant 0 : index
    %swap3A_29 = vector.load %arg6[%swap3A_26, %swap3A_27, %swap3A_28] : memref<4x8x576xf32, #tpu.memory_space<vmem>>, vector<1x8x576xf32>
    %swap3A_30 = vector.shape_cast %swap3A_29 : vector<1x8x576xf32> to vector<8x576xf32>
    %swap3A_31 = vector.shape_cast %dot_general3A_25 : vector<8x576xf32> to vector<1x8x576xf32>
    tpu.vector_store %arg6[%swap3A_26, %swap3A_27, %swap3A_28], %swap3A_31 {strides = array<i32>} : memref<4x8x576xf32, #tpu.memory_space<vmem>>, vector<1x8x576xf32>,
    %get3A_32 = arith.constant 1 : index
    %get3A_33 = arith.constant 0 : index
    %get3A_34 = arith.constant 0 : index
    %get3A_35 = vector.load %arg4[%get3A_32, %get3A_33, %get3A_34] : memref<4x8x768xf32, #tpu.memory_space<vmem>>, vector<1x8x768xf32>
    %get3A_36 = vector.shape_cast %get3A_35 : vector<1x8x768xf32> to vector<8x768xf32>
    %slice3A_37 = vector.extract_strided_slice %add3A_10 {offsets = [576, 0], sizes = [576, 768], strides = [1, 1]} : vector<2304x768xf32> to vector<576x768xf32>
    %slice3A_38 = vector.extract_strided_slice %reshape3A {offsets = [576, 0], sizes = [576, 768], strides = [1, 1]} : vector<2304x768xf32> to vector<576x768xf32>
    %dot_general3A_39 = arith.constant dense<0.000000e+00> : vector<8x576xf32>
    %dot_general3A_40 = tpu.matmul %get3A_36, %slice3A_37, %dot_general3A_39 {dimension_numbers = #tpu.dot_dimension_numbers<[1], [1], [0], [0], [0, 0, 1, 0], [], []>, transpose_lhs_hint = false} : vector<8x768xf32>, vector<576x768xf32>, vector<8x576xf32> -> vector<8x576xf32>
    %swap3A_41 = arith.constant 1 : index
    %swap3A_42 = arith.constant 0 : index
    %swap3A_43 = arith.constant 0 : index
    %swap3A_44 = vector.load %arg5[%swap3A_41, %swap3A_42, %swap3A_43] : memref<4x8x576xf32, #tpu.memory_space<vmem>>, vector<1x8x576xf32>
    %swap3A_45 = vector.shape_cast %swap3A_44 : vector<1x8x576xf32> to vector<8x576xf32>
    %swap3A_46 = vector.shape_cast %dot_general3A_40 : vector<8x576xf32> to vector<1x8x576xf32>
    tpu.vector_store %arg5[%swap3A_41, %swap3A_42, %swap3A_43], %swap3A_46 {strides = array<i32>} : memref<4x8x576xf32, #tpu.memory_space<vmem>>, vector<1x8x576xf32>,
    %dot_general3A_47 = arith.constant dense<0.000000e+00> : vector<8x576xf32>
    %dot_general3A_48 = tpu.matmul %get3A_36, %slice3A_38, %dot_general3A_47 {dimension_numbers = #tpu.dot_dimension_numbers<[1], [1], [0], [0], [0, 0, 1, 0], [], []>, transpose_lhs_hint = false} : vector<8x768xf32>, vector<576x768xf32>, vector<8x576xf32> -> vector<8x576xf32>
    %swap3A_49 = arith.constant 1 : index
    %swap3A_50 = arith.constant 0 : index
    %swap3A_51 = arith.constant 0 : index
    %swap3A_52 = vector.load %arg6[%swap3A_49, %swap3A_50, %swap3A_51] : memref<4x8x576xf32, #tpu.memory_space<vmem>>, vector<1x8x576xf32>
    %swap3A_53 = vector.shape_cast %swap3A_52 : vector<1x8x576xf32> to vector<8x576xf32>
    %swap3A_54 = vector.shape_cast %dot_general3A_48 : vector<8x576xf32> to vector<1x8x576xf32>
    tpu.vector_store %arg6[%swap3A_49, %swap3A_50, %swap3A_51], %swap3A_54 {strides = array<i32>} : memref<4x8x576xf32, #tpu.memory_space<vmem>>, vector<1x8x576xf32>,
    %get3A_55 = arith.constant 2 : index
    %get3A_56 = arith.constant 0 : index
    %get3A_57 = arith.constant 0 : index
    %get3A_58 = vector.load %arg4[%get3A_55, %get3A_56, %get3A_57] : memref<4x8x768xf32, #tpu.memory_space<vmem>>, vector<1x8x768xf32>
    %get3A_59 = vector.shape_cast %get3A_58 : vector<1x8x768xf32> to vector<8x768xf32>
    %slice3A_60 = vector.extract_strided_slice %add3A_10 {offsets = [1152, 0], sizes = [576, 768], strides = [1, 1]} : vector<2304x768xf32> to vector<576x768xf32>
    %slice3A_61 = vector.extract_strided_slice %reshape3A {offsets = [1152, 0], sizes = [576, 768], strides = [1, 1]} : vector<2304x768xf32> to vector<576x768xf32>
    %dot_general3A_62 = arith.constant dense<0.000000e+00> : vector<8x576xf32>
    %dot_general3A_63 = tpu.matmul %get3A_59, %slice3A_60, %dot_general3A_62 {dimension_numbers = #tpu.dot_dimension_numbers<[1], [1], [0], [0], [0, 0, 1, 0], [], []>, transpose_lhs_hint = false} : vector<8x768xf32>, vector<576x768xf32>, vector<8x576xf32> -> vector<8x576xf32>
    %swap3A_64 = arith.constant 2 : index
    %swap3A_65 = arith.constant 0 : index
    %swap3A_66 = arith.constant 0 : index
    %swap3A_67 = vector.load %arg5[%swap3A_64, %swap3A_65, %swap3A_66] : memref<4x8x576xf32, #tpu.memory_space<vmem>>, vector<1x8x576xf32>
    %swap3A_68 = vector.shape_cast %swap3A_67 : vector<1x8x576xf32> to vector<8x576xf32>
    %swap3A_69 = vector.shape_cast %dot_general3A_63 : vector<8x576xf32> to vector<1x8x576xf32>
    tpu.vector_store %arg5[%swap3A_64, %swap3A_65, %swap3A_66], %swap3A_69 {strides = array<i32>} : memref<4x8x576xf32, #tpu.memory_space<vmem>>, vector<1x8x576xf32>,
    %dot_general3A_70 = arith.constant dense<0.000000e+00> : vector<8x576xf32>
    %dot_general3A_71 = tpu.matmul %get3A_59, %slice3A_61, %dot_general3A_70 {dimension_numbers = #tpu.dot_dimension_numbers<[1], [1], [0], [0], [0, 0, 1, 0], [], []>, transpose_lhs_hint = false} : vector<8x768xf32>, vector<576x768xf32>, vector<8x576xf32> -> vector<8x576xf32>
    %swap3A_72 = arith.constant 2 : index
    %swap3A_73 = arith.constant 0 : index
    %swap3A_74 = arith.constant 0 : index
    %swap3A_75 = vector.load %arg6[%swap3A_72, %swap3A_73, %swap3A_74] : memref<4x8x576xf32, #tpu.memory_space<vmem>>, vector<1x8x576xf32>
    %swap3A_76 = vector.shape_cast %swap3A_75 : vector<1x8x576xf32> to vector<8x576xf32>
    %swap3A_77 = vector.shape_cast %dot_general3A_71 : vector<8x576xf32> to vector<1x8x576xf32>
    tpu.vector_store %arg6[%swap3A_72, %swap3A_73, %swap3A_74], %swap3A_77 {strides = array<i32>} : memref<4x8x576xf32, #tpu.memory_space<vmem>>, vector<1x8x576xf32>,
    %get3A_78 = arith.constant 3 : index
    %get3A_79 = arith.constant 0 : index
    %get3A_80 = arith.constant 0 : index
    %get3A_81 = vector.load %arg4[%get3A_78, %get3A_79, %get3A_80] : memref<4x8x768xf32, #tpu.memory_space<vmem>>, vector<1x8x768xf32>
    %get3A_82 = vector.shape_cast %get3A_81 : vector<1x8x768xf32> to vector<8x768xf32>
    %slice3A_83 = vector.extract_strided_slice %add3A_10 {offsets = [1728, 0], sizes = [576, 768], strides = [1, 1]} : vector<2304x768xf32> to vector<576x768xf32>
    %slice3A_84 = vector.extract_strided_slice %reshape3A {offsets = [1728, 0], sizes = [576, 768], strides = [1, 1]} : vector<2304x768xf32> to vector<576x768xf32>
    %dot_general3A_85 = arith.constant dense<0.000000e+00> : vector<8x576xf32>
    %dot_general3A_86 = tpu.matmul %get3A_82, %slice3A_83, %dot_general3A_85 {dimension_numbers = #tpu.dot_dimension_numbers<[1], [1], [0], [0], [0, 0, 1, 0], [], []>, transpose_lhs_hint = false} : vector<8x768xf32>, vector<576x768xf32>, vector<8x576xf32> -> vector<8x576xf32>
    %swap3A_87 = arith.constant 3 : index
    %swap3A_88 = arith.constant 0 : index
    %swap3A_89 = arith.constant 0 : index
    %swap3A_90 = vector.load %arg5[%swap3A_87, %swap3A_88, %swap3A_89] : memref<4x8x576xf32, #tpu.memory_space<vmem>>, vector<1x8x576xf32>
    %swap3A_91 = vector.shape_cast %swap3A_90 : vector<1x8x576xf32> to vector<8x576xf32>
    %swap3A_92 = vector.shape_cast %dot_general3A_86 : vector<8x576xf32> to vector<1x8x576xf32>
    tpu.vector_store %arg5[%swap3A_87, %swap3A_88, %swap3A_89], %swap3A_92 {strides = array<i32>} : memref<4x8x576xf32, #tpu.memory_space<vmem>>, vector<1x8x576xf32>,
    %dot_general3A_93 = arith.constant dense<0.000000e+00> : vector<8x576xf32>
    %dot_general3A_94 = tpu.matmul %get3A_82, %slice3A_84, %dot_general3A_93 {dimension_numbers = #tpu.dot_dimension_numbers<[1], [1], [0], [0], [0, 0, 1, 0], [], []>, transpose_lhs_hint = false} : vector<8x768xf32>, vector<576x768xf32>, vector<8x576xf32> -> vector<8x576xf32>
    %swap3A_95 = arith.constant 3 : index
    %swap3A_96 = arith.constant 0 : index
    %swap3A_97 = arith.constant 0 : index
    %swap3A_98 = vector.load %arg6[%swap3A_95, %swap3A_96, %swap3A_97] : memref<4x8x576xf32, #tpu.memory_space<vmem>>, vector<1x8x576xf32>
    %swap3A_99 = vector.shape_cast %swap3A_98 : vector<1x8x576xf32> to vector<8x576xf32>
    %swap3A_100 = vector.shape_cast %dot_general3A_94 : vector<8x576xf32> to vector<1x8x576xf32>
    tpu.vector_store %arg6[%swap3A_95, %swap3A_96, %swap3A_97], %swap3A_100 {strides = array<i32>} : memref<4x8x576xf32, #tpu.memory_space<vmem>>, vector<1x8x576xf32>,
    return
  }
  func.func @transform_0(%arg0: i32) -> (i32, i32, i32) {
    %c0_i32 = arith.constant 0 : i32
    %c0_i32_0 = arith.constant 0 : i32
    %c0_i32_1 = arith.constant 0 : i32
    return %arg0, %c0_i32, %c0_i32_0 : i32, i32, i32
  }
  func.func @transform_1(%arg0: i32) -> (i32, i32) {
    %c0_i32 = arith.constant 0 : i32
    %c0_i32_0 = arith.constant 0 : i32
    %c0_i32_1 = arith.constant 0 : i32
    return %c0_i32, %c0_i32_0 : i32, i32
  }
  func.func @transform_2(%arg0: i32) -> (i32, i32) {
    %c0_i32 = arith.constant 0 : i32
    %c0_i32_0 = arith.constant 0 : i32
    %c0_i32_1 = arith.constant 0 : i32
    return %c0_i32, %c0_i32_0 : i32, i32
  }
  func.func @transform_3(%arg0: i32) -> (i32, i32, i32) {
    %c0_i32 = arith.constant 0 : i32
    %c0_i32_0 = arith.constant 0 : i32
    %c0_i32_1 = arith.constant 0 : i32
    return %arg0, %c0_i32, %c0_i32_0 : i32, i32, i32
  }
  func.func @transform_4(%arg0: i32) -> (i32, i32, i32) {
    %c0_i32 = arith.constant 0 : i32
    %c0_i32_0 = arith.constant 0 : i32
    %c0_i32_1 = arith.constant 0 : i32
    return %arg0, %c0_i32, %c0_i32_0 : i32, i32, i32
  }
  func.func @transform_5(%arg0: i32) -> (i32, i32, i32) {
    %c0_i32 = arith.constant 0 : i32
    %c0_i32_0 = arith.constant 0 : i32
    %c0_i32_1 = arith.constant 0 : i32
    return %arg0, %c0_i32, %c0_i32_0 : i32, i32, i32
  }
}

module attributes {stable_mosaic.version = 14 : i64} {
  func.func @_apply_body(%arg0: i32, %arg1: memref<4x576x768xf32, #tpu.memory_space<vmem>>, %arg2: memref<4x1x1152xf32, #tpu.memory_space<vmem>>, %arg3: memref<4x1x1152xf32, #tpu.memory_space<vmem>>, %arg4: memref<4x1x1152xf32, #tpu.memory_space<vmem>>, %arg5: memref<4x576x768xf32, #tpu.memory_space<vmem>>) attributes {dimension_semantics = [#tpu.dimension_semantics<arbitrary>], iteration_bounds = array<i64: 8>, scalar_prefetch = 0 : i64, scratch_operands = 0 : i64, tpu.core_type = #tpu.core_type<tc>, window_params = [{transform_indices = @transform_0, window_bounds = array<i64: 4, 576, 768>}, {transform_indices = @transform_1, window_bounds = array<i64: 4, 1, 1152>}, {transform_indices = @transform_2, window_bounds = array<i64: 4, 1, 1152>}, {transform_indices = @transform_3, window_bounds = array<i64: 4, 1, 1152>}, {transform_indices = @transform_4, window_bounds = array<i64: 4, 576, 768>}]} {
    %get3A = arith.constant 0 : index
    %get3A_0 = arith.constant 0 : index
    %get3A_1 = arith.constant 0 : index
    %get3A_2 = vector.load %arg2[%get3A, %get3A_0, %get3A_1] : memref<4x1x1152xf32, #tpu.memory_space<vmem>>, vector<1x1x576xf32>
    %get3A_3 = vector.shape_cast %get3A_2 : vector<1x1x576xf32> to vector<576xf32>
    %get3A_4 = arith.constant 0 : index
    %get3A_5 = arith.constant 0 : index
    %get3A_6 = arith.constant 576 : index
    %get3A_7 = vector.load %arg3[%get3A_4, %get3A_5, %get3A_6] : memref<4x1x1152xf32, #tpu.memory_space<vmem>>, vector<1x1x576xf32>
    %get3A_8 = vector.shape_cast %get3A_7 : vector<1x1x576xf32> to vector<576xf32>
    %add3A = arith.addf %get3A_3, %get3A_8 : vector<576xf32>
    %get3A_9 = arith.constant 0 : index
    %get3A_10 = arith.constant 0 : index
    %get3A_11 = arith.constant 0 : index
    %get3A_12 = vector.load %arg4[%get3A_9, %get3A_10, %get3A_11] : memref<4x1x1152xf32, #tpu.memory_space<vmem>>, vector<1x1x576xf32>
    %get3A_13 = vector.shape_cast %get3A_12 : vector<1x1x576xf32> to vector<576xf32>
    %add3A_14 = arith.addf %add3A, %get3A_13 : vector<576xf32>
    %gt3A = arith.constant 0.000000e+00 : f32
    %gt3A_15 = vector.broadcast %gt3A : f32 to vector<576xf32>
    %gt3A_16 = arith.cmpf ogt, %add3A_14, %gt3A_15 : vector<576xf32>
    %convert_element_type3A = arith.extui %gt3A_16 : vector<576xi1> to vector<576xi32>
    %convert_element_type3A_17 = arith.sitofp %convert_element_type3A : vector<576xi32> to vector<576xf32>
    %get3A_18 = arith.constant 0 : index
    %get3A_19 = arith.constant 0 : index
    %get3A_20 = arith.constant 0 : index
    %get3A_21 = vector.load %arg1[%get3A_18, %get3A_19, %get3A_20] : memref<4x576x768xf32, #tpu.memory_space<vmem>>, vector<1x576x768xf32>
    %get3A_22 = vector.shape_cast %get3A_21 : vector<1x576x768xf32> to vector<576x768xf32>
    %broadcast_in_dim3A = vector.shape_cast %convert_element_type3A_17 : vector<576xf32> to vector<576x1xf32>
    %mul3A = vector.broadcast %broadcast_in_dim3A : vector<576x1xf32> to vector<576x768xf32>
    %mul3A_23 = arith.mulf %get3A_22, %mul3A : vector<576x768xf32>
    %swap3A = arith.constant 0 : index
    %swap3A_24 = arith.constant 0 : index
    %swap3A_25 = arith.constant 0 : index
    %swap3A_26 = vector.load %arg5[%swap3A, %swap3A_24, %swap3A_25] : memref<4x576x768xf32, #tpu.memory_space<vmem>>, vector<1x576x768xf32>
    %swap3A_27 = vector.shape_cast %swap3A_26 : vector<1x576x768xf32> to vector<576x768xf32>
    %swap3A_28 = vector.shape_cast %mul3A_23 : vector<576x768xf32> to vector<1x576x768xf32>
    tpu.vector_store %arg5[%swap3A, %swap3A_24, %swap3A_25], %swap3A_28 {strides = array<i32>} : memref<4x576x768xf32, #tpu.memory_space<vmem>>, vector<1x576x768xf32>,
    %get3A_29 = arith.constant 1 : index
    %get3A_30 = arith.constant 0 : index
    %get3A_31 = arith.constant 0 : index
    %get3A_32 = vector.load %arg2[%get3A_29, %get3A_30, %get3A_31] : memref<4x1x1152xf32, #tpu.memory_space<vmem>>, vector<1x1x576xf32>
    %get3A_33 = vector.shape_cast %get3A_32 : vector<1x1x576xf32> to vector<576xf32>
    %get3A_34 = arith.constant 1 : index
    %get3A_35 = arith.constant 0 : index
    %get3A_36 = arith.constant 576 : index
    %get3A_37 = vector.load %arg3[%get3A_34, %get3A_35, %get3A_36] : memref<4x1x1152xf32, #tpu.memory_space<vmem>>, vector<1x1x576xf32>
    %get3A_38 = vector.shape_cast %get3A_37 : vector<1x1x576xf32> to vector<576xf32>
    %add3A_39 = arith.addf %get3A_33, %get3A_38 : vector<576xf32>
    %get3A_40 = arith.constant 1 : index
    %get3A_41 = arith.constant 0 : index
    %get3A_42 = arith.constant 0 : index
    %get3A_43 = vector.load %arg4[%get3A_40, %get3A_41, %get3A_42] : memref<4x1x1152xf32, #tpu.memory_space<vmem>>, vector<1x1x576xf32>
    %get3A_44 = vector.shape_cast %get3A_43 : vector<1x1x576xf32> to vector<576xf32>
    %add3A_45 = arith.addf %add3A_39, %get3A_44 : vector<576xf32>
    %gt3A_46 = arith.constant 0.000000e+00 : f32
    %gt3A_47 = vector.broadcast %gt3A_46 : f32 to vector<576xf32>
    %gt3A_48 = arith.cmpf ogt, %add3A_45, %gt3A_47 : vector<576xf32>
    %convert_element_type3A_49 = arith.extui %gt3A_48 : vector<576xi1> to vector<576xi32>
    %convert_element_type3A_50 = arith.sitofp %convert_element_type3A_49 : vector<576xi32> to vector<576xf32>
    %get3A_51 = arith.constant 1 : index
    %get3A_52 = arith.constant 0 : index
    %get3A_53 = arith.constant 0 : index
    %get3A_54 = vector.load %arg1[%get3A_51, %get3A_52, %get3A_53] : memref<4x576x768xf32, #tpu.memory_space<vmem>>, vector<1x576x768xf32>
    %get3A_55 = vector.shape_cast %get3A_54 : vector<1x576x768xf32> to vector<576x768xf32>
    %broadcast_in_dim3A_56 = vector.shape_cast %convert_element_type3A_50 : vector<576xf32> to vector<576x1xf32>
    %mul3A_57 = vector.broadcast %broadcast_in_dim3A_56 : vector<576x1xf32> to vector<576x768xf32>
    %mul3A_58 = arith.mulf %get3A_55, %mul3A_57 : vector<576x768xf32>
    %swap3A_59 = arith.constant 1 : index
    %swap3A_60 = arith.constant 0 : index
    %swap3A_61 = arith.constant 0 : index
    %swap3A_62 = vector.load %arg5[%swap3A_59, %swap3A_60, %swap3A_61] : memref<4x576x768xf32, #tpu.memory_space<vmem>>, vector<1x576x768xf32>
    %swap3A_63 = vector.shape_cast %swap3A_62 : vector<1x576x768xf32> to vector<576x768xf32>
    %swap3A_64 = vector.shape_cast %mul3A_58 : vector<576x768xf32> to vector<1x576x768xf32>
    tpu.vector_store %arg5[%swap3A_59, %swap3A_60, %swap3A_61], %swap3A_64 {strides = array<i32>} : memref<4x576x768xf32, #tpu.memory_space<vmem>>, vector<1x576x768xf32>,
    %get3A_65 = arith.constant 2 : index
    %get3A_66 = arith.constant 0 : index
    %get3A_67 = arith.constant 0 : index
    %get3A_68 = vector.load %arg2[%get3A_65, %get3A_66, %get3A_67] : memref<4x1x1152xf32, #tpu.memory_space<vmem>>, vector<1x1x576xf32>
    %get3A_69 = vector.shape_cast %get3A_68 : vector<1x1x576xf32> to vector<576xf32>
    %get3A_70 = arith.constant 2 : index
    %get3A_71 = arith.constant 0 : index
    %get3A_72 = arith.constant 576 : index
    %get3A_73 = vector.load %arg3[%get3A_70, %get3A_71, %get3A_72] : memref<4x1x1152xf32, #tpu.memory_space<vmem>>, vector<1x1x576xf32>
    %get3A_74 = vector.shape_cast %get3A_73 : vector<1x1x576xf32> to vector<576xf32>
    %add3A_75 = arith.addf %get3A_69, %get3A_74 : vector<576xf32>
    %get3A_76 = arith.constant 2 : index
    %get3A_77 = arith.constant 0 : index
    %get3A_78 = arith.constant 0 : index
    %get3A_79 = vector.load %arg4[%get3A_76, %get3A_77, %get3A_78] : memref<4x1x1152xf32, #tpu.memory_space<vmem>>, vector<1x1x576xf32>
    %get3A_80 = vector.shape_cast %get3A_79 : vector<1x1x576xf32> to vector<576xf32>
    %add3A_81 = arith.addf %add3A_75, %get3A_80 : vector<576xf32>
    %gt3A_82 = arith.constant 0.000000e+00 : f32
    %gt3A_83 = vector.broadcast %gt3A_82 : f32 to vector<576xf32>
    %gt3A_84 = arith.cmpf ogt, %add3A_81, %gt3A_83 : vector<576xf32>
    %convert_element_type3A_85 = arith.extui %gt3A_84 : vector<576xi1> to vector<576xi32>
    %convert_element_type3A_86 = arith.sitofp %convert_element_type3A_85 : vector<576xi32> to vector<576xf32>
    %get3A_87 = arith.constant 2 : index
    %get3A_88 = arith.constant 0 : index
    %get3A_89 = arith.constant 0 : index
    %get3A_90 = vector.load %arg1[%get3A_87, %get3A_88, %get3A_89] : memref<4x576x768xf32, #tpu.memory_space<vmem>>, vector<1x576x768xf32>
    %get3A_91 = vector.shape_cast %get3A_90 : vector<1x576x768xf32> to vector<576x768xf32>
    %broadcast_in_dim3A_92 = vector.shape_cast %convert_element_type3A_86 : vector<576xf32> to vector<576x1xf32>
    %mul3A_93 = vector.broadcast %broadcast_in_dim3A_92 : vector<576x1xf32> to vector<576x768xf32>
    %mul3A_94 = arith.mulf %get3A_91, %mul3A_93 : vector<576x768xf32>
    %swap3A_95 = arith.constant 2 : index
    %swap3A_96 = arith.constant 0 : index
    %swap3A_97 = arith.constant 0 : index
    %swap3A_98 = vector.load %arg5[%swap3A_95, %swap3A_96, %swap3A_97] : memref<4x576x768xf32, #tpu.memory_space<vmem>>, vector<1x576x768xf32>
    %swap3A_99 = vector.shape_cast %swap3A_98 : vector<1x576x768xf32> to vector<576x768xf32>
    %swap3A_100 = vector.shape_cast %mul3A_94 : vector<576x768xf32> to vector<1x576x768xf32>
    tpu.vector_store %arg5[%swap3A_95, %swap3A_96, %swap3A_97], %swap3A_100 {strides = array<i32>} : memref<4x576x768xf32, #tpu.memory_space<vmem>>, vector<1x576x768xf32>,
    %get3A_101 = arith.constant 3 : index
    %get3A_102 = arith.constant 0 : index
    %get3A_103 = arith.constant 0 : index
    %get3A_104 = vector.load %arg2[%get3A_101, %get3A_102, %get3A_103] : memref<4x1x1152xf32, #tpu.memory_space<vmem>>, vector<1x1x576xf32>
    %get3A_105 = vector.shape_cast %get3A_104 : vector<1x1x576xf32> to vector<576xf32>
    %get3A_106 = arith.constant 3 : index
    %get3A_107 = arith.constant 0 : index
    %get3A_108 = arith.constant 576 : index
    %get3A_109 = vector.load %arg3[%get3A_106, %get3A_107, %get3A_108] : memref<4x1x1152xf32, #tpu.memory_space<vmem>>, vector<1x1x576xf32>
    %get3A_110 = vector.shape_cast %get3A_109 : vector<1x1x576xf32> to vector<576xf32>
    %add3A_111 = arith.addf %get3A_105, %get3A_110 : vector<576xf32>
    %get3A_112 = arith.constant 3 : index
    %get3A_113 = arith.constant 0 : index
    %get3A_114 = arith.constant 0 : index
    %get3A_115 = vector.load %arg4[%get3A_112, %get3A_113, %get3A_114] : memref<4x1x1152xf32, #tpu.memory_space<vmem>>, vector<1x1x576xf32>
    %get3A_116 = vector.shape_cast %get3A_115 : vector<1x1x576xf32> to vector<576xf32>
    %add3A_117 = arith.addf %add3A_111, %get3A_116 : vector<576xf32>
    %gt3A_118 = arith.constant 0.000000e+00 : f32
    %gt3A_119 = vector.broadcast %gt3A_118 : f32 to vector<576xf32>
    %gt3A_120 = arith.cmpf ogt, %add3A_117, %gt3A_119 : vector<576xf32>
    %convert_element_type3A_121 = arith.extui %gt3A_120 : vector<576xi1> to vector<576xi32>
    %convert_element_type3A_122 = arith.sitofp %convert_element_type3A_121 : vector<576xi32> to vector<576xf32>
    %get3A_123 = arith.constant 3 : index
    %get3A_124 = arith.constant 0 : index
    %get3A_125 = arith.constant 0 : index
    %get3A_126 = vector.load %arg1[%get3A_123, %get3A_124, %get3A_125] : memref<4x576x768xf32, #tpu.memory_space<vmem>>, vector<1x576x768xf32>
    %get3A_127 = vector.shape_cast %get3A_126 : vector<1x576x768xf32> to vector<576x768xf32>
    %broadcast_in_dim3A_128 = vector.shape_cast %convert_element_type3A_122 : vector<576xf32> to vector<576x1xf32>
    %mul3A_129 = vector.broadcast %broadcast_in_dim3A_128 : vector<576x1xf32> to vector<576x768xf32>
    %mul3A_130 = arith.mulf %get3A_127, %mul3A_129 : vector<576x768xf32>
    %swap3A_131 = arith.constant 3 : index
    %swap3A_132 = arith.constant 0 : index
    %swap3A_133 = arith.constant 0 : index
    %swap3A_134 = vector.load %arg5[%swap3A_131, %swap3A_132, %swap3A_133] : memref<4x576x768xf32, #tpu.memory_space<vmem>>, vector<1x576x768xf32>
    %swap3A_135 = vector.shape_cast %swap3A_134 : vector<1x576x768xf32> to vector<576x768xf32>
    %swap3A_136 = vector.shape_cast %mul3A_130 : vector<576x768xf32> to vector<1x576x768xf32>
    tpu.vector_store %arg5[%swap3A_131, %swap3A_132, %swap3A_133], %swap3A_136 {strides = array<i32>} : memref<4x576x768xf32, #tpu.memory_space<vmem>>, vector<1x576x768xf32>,
    return
  }
  func.func @transform_0(%arg0: i32) -> (i32, i32, i32) {
    %c0_i32 = arith.constant 0 : i32
    %c0_i32_0 = arith.constant 0 : i32
    %c0_i32_1 = arith.constant 0 : i32
    return %arg0, %c0_i32, %c0_i32_0 : i32, i32, i32
  }
  func.func @transform_1(%arg0: i32) -> (i32, i32, i32) {
    %add3A = arith.constant 0 : i32
    %add3A_0 = arith.addi %add3A, %arg0 : i32
    %c0_i32 = arith.constant 0 : i32
    %c0_i32_1 = arith.constant 0 : i32
    %c0_i32_2 = arith.constant 0 : i32
    return %add3A_0, %c0_i32, %c0_i32_1 : i32, i32, i32
  }
  func.func @transform_2(%arg0: i32) -> (i32, i32, i32) {
    %add3A = arith.constant 16 : i32
    %add3A_0 = arith.addi %add3A, %arg0 : i32
    %c0_i32 = arith.constant 0 : i32
    %c0_i32_1 = arith.constant 0 : i32
    %c0_i32_2 = arith.constant 0 : i32
    return %add3A_0, %c0_i32, %c0_i32_1 : i32, i32, i32
  }
  func.func @transform_3(%arg0: i32) -> (i32, i32, i32) {
    %add3A = arith.constant 32 : i32
    %add3A_0 = arith.addi %add3A, %arg0 : i32
    %c0_i32 = arith.constant 0 : i32
    %c0_i32_1 = arith.constant 0 : i32
    %c0_i32_2 = arith.constant 0 : i32
    return %add3A_0, %c0_i32, %c0_i32_1 : i32, i32, i32
  }
  func.func @transform_4(%arg0: i32) -> (i32, i32, i32) {
    %c0_i32 = arith.constant 0 : i32
    %c0_i32_0 = arith.constant 0 : i32
    %c0_i32_1 = arith.constant 0 : i32
    return %arg0, %c0_i32, %c0_i32_0 : i32, i32, i32
  }
}

module attributes {stable_mosaic.version = 14 : i64} {
  func.func @_apply_body(%arg0: i32, %arg1: memref<4x576x768xf32, #tpu.memory_space<vmem>>, %arg2: memref<4x1x1152xf32, #tpu.memory_space<vmem>>, %arg3: memref<4x1x1152xf32, #tpu.memory_space<vmem>>, %arg4: memref<4x1x1152xf32, #tpu.memory_space<vmem>>, %arg5: memref<4x576x768xf32, #tpu.memory_space<vmem>>) attributes {dimension_semantics = [#tpu.dimension_semantics<arbitrary>], iteration_bounds = array<i64: 8>, scalar_prefetch = 0 : i64, scratch_operands = 0 : i64, tpu.core_type = #tpu.core_type<tc>, window_params = [{transform_indices = @transform_0, window_bounds = array<i64: 4, 576, 768>}, {transform_indices = @transform_1, window_bounds = array<i64: 4, 1, 1152>}, {transform_indices = @transform_2, window_bounds = array<i64: 4, 1, 1152>}, {transform_indices = @transform_3, window_bounds = array<i64: 4, 1, 1152>}, {transform_indices = @transform_4, window_bounds = array<i64: 4, 576, 768>}]} {
    %get3A = arith.constant 0 : index
    %get3A_0 = arith.constant 0 : index
    %get3A_1 = arith.constant 576 : index
    %get3A_2 = vector.load %arg2[%get3A, %get3A_0, %get3A_1] : memref<4x1x1152xf32, #tpu.memory_space<vmem>>, vector<1x1x576xf32>
    %get3A_3 = vector.shape_cast %get3A_2 : vector<1x1x576xf32> to vector<576xf32>
    %get3A_4 = arith.constant 0 : index
    %get3A_5 = arith.constant 0 : index
    %get3A_6 = arith.constant 576 : index
    %get3A_7 = vector.load %arg3[%get3A_4, %get3A_5, %get3A_6] : memref<4x1x1152xf32, #tpu.memory_space<vmem>>, vector<1x1x576xf32>
    %get3A_8 = vector.shape_cast %get3A_7 : vector<1x1x576xf32> to vector<576xf32>
    %add3A = arith.addf %get3A_3, %get3A_8 : vector<576xf32>
    %get3A_9 = arith.constant 0 : index
    %get3A_10 = arith.constant 0 : index
    %get3A_11 = arith.constant 0 : index
    %get3A_12 = vector.load %arg4[%get3A_9, %get3A_10, %get3A_11] : memref<4x1x1152xf32, #tpu.memory_space<vmem>>, vector<1x1x576xf32>
    %get3A_13 = vector.shape_cast %get3A_12 : vector<1x1x576xf32> to vector<576xf32>
    %add3A_14 = arith.addf %add3A, %get3A_13 : vector<576xf32>
    %gt3A = arith.constant 0.000000e+00 : f32
    %gt3A_15 = vector.broadcast %gt3A : f32 to vector<576xf32>
    %gt3A_16 = arith.cmpf ogt, %add3A_14, %gt3A_15 : vector<576xf32>
    %convert_element_type3A = arith.extui %gt3A_16 : vector<576xi1> to vector<576xi32>
    %convert_element_type3A_17 = arith.sitofp %convert_element_type3A : vector<576xi32> to vector<576xf32>
    %get3A_18 = arith.constant 0 : index
    %get3A_19 = arith.constant 0 : index
    %get3A_20 = arith.constant 0 : index
    %get3A_21 = vector.load %arg1[%get3A_18, %get3A_19, %get3A_20] : memref<4x576x768xf32, #tpu.memory_space<vmem>>, vector<1x576x768xf32>
    %get3A_22 = vector.shape_cast %get3A_21 : vector<1x576x768xf32> to vector<576x768xf32>
    %broadcast_in_dim3A = vector.shape_cast %convert_element_type3A_17 : vector<576xf32> to vector<576x1xf32>
    %mul3A = vector.broadcast %broadcast_in_dim3A : vector<576x1xf32> to vector<576x768xf32>
    %mul3A_23 = arith.mulf %get3A_22, %mul3A : vector<576x768xf32>
    %swap3A = arith.constant 0 : index
    %swap3A_24 = arith.constant 0 : index
    %swap3A_25 = arith.constant 0 : index
    %swap3A_26 = vector.load %arg5[%swap3A, %swap3A_24, %swap3A_25] : memref<4x576x768xf32, #tpu.memory_space<vmem>>, vector<1x576x768xf32>
    %swap3A_27 = vector.shape_cast %swap3A_26 : vector<1x576x768xf32> to vector<576x768xf32>
    %swap3A_28 = vector.shape_cast %mul3A_23 : vector<576x768xf32> to vector<1x576x768xf32>
    tpu.vector_store %arg5[%swap3A, %swap3A_24, %swap3A_25], %swap3A_28 {strides = array<i32>} : memref<4x576x768xf32, #tpu.memory_space<vmem>>, vector<1x576x768xf32>,
    %get3A_29 = arith.constant 1 : index
    %get3A_30 = arith.constant 0 : index
    %get3A_31 = arith.constant 576 : index
    %get3A_32 = vector.load %arg2[%get3A_29, %get3A_30, %get3A_31] : memref<4x1x1152xf32, #tpu.memory_space<vmem>>, vector<1x1x576xf32>
    %get3A_33 = vector.shape_cast %get3A_32 : vector<1x1x576xf32> to vector<576xf32>
    %get3A_34 = arith.constant 1 : index
    %get3A_35 = arith.constant 0 : index
    %get3A_36 = arith.constant 576 : index
    %get3A_37 = vector.load %arg3[%get3A_34, %get3A_35, %get3A_36] : memref<4x1x1152xf32, #tpu.memory_space<vmem>>, vector<1x1x576xf32>
    %get3A_38 = vector.shape_cast %get3A_37 : vector<1x1x576xf32> to vector<576xf32>
    %add3A_39 = arith.addf %get3A_33, %get3A_38 : vector<576xf32>
    %get3A_40 = arith.constant 1 : index
    %get3A_41 = arith.constant 0 : index
    %get3A_42 = arith.constant 0 : index
    %get3A_43 = vector.load %arg4[%get3A_40, %get3A_41, %get3A_42] : memref<4x1x1152xf32, #tpu.memory_space<vmem>>, vector<1x1x576xf32>
    %get3A_44 = vector.shape_cast %get3A_43 : vector<1x1x576xf32> to vector<576xf32>
    %add3A_45 = arith.addf %add3A_39, %get3A_44 : vector<576xf32>
    %gt3A_46 = arith.constant 0.000000e+00 : f32
    %gt3A_47 = vector.broadcast %gt3A_46 : f32 to vector<576xf32>
    %gt3A_48 = arith.cmpf ogt, %add3A_45, %gt3A_47 : vector<576xf32>
    %convert_element_type3A_49 = arith.extui %gt3A_48 : vector<576xi1> to vector<576xi32>
    %convert_element_type3A_50 = arith.sitofp %convert_element_type3A_49 : vector<576xi32> to vector<576xf32>
    %get3A_51 = arith.constant 1 : index
    %get3A_52 = arith.constant 0 : index
    %get3A_53 = arith.constant 0 : index
    %get3A_54 = vector.load %arg1[%get3A_51, %get3A_52, %get3A_53] : memref<4x576x768xf32, #tpu.memory_space<vmem>>, vector<1x576x768xf32>
    %get3A_55 = vector.shape_cast %get3A_54 : vector<1x576x768xf32> to vector<576x768xf32>
    %broadcast_in_dim3A_56 = vector.shape_cast %convert_element_type3A_50 : vector<576xf32> to vector<576x1xf32>
    %mul3A_57 = vector.broadcast %broadcast_in_dim3A_56 : vector<576x1xf32> to vector<576x768xf32>
    %mul3A_58 = arith.mulf %get3A_55, %mul3A_57 : vector<576x768xf32>
    %swap3A_59 = arith.constant 1 : index
    %swap3A_60 = arith.constant 0 : index
    %swap3A_61 = arith.constant 0 : index
    %swap3A_62 = vector.load %arg5[%swap3A_59, %swap3A_60, %swap3A_61] : memref<4x576x768xf32, #tpu.memory_space<vmem>>, vector<1x576x768xf32>
    %swap3A_63 = vector.shape_cast %swap3A_62 : vector<1x576x768xf32> to vector<576x768xf32>
    %swap3A_64 = vector.shape_cast %mul3A_58 : vector<576x768xf32> to vector<1x576x768xf32>
    tpu.vector_store %arg5[%swap3A_59, %swap3A_60, %swap3A_61], %swap3A_64 {strides = array<i32>} : memref<4x576x768xf32, #tpu.memory_space<vmem>>, vector<1x576x768xf32>,
    %get3A_65 = arith.constant 2 : index
    %get3A_66 = arith.constant 0 : index
    %get3A_67 = arith.constant 576 : index
    %get3A_68 = vector.load %arg2[%get3A_65, %get3A_66, %get3A_67] : memref<4x1x1152xf32, #tpu.memory_space<vmem>>, vector<1x1x576xf32>
    %get3A_69 = vector.shape_cast %get3A_68 : vector<1x1x576xf32> to vector<576xf32>
    %get3A_70 = arith.constant 2 : index
    %get3A_71 = arith.constant 0 : index
    %get3A_72 = arith.constant 576 : index
    %get3A_73 = vector.load %arg3[%get3A_70, %get3A_71, %get3A_72] : memref<4x1x1152xf32, #tpu.memory_space<vmem>>, vector<1x1x576xf32>
    %get3A_74 = vector.shape_cast %get3A_73 : vector<1x1x576xf32> to vector<576xf32>
    %add3A_75 = arith.addf %get3A_69, %get3A_74 : vector<576xf32>
    %get3A_76 = arith.constant 2 : index
    %get3A_77 = arith.constant 0 : index
    %get3A_78 = arith.constant 0 : index
    %get3A_79 = vector.load %arg4[%get3A_76, %get3A_77, %get3A_78] : memref<4x1x1152xf32, #tpu.memory_space<vmem>>, vector<1x1x576xf32>
    %get3A_80 = vector.shape_cast %get3A_79 : vector<1x1x576xf32> to vector<576xf32>
    %add3A_81 = arith.addf %add3A_75, %get3A_80 : vector<576xf32>
    %gt3A_82 = arith.constant 0.000000e+00 : f32
    %gt3A_83 = vector.broadcast %gt3A_82 : f32 to vector<576xf32>
    %gt3A_84 = arith.cmpf ogt, %add3A_81, %gt3A_83 : vector<576xf32>
    %convert_element_type3A_85 = arith.extui %gt3A_84 : vector<576xi1> to vector<576xi32>
    %convert_element_type3A_86 = arith.sitofp %convert_element_type3A_85 : vector<576xi32> to vector<576xf32>
    %get3A_87 = arith.constant 2 : index
    %get3A_88 = arith.constant 0 : index
    %get3A_89 = arith.constant 0 : index
    %get3A_90 = vector.load %arg1[%get3A_87, %get3A_88, %get3A_89] : memref<4x576x768xf32, #tpu.memory_space<vmem>>, vector<1x576x768xf32>
    %get3A_91 = vector.shape_cast %get3A_90 : vector<1x576x768xf32> to vector<576x768xf32>
    %broadcast_in_dim3A_92 = vector.shape_cast %convert_element_type3A_86 : vector<576xf32> to vector<576x1xf32>
    %mul3A_93 = vector.broadcast %broadcast_in_dim3A_92 : vector<576x1xf32> to vector<576x768xf32>
    %mul3A_94 = arith.mulf %get3A_91, %mul3A_93 : vector<576x768xf32>
    %swap3A_95 = arith.constant 2 : index
    %swap3A_96 = arith.constant 0 : index
    %swap3A_97 = arith.constant 0 : index
    %swap3A_98 = vector.load %arg5[%swap3A_95, %swap3A_96, %swap3A_97] : memref<4x576x768xf32, #tpu.memory_space<vmem>>, vector<1x576x768xf32>
    %swap3A_99 = vector.shape_cast %swap3A_98 : vector<1x576x768xf32> to vector<576x768xf32>
    %swap3A_100 = vector.shape_cast %mul3A_94 : vector<576x768xf32> to vector<1x576x768xf32>
    tpu.vector_store %arg5[%swap3A_95, %swap3A_96, %swap3A_97], %swap3A_100 {strides = array<i32>} : memref<4x576x768xf32, #tpu.memory_space<vmem>>, vector<1x576x768xf32>,
    %get3A_101 = arith.constant 3 : index
    %get3A_102 = arith.constant 0 : index
    %get3A_103 = arith.constant 576 : index
    %get3A_104 = vector.load %arg2[%get3A_101, %get3A_102, %get3A_103] : memref<4x1x1152xf32, #tpu.memory_space<vmem>>, vector<1x1x576xf32>
    %get3A_105 = vector.shape_cast %get3A_104 : vector<1x1x576xf32> to vector<576xf32>
    %get3A_106 = arith.constant 3 : index
    %get3A_107 = arith.constant 0 : index
    %get3A_108 = arith.constant 576 : index
    %get3A_109 = vector.load %arg3[%get3A_106, %get3A_107, %get3A_108] : memref<4x1x1152xf32, #tpu.memory_space<vmem>>, vector<1x1x576xf32>
    %get3A_110 = vector.shape_cast %get3A_109 : vector<1x1x576xf32> to vector<576xf32>
    %add3A_111 = arith.addf %get3A_105, %get3A_110 : vector<576xf32>
    %get3A_112 = arith.constant 3 : index
    %get3A_113 = arith.constant 0 : index
    %get3A_114 = arith.constant 0 : index
    %get3A_115 = vector.load %arg4[%get3A_112, %get3A_113, %get3A_114] : memref<4x1x1152xf32, #tpu.memory_space<vmem>>, vector<1x1x576xf32>
    %get3A_116 = vector.shape_cast %get3A_115 : vector<1x1x576xf32> to vector<576xf32>
    %add3A_117 = arith.addf %add3A_111, %get3A_116 : vector<576xf32>
    %gt3A_118 = arith.constant 0.000000e+00 : f32
    %gt3A_119 = vector.broadcast %gt3A_118 : f32 to vector<576xf32>
    %gt3A_120 = arith.cmpf ogt, %add3A_117, %gt3A_119 : vector<576xf32>
    %convert_element_type3A_121 = arith.extui %gt3A_120 : vector<576xi1> to vector<576xi32>
    %convert_element_type3A_122 = arith.sitofp %convert_element_type3A_121 : vector<576xi32> to vector<576xf32>
    %get3A_123 = arith.constant 3 : index
    %get3A_124 = arith.constant 0 : index
    %get3A_125 = arith.constant 0 : index
    %get3A_126 = vector.load %arg1[%get3A_123, %get3A_124, %get3A_125] : memref<4x576x768xf32, #tpu.memory_space<vmem>>, vector<1x576x768xf32>
    %get3A_127 = vector.shape_cast %get3A_126 : vector<1x576x768xf32> to vector<576x768xf32>
    %broadcast_in_dim3A_128 = vector.shape_cast %convert_element_type3A_122 : vector<576xf32> to vector<576x1xf32>
    %mul3A_129 = vector.broadcast %broadcast_in_dim3A_128 : vector<576x1xf32> to vector<576x768xf32>
    %mul3A_130 = arith.mulf %get3A_127, %mul3A_129 : vector<576x768xf32>
    %swap3A_131 = arith.constant 3 : index
    %swap3A_132 = arith.constant 0 : index
    %swap3A_133 = arith.constant 0 : index
    %swap3A_134 = vector.load %arg5[%swap3A_131, %swap3A_132, %swap3A_133] : memref<4x576x768xf32, #tpu.memory_space<vmem>>, vector<1x576x768xf32>
    %swap3A_135 = vector.shape_cast %swap3A_134 : vector<1x576x768xf32> to vector<576x768xf32>
    %swap3A_136 = vector.shape_cast %mul3A_130 : vector<576x768xf32> to vector<1x576x768xf32>
    tpu.vector_store %arg5[%swap3A_131, %swap3A_132, %swap3A_133], %swap3A_136 {strides = array<i32>} : memref<4x576x768xf32, #tpu.memory_space<vmem>>, vector<1x576x768xf32>,
    return
  }
  func.func @transform_0(%arg0: i32) -> (i32, i32, i32) {
    %c0_i32 = arith.constant 0 : i32
    %c0_i32_0 = arith.constant 0 : i32
    %c0_i32_1 = arith.constant 0 : i32
    return %arg0, %c0_i32, %c0_i32_0 : i32, i32, i32
  }
  func.func @transform_1(%arg0: i32) -> (i32, i32, i32) {
    %add3A = arith.constant 0 : i32
    %add3A_0 = arith.addi %add3A, %arg0 : i32
    %c0_i32 = arith.constant 0 : i32
    %c0_i32_1 = arith.constant 0 : i32
    %c0_i32_2 = arith.constant 0 : i32
    return %add3A_0, %c0_i32, %c0_i32_1 : i32, i32, i32
  }
  func.func @transform_2(%arg0: i32) -> (i32, i32, i32) {
    %add3A = arith.constant 8 : i32
    %add3A_0 = arith.addi %add3A, %arg0 : i32
    %c0_i32 = arith.constant 0 : i32
    %c0_i32_1 = arith.constant 0 : i32
    %c0_i32_2 = arith.constant 0 : i32
    return %add3A_0, %c0_i32, %c0_i32_1 : i32, i32, i32
  }
  func.func @transform_3(%arg0: i32) -> (i32, i32, i32) {
    %add3A = arith.constant 40 : i32
    %add3A_0 = arith.addi %add3A, %arg0 : i32
    %c0_i32 = arith.constant 0 : i32
    %c0_i32_1 = arith.constant 0 : i32
    %c0_i32_2 = arith.constant 0 : i32
    return %add3A_0, %c0_i32, %c0_i32_1 : i32, i32, i32
  }
  func.func @transform_4(%arg0: i32) -> (i32, i32, i32) {
    %c0_i32 = arith.constant 0 : i32
    %c0_i32_0 = arith.constant 0 : i32
    %c0_i32_1 = arith.constant 0 : i32
    return %arg0, %c0_i32, %c0_i32_0 : i32, i32, i32
  }
}

module attributes {stable_mosaic.version = 14 : i64} {
  func.func @_apply_body(%arg0: i32, %arg1: memref<4x576x768xf32, #tpu.memory_space<vmem>>, %arg2: memref<4x1x1152xf32, #tpu.memory_space<vmem>>, %arg3: memref<4x1x1152xf32, #tpu.memory_space<vmem>>, %arg4: memref<4x1x1152xf32, #tpu.memory_space<vmem>>, %arg5: memref<4x576x768xf32, #tpu.memory_space<vmem>>) attributes {dimension_semantics = [#tpu.dimension_semantics<arbitrary>], iteration_bounds = array<i64: 8>, scalar_prefetch = 0 : i64, scratch_operands = 0 : i64, tpu.core_type = #tpu.core_type<tc>, window_params = [{transform_indices = @transform_0, window_bounds = array<i64: 4, 576, 768>}, {transform_indices = @transform_1, window_bounds = array<i64: 4, 1, 1152>}, {transform_indices = @transform_2, window_bounds = array<i64: 4, 1, 1152>}, {transform_indices = @transform_3, window_bounds = array<i64: 4, 1, 1152>}, {transform_indices = @transform_4, window_bounds = array<i64: 4, 576, 768>}]} {
    %get3A = arith.constant 0 : index
    %get3A_0 = arith.constant 0 : index
    %get3A_1 = arith.constant 0 : index
    %get3A_2 = vector.load %arg2[%get3A, %get3A_0, %get3A_1] : memref<4x1x1152xf32, #tpu.memory_space<vmem>>, vector<1x1x576xf32>
    %get3A_3 = vector.shape_cast %get3A_2 : vector<1x1x576xf32> to vector<576xf32>
    %get3A_4 = arith.constant 0 : index
    %get3A_5 = arith.constant 0 : index
    %get3A_6 = arith.constant 0 : index
    %get3A_7 = vector.load %arg3[%get3A_4, %get3A_5, %get3A_6] : memref<4x1x1152xf32, #tpu.memory_space<vmem>>, vector<1x1x576xf32>
    %get3A_8 = vector.shape_cast %get3A_7 : vector<1x1x576xf32> to vector<576xf32>
    %add3A = arith.addf %get3A_3, %get3A_8 : vector<576xf32>
    %get3A_9 = arith.constant 0 : index
    %get3A_10 = arith.constant 0 : index
    %get3A_11 = arith.constant 0 : index
    %get3A_12 = vector.load %arg4[%get3A_9, %get3A_10, %get3A_11] : memref<4x1x1152xf32, #tpu.memory_space<vmem>>, vector<1x1x576xf32>
    %get3A_13 = vector.shape_cast %get3A_12 : vector<1x1x576xf32> to vector<576xf32>
    %add3A_14 = arith.addf %add3A, %get3A_13 : vector<576xf32>
    %gt3A = arith.constant 0.000000e+00 : f32
    %gt3A_15 = vector.broadcast %gt3A : f32 to vector<576xf32>
    %gt3A_16 = arith.cmpf ogt, %add3A_14, %gt3A_15 : vector<576xf32>
    %convert_element_type3A = arith.extui %gt3A_16 : vector<576xi1> to vector<576xi32>
    %convert_element_type3A_17 = arith.sitofp %convert_element_type3A : vector<576xi32> to vector<576xf32>
    %get3A_18 = arith.constant 0 : index
    %get3A_19 = arith.constant 0 : index
    %get3A_20 = arith.constant 0 : index
    %get3A_21 = vector.load %arg1[%get3A_18, %get3A_19, %get3A_20] : memref<4x576x768xf32, #tpu.memory_space<vmem>>, vector<1x576x768xf32>
    %get3A_22 = vector.shape_cast %get3A_21 : vector<1x576x768xf32> to vector<576x768xf32>
    %broadcast_in_dim3A = vector.shape_cast %convert_element_type3A_17 : vector<576xf32> to vector<576x1xf32>
    %mul3A = vector.broadcast %broadcast_in_dim3A : vector<576x1xf32> to vector<576x768xf32>
    %mul3A_23 = arith.mulf %get3A_22, %mul3A : vector<576x768xf32>
    %swap3A = arith.constant 0 : index
    %swap3A_24 = arith.constant 0 : index
    %swap3A_25 = arith.constant 0 : index
    %swap3A_26 = vector.load %arg5[%swap3A, %swap3A_24, %swap3A_25] : memref<4x576x768xf32, #tpu.memory_space<vmem>>, vector<1x576x768xf32>
    %swap3A_27 = vector.shape_cast %swap3A_26 : vector<1x576x768xf32> to vector<576x768xf32>
    %swap3A_28 = vector.shape_cast %mul3A_23 : vector<576x768xf32> to vector<1x576x768xf32>
    tpu.vector_store %arg5[%swap3A, %swap3A_24, %swap3A_25], %swap3A_28 {strides = array<i32>} : memref<4x576x768xf32, #tpu.memory_space<vmem>>, vector<1x576x768xf32>,
    %get3A_29 = arith.constant 1 : index
    %get3A_30 = arith.constant 0 : index
    %get3A_31 = arith.constant 0 : index
    %get3A_32 = vector.load %arg2[%get3A_29, %get3A_30, %get3A_31] : memref<4x1x1152xf32, #tpu.memory_space<vmem>>, vector<1x1x576xf32>
    %get3A_33 = vector.shape_cast %get3A_32 : vector<1x1x576xf32> to vector<576xf32>
    %get3A_34 = arith.constant 1 : index
    %get3A_35 = arith.constant 0 : index
    %get3A_36 = arith.constant 0 : index
    %get3A_37 = vector.load %arg3[%get3A_34, %get3A_35, %get3A_36] : memref<4x1x1152xf32, #tpu.memory_space<vmem>>, vector<1x1x576xf32>
    %get3A_38 = vector.shape_cast %get3A_37 : vector<1x1x576xf32> to vector<576xf32>
    %add3A_39 = arith.addf %get3A_33, %get3A_38 : vector<576xf32>
    %get3A_40 = arith.constant 1 : index
    %get3A_41 = arith.constant 0 : index
    %get3A_42 = arith.constant 0 : index
    %get3A_43 = vector.load %arg4[%get3A_40, %get3A_41, %get3A_42] : memref<4x1x1152xf32, #tpu.memory_space<vmem>>, vector<1x1x576xf32>
    %get3A_44 = vector.shape_cast %get3A_43 : vector<1x1x576xf32> to vector<576xf32>
    %add3A_45 = arith.addf %add3A_39, %get3A_44 : vector<576xf32>
    %gt3A_46 = arith.constant 0.000000e+00 : f32
    %gt3A_47 = vector.broadcast %gt3A_46 : f32 to vector<576xf32>
    %gt3A_48 = arith.cmpf ogt, %add3A_45, %gt3A_47 : vector<576xf32>
    %convert_element_type3A_49 = arith.extui %gt3A_48 : vector<576xi1> to vector<576xi32>
    %convert_element_type3A_50 = arith.sitofp %convert_element_type3A_49 : vector<576xi32> to vector<576xf32>
    %get3A_51 = arith.constant 1 : index
    %get3A_52 = arith.constant 0 : index
    %get3A_53 = arith.constant 0 : index
    %get3A_54 = vector.load %arg1[%get3A_51, %get3A_52, %get3A_53] : memref<4x576x768xf32, #tpu.memory_space<vmem>>, vector<1x576x768xf32>
    %get3A_55 = vector.shape_cast %get3A_54 : vector<1x576x768xf32> to vector<576x768xf32>
    %broadcast_in_dim3A_56 = vector.shape_cast %convert_element_type3A_50 : vector<576xf32> to vector<576x1xf32>
    %mul3A_57 = vector.broadcast %broadcast_in_dim3A_56 : vector<576x1xf32> to vector<576x768xf32>
    %mul3A_58 = arith.mulf %get3A_55, %mul3A_57 : vector<576x768xf32>
    %swap3A_59 = arith.constant 1 : index
    %swap3A_60 = arith.constant 0 : index
    %swap3A_61 = arith.constant 0 : index
    %swap3A_62 = vector.load %arg5[%swap3A_59, %swap3A_60, %swap3A_61] : memref<4x576x768xf32, #tpu.memory_space<vmem>>, vector<1x576x768xf32>
    %swap3A_63 = vector.shape_cast %swap3A_62 : vector<1x576x768xf32> to vector<576x768xf32>
    %swap3A_64 = vector.shape_cast %mul3A_58 : vector<576x768xf32> to vector<1x576x768xf32>
    tpu.vector_store %arg5[%swap3A_59, %swap3A_60, %swap3A_61], %swap3A_64 {strides = array<i32>} : memref<4x576x768xf32, #tpu.memory_space<vmem>>, vector<1x576x768xf32>,
    %get3A_65 = arith.constant 2 : index
    %get3A_66 = arith.constant 0 : index
    %get3A_67 = arith.constant 0 : index
    %get3A_68 = vector.load %arg2[%get3A_65, %get3A_66, %get3A_67] : memref<4x1x1152xf32, #tpu.memory_space<vmem>>, vector<1x1x576xf32>
    %get3A_69 = vector.shape_cast %get3A_68 : vector<1x1x576xf32> to vector<576xf32>
    %get3A_70 = arith.constant 2 : index
    %get3A_71 = arith.constant 0 : index
    %get3A_72 = arith.constant 0 : index
    %get3A_73 = vector.load %arg3[%get3A_70, %get3A_71, %get3A_72] : memref<4x1x1152xf32, #tpu.memory_space<vmem>>, vector<1x1x576xf32>
    %get3A_74 = vector.shape_cast %get3A_73 : vector<1x1x576xf32> to vector<576xf32>
    %add3A_75 = arith.addf %get3A_69, %get3A_74 : vector<576xf32>
    %get3A_76 = arith.constant 2 : index
    %get3A_77 = arith.constant 0 : index
    %get3A_78 = arith.constant 0 : index
    %get3A_79 = vector.load %arg4[%get3A_76, %get3A_77, %get3A_78] : memref<4x1x1152xf32, #tpu.memory_space<vmem>>, vector<1x1x576xf32>
    %get3A_80 = vector.shape_cast %get3A_79 : vector<1x1x576xf32> to vector<576xf32>
    %add3A_81 = arith.addf %add3A_75, %get3A_80 : vector<576xf32>
    %gt3A_82 = arith.constant 0.000000e+00 : f32
    %gt3A_83 = vector.broadcast %gt3A_82 : f32 to vector<576xf32>
    %gt3A_84 = arith.cmpf ogt, %add3A_81, %gt3A_83 : vector<576xf32>
    %convert_element_type3A_85 = arith.extui %gt3A_84 : vector<576xi1> to vector<576xi32>
    %convert_element_type3A_86 = arith.sitofp %convert_element_type3A_85 : vector<576xi32> to vector<576xf32>
    %get3A_87 = arith.constant 2 : index
    %get3A_88 = arith.constant 0 : index
    %get3A_89 = arith.constant 0 : index
    %get3A_90 = vector.load %arg1[%get3A_87, %get3A_88, %get3A_89] : memref<4x576x768xf32, #tpu.memory_space<vmem>>, vector<1x576x768xf32>
    %get3A_91 = vector.shape_cast %get3A_90 : vector<1x576x768xf32> to vector<576x768xf32>
    %broadcast_in_dim3A_92 = vector.shape_cast %convert_element_type3A_86 : vector<576xf32> to vector<576x1xf32>
    %mul3A_93 = vector.broadcast %broadcast_in_dim3A_92 : vector<576x1xf32> to vector<576x768xf32>
    %mul3A_94 = arith.mulf %get3A_91, %mul3A_93 : vector<576x768xf32>
    %swap3A_95 = arith.constant 2 : index
    %swap3A_96 = arith.constant 0 : index
    %swap3A_97 = arith.constant 0 : index
    %swap3A_98 = vector.load %arg5[%swap3A_95, %swap3A_96, %swap3A_97] : memref<4x576x768xf32, #tpu.memory_space<vmem>>, vector<1x576x768xf32>
    %swap3A_99 = vector.shape_cast %swap3A_98 : vector<1x576x768xf32> to vector<576x768xf32>
    %swap3A_100 = vector.shape_cast %mul3A_94 : vector<576x768xf32> to vector<1x576x768xf32>
    tpu.vector_store %arg5[%swap3A_95, %swap3A_96, %swap3A_97], %swap3A_100 {strides = array<i32>} : memref<4x576x768xf32, #tpu.memory_space<vmem>>, vector<1x576x768xf32>,
    %get3A_101 = arith.constant 3 : index
    %get3A_102 = arith.constant 0 : index
    %get3A_103 = arith.constant 0 : index
    %get3A_104 = vector.load %arg2[%get3A_101, %get3A_102, %get3A_103] : memref<4x1x1152xf32, #tpu.memory_space<vmem>>, vector<1x1x576xf32>
    %get3A_105 = vector.shape_cast %get3A_104 : vector<1x1x576xf32> to vector<576xf32>
    %get3A_106 = arith.constant 3 : index
    %get3A_107 = arith.constant 0 : index
    %get3A_108 = arith.constant 0 : index
    %get3A_109 = vector.load %arg3[%get3A_106, %get3A_107, %get3A_108] : memref<4x1x1152xf32, #tpu.memory_space<vmem>>, vector<1x1x576xf32>
    %get3A_110 = vector.shape_cast %get3A_109 : vector<1x1x576xf32> to vector<576xf32>
    %add3A_111 = arith.addf %get3A_105, %get3A_110 : vector<576xf32>
    %get3A_112 = arith.constant 3 : index
    %get3A_113 = arith.constant 0 : index
    %get3A_114 = arith.constant 0 : index
    %get3A_115 = vector.load %arg4[%get3A_112, %get3A_113, %get3A_114] : memref<4x1x1152xf32, #tpu.memory_space<vmem>>, vector<1x1x576xf32>
    %get3A_116 = vector.shape_cast %get3A_115 : vector<1x1x576xf32> to vector<576xf32>
    %add3A_117 = arith.addf %add3A_111, %get3A_116 : vector<576xf32>
    %gt3A_118 = arith.constant 0.000000e+00 : f32
    %gt3A_119 = vector.broadcast %gt3A_118 : f32 to vector<576xf32>
    %gt3A_120 = arith.cmpf ogt, %add3A_117, %gt3A_119 : vector<576xf32>
    %convert_element_type3A_121 = arith.extui %gt3A_120 : vector<576xi1> to vector<576xi32>
    %convert_element_type3A_122 = arith.sitofp %convert_element_type3A_121 : vector<576xi32> to vector<576xf32>
    %get3A_123 = arith.constant 3 : index
    %get3A_124 = arith.constant 0 : index
    %get3A_125 = arith.constant 0 : index
    %get3A_126 = vector.load %arg1[%get3A_123, %get3A_124, %get3A_125] : memref<4x576x768xf32, #tpu.memory_space<vmem>>, vector<1x576x768xf32>
    %get3A_127 = vector.shape_cast %get3A_126 : vector<1x576x768xf32> to vector<576x768xf32>
    %broadcast_in_dim3A_128 = vector.shape_cast %convert_element_type3A_122 : vector<576xf32> to vector<576x1xf32>
    %mul3A_129 = vector.broadcast %broadcast_in_dim3A_128 : vector<576x1xf32> to vector<576x768xf32>
    %mul3A_130 = arith.mulf %get3A_127, %mul3A_129 : vector<576x768xf32>
    %swap3A_131 = arith.constant 3 : index
    %swap3A_132 = arith.constant 0 : index
    %swap3A_133 = arith.constant 0 : index
    %swap3A_134 = vector.load %arg5[%swap3A_131, %swap3A_132, %swap3A_133] : memref<4x576x768xf32, #tpu.memory_space<vmem>>, vector<1x576x768xf32>
    %swap3A_135 = vector.shape_cast %swap3A_134 : vector<1x576x768xf32> to vector<576x768xf32>
    %swap3A_136 = vector.shape_cast %mul3A_130 : vector<576x768xf32> to vector<1x576x768xf32>
    tpu.vector_store %arg5[%swap3A_131, %swap3A_132, %swap3A_133], %swap3A_136 {strides = array<i32>} : memref<4x576x768xf32, #tpu.memory_space<vmem>>, vector<1x576x768xf32>,
    return
  }
  func.func @transform_0(%arg0: i32) -> (i32, i32, i32) {
    %c0_i32 = arith.constant 0 : i32
    %c0_i32_0 = arith.constant 0 : i32
    %c0_i32_1 = arith.constant 0 : i32
    return %arg0, %c0_i32, %c0_i32_0 : i32, i32, i32
  }
  func.func @transform_1(%arg0: i32) -> (i32, i32, i32) {
    %add3A = arith.constant 8 : i32
    %add3A_0 = arith.addi %add3A, %arg0 : i32
    %c0_i32 = arith.constant 0 : i32
    %c0_i32_1 = arith.constant 0 : i32
    %c0_i32_2 = arith.constant 0 : i32
    return %add3A_0, %c0_i32, %c0_i32_1 : i32, i32, i32
  }
  func.func @transform_2(%arg0: i32) -> (i32, i32, i32) {
    %add3A = arith.constant 16 : i32
    %add3A_0 = arith.addi %add3A, %arg0 : i32
    %c0_i32 = arith.constant 0 : i32
    %c0_i32_1 = arith.constant 0 : i32
    %c0_i32_2 = arith.constant 0 : i32
    return %add3A_0, %c0_i32, %c0_i32_1 : i32, i32, i32
  }
  func.func @transform_3(%arg0: i32) -> (i32, i32, i32) {
    %add3A = arith.constant 24 : i32
    %add3A_0 = arith.addi %add3A, %arg0 : i32
    %c0_i32 = arith.constant 0 : i32
    %c0_i32_1 = arith.constant 0 : i32
    %c0_i32_2 = arith.constant 0 : i32
    return %add3A_0, %c0_i32, %c0_i32_1 : i32, i32, i32
  }
  func.func @transform_4(%arg0: i32) -> (i32, i32, i32) {
    %c0_i32 = arith.constant 0 : i32
    %c0_i32_0 = arith.constant 0 : i32
    %c0_i32_1 = arith.constant 0 : i32
    return %arg0, %c0_i32, %c0_i32_0 : i32, i32, i32
  }
}

</mosaic_0001>

<sc_bundles>
// kernel: kernel.10.cloned.1.call-start
scs
__scs_entry_jumppad:
0x0: {  	(pc) =	sbr.rel $0x88, $3  }
0x1: {  	(tag) =	ssettag $0x0;
	lr =	simm.s32 $0x1  }
0x2: {  	[smem:$0x3F97] =	sst lr;
	_ =	strace $0xD0000000  }
0x3: {  	_ = 	snop  }
0x4: {  	_ = 	snop  }
0x5: {  	_ = 	snop  }
0x6: {  	_ = 	snop  }
0x7: {  	_ = 	snop  }
__scs_overlays_trampoline_lowered:
0x8: {  	[smem:$0x3FA6] =	sst s0  }
0x9: {  	[smem:$0x3FA7] =	sst s1  }
0xa: {  	[smem:$0x3FA8] =	sst s2  }
0xb: {  	[smem:$0x3FA9] =	sst s3  }
0xc: {  	[smem:$0x3FAA] =	sst s4  }
0xd: {  	[smem:$0x3FAB] =	sst s5  }
0xe: {  	[smem:$0x3FAC] =	sst s6  }
0xf: {  	[smem:$0x3FAD] =	sst s7  }
0x10: {  	[smem:$0x3FAE] =	sst s8  }
0x11: {  	[smem:$0x3FAF] =	sst s9;
	s0 =	simm.s32 @!p0 $0x0  }
0x12: {  	s1 =	sld [smem:$0x3F95];
	s0 =	simm.s32 @p0 $0x1  }
0x13: {  	[smem:$0x3FB0] =	sst s0;
	s0 =	simm.s32 @!p1 $0x0  }
0x14: {  	s2 =	sld [smem:$0x3F94];
	s0 =	simm.s32 @p1 $0x1  }
0x15: {  	[smem:$0x3FB1] =	sst s0;
	s0 =	simm.s32 @!p2 $0x0  }
0x16: {  	s3 =	sld [smem:$0x3FDB];
	s0 =	simm.s32 @p2 $0x1  }
0x17: {  	s4 =	simm.s32 $0x1BF5;
	[smem:$0x3FB3] =	sst s0  }
0x18: {  	s0 =	sld [smem:$0x3F96];
	_ =	swait.ge [sflag:s4], $0x0  }
0x19: {  	s7 =	sld [smem:$0x3F97]  }
0x1a: {  	s8 =	sadd.s32 $0xFFFFE003, lr  }
0x1b: {  	s9 =	sadd.s32 $0xFFFFFEF7, lr;
	s5 =	simm.s32 $0xFFFFFFFF;
	p2 =	slt.u32 s8, $0xFFFFF086  }
0x1c: {  	p1 =	slt.u32 s9, $0xF7A;
	s5 =	simm.s32 @!p2 $0x0  }
0x1d: {  	s5 =	simm.s32 @p1 $0x1;
	p0 =	seq.s32 s7, s2  }
0x1e: {  	s7 =	smul.u32 @!p0 $0xF7A, s2;
	p2 =	seq.s32 @!p0 s5, $0x0  }
0x1f: {  	s9 =	smul.u32 $0xF7A, s1;
	s8 =	simm.s32 @!p0 $0x1BF5;
	p2 =	por !p2, p0  }
0x20: {  	[sflag:s8] =	ssyncset.s32 @!p0 $0xFFFFF086;
	s6 =	sadd.s32 @!p0 s3, s7;
	s7 =	simm.s32 @!p0 $0x108  }
0x21: {  	s3 =	sadd.s32 s3, s9;
	s6 =	sadd.s32 @!p0 $0x88, s6;
	s7 =	simm.s32 @p2 $0x1082  }
0x22: {  	[simem:s7], [sflag:s8] =	dma.local @!p0 [hbm:s6], $0xF7A  }
0x23: {  	s9 =	sor.u32 $0xD0000000, s2;
	s6 =	simm.s32 $0x108;
	_ =	swait.ge @!p0 [sflag:s8], $0x0  }
0x24: {  	s3 =	sadd.s32 $0x88, s3;
	s6 =	simm.s32 @!p1 $0x1082;
	[sflag:s4] =	ssyncset.s32 $0xFFFFF086  }
0x25: {  	[simem:s6], [sflag:s4] =	dma.local [hbm:s3], $0xF7A  }
0x26: {  	[smem:$0x3F97] =	sst s1;
	(tag) =	ssettag s2;
	_ =	strace s9  }
0x27: {  	s1 =	sld [smem:$0x3FA7]  }
0x28: {  	s2 =	sld [smem:$0x3FA8]  }
0x29: {  	s4 =	sld [smem:$0x3FAA]  }
0x2a: {  	p0 =	seq.s32 s5, $0x0;
	s5 =	sld [smem:$0x3FAB]  }
0x2b: {  	s6 =	sld [smem:$0x3FAC]  }
0x2c: {  	s7 =	sld [smem:$0x3FAD]  }
0x2d: {  	s3 =	simm.s32 $0x108;
	s8 =	sld [smem:$0x3FAE]  }
0x2e: {  	s3 =	simm.s32 @!p0 $0x1082;
	s9 =	sld [smem:$0x3FAF]  }
0x2f: {  	lr =	sadd.s32 s0, s3;
	s0 =	sld [smem:$0x3FA6]  }
0x30: {  	s3 =	sld [smem:$0x3FA9]  }
0x31: {  	[smem:$0x3FB2] =	sst s10  }
0x32: {  	s10 =	sld [smem:$0x3FB0];
	_ =	sdelay $0x3  }
0x33: {  	p0 =	seq.s32 s10, $0x1;
	s10 =	sld [smem:$0x3FB2];
	_ =	sdelay $0x3  }
0x34: {  	[smem:$0x3FB2] =	sst s10  }
0x35: {  	s10 =	sld [smem:$0x3FB1];
	_ =	sdelay $0x3  }
0x36: {  	p1 =	seq.s32 s10, $0x1;
	s10 =	sld [smem:$0x3FB2];
	_ =	sdelay $0x3  }
0x37: {  	[smem:$0x3FB2] =	sst s10  }
0x38: {  	s10 =	sld [smem:$0x3FB3]  }
0x39: {  	_ = 	snop;
	(pc) =	sbr.ind lr, $3  }
0x3a: {  	_ = 	snop  }
0x3b: {  	_ = 	snop  }
0x3c: {  	p2 =	seq.s32 s10, $0x1;
	s10 =	sld [smem:$0x3FB2]  }
0x3d: {  	_ =	shalt  }
0x3e: {  	_ =	shalt  }
0x3f: {  	_ =	shalt  }
0x40: {  	_ =	shalt  }
0x41: {  	_ =	shalt  }
0x42: {  	_ =	shalt  }
0x43: {  	_ =	shalt  }
0x44: {  	_ =	shalt  }
0x45: {  	_ =	shalt  }
0x46: {  	_ =	shalt  }
0x47: {  	_ =	shalt  }
0x48: {  	_ =	shalt  }
0x49: {  	_ =	shalt  }
0x4a: {  	_ =	shalt  }
0x4b: {  	_ =	shalt  }
0x4c: {  	_ =	shalt  }
0x4d: {  	_ =	shalt  }
0x4e: {  	_ =	shalt  }
0x4f: {  	_ =	shalt  }
0x50: {  	_ =	shalt  }
0x51: {  	_ =	shalt  }
0x52: {  	_ =	shalt  }
0x53: {  	_ =	shalt  }
0x54: {  	_ =	shalt  }
0x55: {  	_ =	shalt  }
0x56: {  	_ =	shalt  }
0x57: {  	_ =	shalt  }
0x58: {  	_ =	shalt  }
0x59: {  	_ =	shalt  }
0x5a: {  	_ =	shalt  }
0x5b: {  	_ =	shalt  }
0x5c: {  	_ =	shalt  }
0x5d: {  	_ =	shalt  }
0x5e: {  	_ =	shalt  }
0x5f: {  	_ =	shalt  }
0x60: {  	_ =	shalt  }
0x61: {  	_ =	shalt  }
0x62: {  	_ =	shalt  }
0x63: {  	_ =	shalt  }
0x64: {  	_ =	shalt  }
0x65: {  	_ =	shalt  }
0x66: {  	_ =	shalt  }
0x67: {  	_ =	shalt  }
0x68: {  	_ =	shalt  }
0x69: {  	_ =	shalt  }
0x6a: {  	_ =	shalt  }
0x6b: {  	_ =	shalt  }
0x6c: {  	_ =	shalt  }
0x6d: {  	_ =	shalt  }
0x6e: {  	_ =	shalt  }
0x6f: {  	_ =	shalt  }
0x70: {  	_ =	shalt  }
0x71: {  	_ =	shalt  }
0x72: {  	_ =	shalt  }
0x73: {  	_ =	shalt  }
0x74: {  	_ =	shalt  }
0x75: {  	_ =	shalt  }
0x76: {  	_ =	shalt  }
0x77: {  	_ =	shalt  }
0x78: {  	_ =	shalt  }
0x79: {  	_ =	shalt  }
0x7a: {  	_ =	shalt  }
0x7b: {  	_ =	shalt  }
0x7c: {  	_ =	shalt  }
0x7d: {  	_ =	shalt  }
0x7e: {  	_ =	shalt  }
0x7f: {  	_ =	shalt  }
0x80: {  	_ =	shalt  }
0x81: {  	_ =	shalt  }
0x82: {  	_ =	shalt  }
0x83: {  	_ =	shalt  }
0x84: {  	_ =	shalt  }
0x85: {  	_ =	shalt  }
0x86: {  	_ =	shalt  }
0x87: {  	_ =	shalt  }
.Lfunc_end0:
.L_simem_size_0:
called_computation_lowered:
.L_overlay_start_0:
0x88: {  	s2 =	sld [smem:$0x3FD9]  }
0x89: {  	s3 =	sld [smem:$0x3FFE];
	_ =	sdelay $0x1  }
0x8a: {  	s1 =	srdreg.scid  }
0x8b: {  	s0 =	sand.u32 $0x1, s1  }
0x8c: {  	s15 =	sshll.u32 s0, $0xA;
	s2 =	sadd.s32 s3, s2  }
0x8d: {  	s2 =	sadd.s32 s2, s15  }
0x8e: {  	[smem:$0x3FBE] =	sst s2  }
0x8f: {  	_ = 	snop  }
0x90: {  	s2 =	sld [smem:$0x3FD0];
	_ =	sdelay $0x2  }
0x91: {  	s16 =	simm.s32 $0xA;
	s4 =	simm.s32 $0x10  }
0x92: {  	[smem:s4], [sflag:s16] =	dma.local [hbm:s2], $0x1  }
0x93: {  	_ =	swait.eq [sflag:s16], $0x1  }
0x94: {  	[sflag:s16] =	ssyncset.done $0x0  }
0x95: {  	s17 =	sld [smem:$0x11];
	[sflag:s16] =	ssyncadd.s32 $0xFFFFFFFF  }
0x96: {  	s18 =	sld [smem:$0x12];
	(tm) =	ssettm $0x1  }
0x97: {  	s19 =	sld [smem:$0x3FFB];
	_ =	sdelay $0x3  }
0x98: {  	_ =	strace s19  }
0x99: {  	s4 =	sld [smem:$0x3FFC];
	_ =	sdelay $0x3  }
0x9a: {  	_ =	strace s4  }
0x9b: {  	s4 =	sld [smem:$0x3FFD];
	_ =	sdelay $0x3  }
0x9c: {  	_ =	strace s4  }
0x9d: {  	_ =	strace $0x8FFFFFFF  }
0x9e: {  	s20 =	sld [smem:$0x3FDB];
	_ =	sdelay $0x1  }
0x9f: {  	s5 =	simm.s32 $_scs_section_size  }
0xa0: {  	s6 =	simm.s32 $_size__tile_overlayer_lowered;
	s7 =	simm.s32 $_tile_overlayer_lowered  }
0xa1: {  	s23 =	simm.s32 $0x1BFF;
	s22 =	sshll.u32 s7, $0x1;
	s4 =	sadd.s32 s5, s20  }
0xa2: {  	s8 =	simm.s32 $0x0;
	s21 =	sshll.u32 s6, $0x1;
	s6 =	sadd.s32 s22, s4  }
0xa3: {  	[timem:s8], [sflag:s23] =	dma.local [hbm:s6], s21  }
0xa4: {  	_ =	swait.ge [sflag:s23], s21  }
0xa5: {  	s5 =	ssub.s32 $0x0, s21;
	[sflag:s23] =	ssyncset.done $0x0  }
0xa6: {  	[sflag:s23] =	ssyncadd.s32 s5;
	_ =	sdelay $0x1  }
0xa7: {  	s24 =	simm.s32 $0x1B8B  }
0xa8: {  	_ =	swait.ge [sflag:s24], $0x1  }
0xa9: {  	[sflag:s24] =	ssyncset.done $0x0  }
0xaa: {  	s25 =	simm.s32 $0x1B8E;
	[sflag:s24] =	ssyncadd.s32 $0xFFFFFFFF  }
0xab: {  	s26 =	simm.s32 $execute0_lowered;
	[smem:$0x3FD2] =	sst s25  }
0xac: {  	s5 =	sshll.u32 s26, $0x1;
	_ =	strace $0x80000046;
	[dreg:$0x1] =	wrdreg $0xFFFFFFFF  }
0xad: {  	s28 =	simm.s32 $_size_execute0_lowered;
	s4 =	sadd.s32 s4, s5;
	[dreg:$0x0] =	wrdreg $0x0  }
0xae: {  	s5 =	sshll.u32 s28, $0x1;
	[dreg:$0x2] =	wrdreg s4  }
0xaf: {  	[dreg:$0x3] =	wrdreg s5  }
0xb0: {  	[dreg:$0x4] =	wrdreg $0xC0  }
0xb1: {  	_ =	task [dreg:s8], $0x5FFFF  }
0xb2: {  	[dreg:$0x1] =	wrdreg $0xFFFFFFFF  }
0xb3: {  	[dreg:$0x0] =	wrdreg $0x60  }
0xb4: {  	[dreg:$0x2] =	wrdreg s18  }
0xb5: {  	[dreg:$0x3] =	wrdreg s17  }
0xb6: {  	[dreg:$0x4] =	wrdreg $0x9  }
0xb7: {  	_ =	task.clear_ibuf [dreg:s8], $0x5FFFF;
	_ =	strace $0x90000046  }
0xb8: {  	s29 =	simm.s32 $0x9;
	_ =	strace $0x80000048  }
0xb9: {  	_ =	swait.ge [sflag:s29], $0x1  }
0xba: {  	[sflag:s29] =	ssyncadd.s32 $0xFFFFFFFF  }
0xbb: {  	_ =	strace $0x90000048  }
0xbc: {  	_ =	sfence  }
0xbd: {  	s30 =	sld [smem:$0x0];
	_ =	sdelay $0x2  }
0xbe: {  	s31 =	sshll.u32 s1, $0xD;
	s1 =	sshrl.u32 s1, $0x2  }
0xbf: {  	s3 =	sand.u32 $0x4000, s31;
	s1 =	sadd.s32 s1, s30  }
0xc0: {  	s0 =	sor.u32 s3, s0;
	s1 =	sshll.u32 s1, $0x11  }
0xc1: {  	s0 =	sor.u32 s1, s0  }
0xc2: {  	s0 =	sadd.s32 $0x8F2B, s0  }
0xc3: {  	[sflag:s0] =	ssyncadd.remote.s32 $0x1  }
0xc4: {  	_ =	sfence.sel $0xFFFF  }
0xc5: {  	[dreg:$0x0] =	wrdreg $0xFFFFFFFF;
	(pc) =	sbr.abs _section_cstart, $3  }
0xc6: {  	[dreg:$0x1] =	wrdreg $0xFFFFFFFF  }
0xc7: {  	_ =	task.clear_ibuf [dreg:s8], $0x2FFFF;
	_ =	strace $0x9FFFFFFF  }
0xc8: {  	(tm) =	ssettm $0x7FFFFFFF  }
0xc9: {  	_ =	shalt  }
tec
execute0_lowered:
.L_overlay_start_1:
0x0: {  	(tag) =	ssettag $0x1  }
0x1: {  	s2 =	rddreg [dreg:$0x0]  }
0x2: {  	s3 =	rddreg [dreg:$0x1];
	s4 =	srdreg.scid  }
0x3: {  	s1 =	stileid.u32;
	s0 =	rddreg [dreg:$0x2]  }
0x4: {  	s5 =	simm.s32 $0x0;
	s9 =	simm.s32 $0x400;
	s10 =	simm.s32 $0x1  }
.Ltmp0:
0x5: {  	s11 =	simm.s32 $0x900;
	s6 =	sand.u32 $0x1, s4;
	(pc) =	sbr.rel .LBB2_1-.Ltmp0, $4  }
0x6: {  	s12 =	simm.s32 $0x480;
	s4 =	sshll.u32 s1, $0x1;
	s7 =	ssub.s32 $0x2, s6  }
0x7: {  	[smem:$0x7FF] =	sst s5;
	s6 =	sor.u32 s6, s4;
	s8 =	sshrl.u32 s7, $0x1  }
0x8: {  	_ =	strace $0x80000047;
	s6 =	sshll.u32 s6, $0x7;
	s7 =	ssub.s32 s7, s8  }
0x9: {  	v0 =	vimm.s32 $0x0;
	v1 =	vlaneseq.u32;
	v2 =	vimm.f32 $0.0e+00;
	s6 =	sand.u32 $0x380, s6;
	s8 =	simm.s32 $0x80;
	s7 =	smax.u32 s7, $0x1  }
.LBB2_120:
0xa: {  	s5 =	sadd.s32 $0x1, s5  }
0xb: {  	p0 =	sne.s32 s5, s7  }
.Ltmp1:
0xc: {  	_ = 	snop;
	(pc) =	sbr.rel @!p0 .LBB2_121-.Ltmp1, $1  }
0xd: {  	_ =	sdelay $0x3  }
.LBB2_1:
0xe: {  	s13 =	simm.s32 $0x0  }
.LBB2_2:
0xf: {  	s14 =	sshll.u32 s13, $0x5  }
0x10: {  	s14 =	sor.u32 s4, s14  }
0x11: {  	s14 =	sshrl.u32 s14, $0x3  }
0x12: {  	s14 =	smul.u32 $0x2400, s14;
	_ =	sdelay $0x1  }
0x13: {  	s14 =	sor.u32 s6, s14  }
0x14: {  	s14 =	sshrl.u32 s14, $0x3  }
0x15: {  	s16 =	simm.s32 $0x480;
	s15 =	sadd.s32 s2, s14  }
0x16: {  	[tilespmem:s16], [sflag:$0x1] =	stream.strided.gather [hbm4b:s15+s8], $0x480, s9, s8, $0x38;
	[tilespmem:$0xE00] =	vst v63  }
0x17: {  	p0 =	sgt.u32 s13, $0x2;
	s15 =	simm.s32 $0x24  }
0x18: {  	s15 =	simm.s32 @!p0 $0x48  }
0x19: {  	p1 =	sne.s32 s15, $0x1  }
.Ltmp2:
0x1a: {  	_ = 	snop;
	(pc) =	sbr.rel @!p1 .LBB2_3-.Ltmp2, $4  }
0x1b: {  	_ =	swait.ge [sflag:s10], $0x480  }
0x1c: {  	[sflag:s10] =	ssyncset.done $0x0  }
0x1d: {  	[sflag:s10] =	ssyncadd.s32 $0xFFFFFB80  }
0x1e: {  	s17 =	simm.s32 $0x0;
	p2 =	por $0x0, $0x0;
	v3 =	vld [tilespmem:s16+$0x0];
	s16 =	sadd.s32 $0xFFFFFFFF, s15  }
0x1f: {  	_ =	sdelay $0x1  }
0x20: {  	p3 =	sne.s32 s16, $0x1  }
.Ltmp3:
0x21: {  	_ = 	snop;
	(pc) =	sbr.rel @!p3 .LBB2_5-.Ltmp3, $4  }
0x22: {  	vm0 =	vlt.s32 v3, $0x0;
	v4 =	vxor.u32 $0xFFFFFFFF, v3;
	v3 =	vor.u32 $0x80000000, v3  }
0x23: {  	v3 =	vsel vm0, v4, v3  }
0x24: {  	s19 =	simm.s32 $0x490;
	[tilespmem:s17+$0x0] =	vst v3  }
0x25: {  	s20 =	sadd.s32 $0xFFFFFFFF, s16;
	p2 =	por $0x1, $0x1;
	s18 =	simm.s32 $0x0;
	v3 =	vld [tilespmem:s19+$0x0]  }
.LBB2_6:
0x26: {  	p3 =	sne.s32 s20, $0x1;
	_ =	sdelay $0x2  }
.Ltmp4:
0x27: {  	(pc) =	sbr.rel @p3 .LBB2_6-.Ltmp4, $4  }
0x28: {  	vm0 =	vlt.s32 v3, $0x0;
	v4 =	vxor.u32 $0xFFFFFFFF, v3;
	v3 =	vor.u32 $0x80000000, v3  }
0x29: {  	s18 =	sadd.s32 $0x10, s18;
	v3 =	vsel vm0, v4, v3  }
0x2a: {  	s19 =	sadd.s32 $0x10, s19;
	[tilespmem:s18+$0x0] =	vst v3  }
0x2b: {  	s20 =	sadd.s32 $0xFFFFFFFF, s20;
	v3 =	vld [tilespmem:s19+$0x0]  }
.LBB2_7:
0x2c: {  	_ =	sdelay $0x3  }
0x2d: {  	s18 =	sadd.s32 @p2 $0x10, s18;
	s19 =	simm.s32 $0x0;
	vm0 =	vlt.s32 v3, $0x0;
	v4 =	vxor.u32 $0xFFFFFFFF, v3;
	v3 =	vor.u32 $0x80000000, v3  }
0x2e: {  	s19 =	smov.u32 @p2 s18;
	v3 =	vsel vm0, v4, v3  }
0x2f: {  	[tilespmem:s19+$0x0] =	vst v3  }
0x30: {  	v4 =	vld [tilespmem:s17+$0x0]  }
.Ltmp5:
0x31: {  	_ = 	snop;
	(pc) =	sbr.rel @!p1 .LBB2_9-.Ltmp5, $2  }
0x32: {  	_ =	sdelay $0x2  }
0x33: {  	v3 =	vimm.s32 $0x0;
	s17 =	simm.s32 $0x10;
	v5 =	vshrl.u32 v4, $0x1F;
	v4 =	vimm.s32 $0x0  }
.LBB2_8:
0x34: {  	v6 =	vld [tilespmem:s17+$0x0];
	p2 =	sne.s32 s16, $0x1;
	s16 =	sadd.s32 $0xFFFFFFFF, s16;
	v4 =	vadd.s32 v4, v5  }
.Ltmp6:
0x35: {  	(pc) =	sbr.rel @p2 .LBB2_8-.Ltmp6, $2  }
0x36: {  	_ =	sdelay $0x2  }
0x37: {  	s17 =	sadd.s32 $0x10, s17;
	v5 =	vshrl.u32 v6, $0x1F  }
.LBB2_9:
0x38: {  	v4 =	vadd.s32 v4, v5  }
0x39: {  	(xrf0) =	vadd.scan.msk.s32 $0xffff, v4;
	_ =	sdelay $0x5  }
0x3a: {  	v4, _, _ =	vpop (xrf0)  }
0x3b: {  	(v2sf) =	vpush v4, $0xF;
	_ =	sdelay $0xd  }
0x3c: {  	s16 =	simm.s32 $0x70;
	s18 =	simm.s32 $0x0  }
0x3d: {  	s16 =	simm.s32 @!p0 $0xE0;
	v5 =	vld [tilespmem:s18+$0x0];
	s17 =	spop (v2sf)  }
.Ltmp7:
0x3e: {  	s19 =	simm.s32 $0x0;
	p2 =	slt.s32 s17, s16;
	(pc) =	sbr.rel @!p1 .LBB2_11-.Ltmp7, $4  }
0x3f: {  	s19 =	simm.s32 @!p2 $0x80000000  }
0x40: {  	s17 =	sor.u32 $0x40000000, s19  }
0x41: {  	v4 =	vmov s17  }
0x42: {  	s20 =	sadd.s32 $0xFFFFFFFF, s15;
	s21 =	simm.s32 $0x10;
	vm0 =	vge.u32 v5, v4  }
.LBB2_10:
0x43: {  	v5 =	vld [tilespmem:s21+$0x0];
	p2 =	sne.s32 s20, $0x1;
	s20 =	sadd.s32 $0xFFFFFFFF, s20;
	v6 =	vsel vm0, $0x1, v0  }
.Ltmp8:
0x44: {  	v3 =	vadd.s32 v6, v3;
	(pc) =	sbr.rel @p2 .LBB2_10-.Ltmp8, $2  }
0x45: {  	_ =	sdelay $0x2  }
0x46: {  	s21 =	sadd.s32 $0x10, s21;
	vm0 =	vge.u32 v5, v4  }
.LBB2_11:
0x47: {  	v4 =	vsel vm0, $0x1, v0  }
0x48: {  	v3 =	vadd.s32 v4, v3  }
0x49: {  	(xrf0) =	vadd.scan.msk.s32 $0xffff, v3;
	_ =	sdelay $0x5  }
0x4a: {  	v3, _, _ =	vpop (xrf0)  }
0x4b: {  	(v2sf) =	vpush v3, $0xF;
	_ =	sdelay $0xe  }
0x4c: {  	v5 =	vld [tilespmem:s18+$0x0];
	s20 =	spop (v2sf)  }
.Ltmp9:
0x4d: {  	p2 =	slt.s32 s20, s16;
	(pc) =	sbr.rel @!p1 .LBB2_13-.Ltmp9, $4  }
0x4e: {  	s17 =	smov.u32 @p2 s19  }
0x4f: {  	s18 =	sor.u32 $0x20000000, s17  }
0x50: {  	v4 =	vmov s18  }
0x51: {  	v3 =	vimm.s32 $0x0;
	s20 =	simm.s32 $0x10;
	s19 =	sadd.s32 $0xFFFFFFFF, s15;
	vm0 =	vge.u32 v5, v4;
	v5 =	vimm.s32 $0x0  }
.LBB2_12:
0x52: {  	v6 =	vld [tilespmem:s20+$0x0];
	p2 =	sne.s32 s19, $0x1;
	s19 =	sadd.s32 $0xFFFFFFFF, s19;
	v7 =	vsel vm0, $0x1, v0  }
.Ltmp10:
0x53: {  	v5 =	vadd.s32 v7, v5;
	(pc) =	sbr.rel @p2 .LBB2_12-.Ltmp10, $2  }
0x54: {  	_ =	sdelay $0x2  }
0x55: {  	s20 =	sadd.s32 $0x10, s20;
	vm0 =	vge.u32 v6, v4  }
.LBB2_13:
0x56: {  	v4 =	vsel vm0, $0x1, v0  }
0x57: {  	v4 =	vadd.s32 v4, v5  }
0x58: {  	(xrf0) =	vadd.scan.msk.s32 $0xffff, v4;
	_ =	sdelay $0x5  }
0x59: {  	v4, _, _ =	vpop (xrf0)  }
0x5a: {  	(v2sf) =	vpush v4, $0xF;
	_ =	sdelay $0xd  }
0x5b: {  	s19 =	simm.s32 $0x0  }
0x5c: {  	v5 =	vld [tilespmem:s19+$0x0];
	s20 =	spop (v2sf)  }
.Ltmp11:
0x5d: {  	p2 =	slt.s32 s20, s16;
	(pc) =	sbr.rel @!p1 .LBB2_15-.Ltmp11, $4  }
0x5e: {  	s18 =	smov.u32 @p2 s17  }
0x5f: {  	s17 =	sor.u32 $0x10000000, s18  }
0x60: {  	v4 =	vmov s17  }
0x61: {  	s21 =	simm.s32 $0x10;
	s20 =	sadd.s32 $0xFFFFFFFF, s15;
	vm0 =	vge.u32 v5, v4  }
.LBB2_14:
0x62: {  	v5 =	vld [tilespmem:s21+$0x0];
	p2 =	sne.s32 s20, $0x1;
	s20 =	sadd.s32 $0xFFFFFFFF, s20;
	v6 =	vsel vm0, $0x1, v0  }
.Ltmp12:
0x63: {  	v3 =	vadd.s32 v6, v3;
	(pc) =	sbr.rel @p2 .LBB2_14-.Ltmp12, $2  }
0x64: {  	_ =	sdelay $0x2  }
0x65: {  	s21 =	sadd.s32 $0x10, s21;
	vm0 =	vge.u32 v5, v4  }
.LBB2_15:
0x66: {  	v4 =	vsel vm0, $0x1, v0  }
0x67: {  	v3 =	vadd.s32 v4, v3  }
0x68: {  	(xrf0) =	vadd.scan.msk.s32 $0xffff, v3;
	_ =	sdelay $0x5  }
0x69: {  	v3, _, _ =	vpop (xrf0)  }
0x6a: {  	(v2sf) =	vpush v3, $0xF;
	_ =	sdelay $0xe  }
0x6b: {  	v5 =	vld [tilespmem:s19+$0x0];
	s20 =	spop (v2sf)  }
.Ltmp13:
0x6c: {  	p2 =	slt.s32 s20, s16;
	(pc) =	sbr.rel @!p1 .LBB2_17-.Ltmp13, $4  }
0x6d: {  	s17 =	smov.u32 @p2 s18  }
0x6e: {  	s18 =	sor.u32 $0x8000000, s17  }
0x6f: {  	v4 =	vmov s18  }
0x70: {  	s19 =	sadd.s32 $0xFFFFFFFF, s15;
	v3 =	vimm.s32 $0x0;
	s20 =	simm.s32 $0x10;
	vm0 =	vge.u32 v5, v4;
	v5 =	vimm.s32 $0x0  }
.LBB2_16:
0x71: {  	v6 =	vld [tilespmem:s20+$0x0];
	p2 =	sne.s32 s19, $0x1;
	s19 =	sadd.s32 $0xFFFFFFFF, s19;
	v7 =	vsel vm0, $0x1, v0  }
.Ltmp14:
0x72: {  	v5 =	vadd.s32 v7, v5;
	(pc) =	sbr.rel @p2 .LBB2_16-.Ltmp14, $2  }
0x73: {  	_ =	sdelay $0x2  }
0x74: {  	s20 =	sadd.s32 $0x10, s20;
	vm0 =	vge.u32 v6, v4  }
.LBB2_17:
0x75: {  	v4 =	vsel vm0, $0x1, v0  }
0x76: {  	v4 =	vadd.s32 v4, v5  }
0x77: {  	(xrf0) =	vadd.scan.msk.s32 $0xffff, v4;
	_ =	sdelay $0x5  }
0x78: {  	v4, _, _ =	vpop (xrf0)  }
0x79: {  	(v2sf) =	vpush v4, $0xF;
	_ =	sdelay $0xd  }
0x7a: {  	s19 =	simm.s32 $0x0  }
0x7b: {  	v5 =	vld [tilespmem:s19+$0x0];
	s20 =	spop (v2sf)  }
.Ltmp15:
0x7c: {  	p2 =	slt.s32 s20, s16;
	(pc) =	sbr.rel @!p1 .LBB2_19-.Ltmp15, $4  }
0x7d: {  	s18 =	smov.u32 @p2 s17  }
0x7e: {  	s17 =	sor.u32 $0x4000000, s18  }
0x7f: {  	v4 =	vmov s17  }
0x80: {  	s21 =	simm.s32 $0x10;
	s20 =	sadd.s32 $0xFFFFFFFF, s15;
	vm0 =	vge.u32 v5, v4  }
.LBB2_18:
0x81: {  	v5 =	vld [tilespmem:s21+$0x0];
	p2 =	sne.s32 s20, $0x1;
	s20 =	sadd.s32 $0xFFFFFFFF, s20;
	v6 =	vsel vm0, $0x1, v0  }
.Ltmp16:
0x82: {  	v3 =	vadd.s32 v6, v3;
	(pc) =	sbr.rel @p2 .LBB2_18-.Ltmp16, $2  }
0x83: {  	_ =	sdelay $0x2  }
0x84: {  	s21 =	sadd.s32 $0x10, s21;
	vm0 =	vge.u32 v5, v4  }
.LBB2_19:
0x85: {  	v4 =	vsel vm0, $0x1, v0  }
0x86: {  	v3 =	vadd.s32 v4, v3  }
0x87: {  	(xrf0) =	vadd.scan.msk.s32 $0xffff, v3;
	_ =	sdelay $0x5  }
0x88: {  	v3, _, _ =	vpop (xrf0)  }
0x89: {  	(v2sf) =	vpush v3, $0xF;
	_ =	sdelay $0xe  }
0x8a: {  	v5 =	vld [tilespmem:s19+$0x0];
	s20 =	spop (v2sf)  }
.Ltmp17:
0x8b: {  	p2 =	slt.s32 s20, s16;
	(pc) =	sbr.rel @!p1 .LBB2_21-.Ltmp17, $4  }
0x8c: {  	s17 =	smov.u32 @p2 s18  }
0x8d: {  	s18 =	sor.u32 $0x2000000, s17  }
0x8e: {  	v4 =	vmov s18  }
0x8f: {  	s19 =	sadd.s32 $0xFFFFFFFF, s15;
	v3 =	vimm.s32 $0x0;
	s20 =	simm.s32 $0x10;
	vm0 =	vge.u32 v5, v4;
	v5 =	vimm.s32 $0x0  }
.LBB2_20:
0x90: {  	v6 =	vld [tilespmem:s20+$0x0];
	p2 =	sne.s32 s19, $0x1;
	s19 =	sadd.s32 $0xFFFFFFFF, s19;
	v7 =	vsel vm0, $0x1, v0  }
.Ltmp18:
0x91: {  	v5 =	vadd.s32 v7, v5;
	(pc) =	sbr.rel @p2 .LBB2_20-.Ltmp18, $2  }
0x92: {  	_ =	sdelay $0x2  }
0x93: {  	s20 =	sadd.s32 $0x10, s20;
	vm0 =	vge.u32 v6, v4  }
.LBB2_21:
0x94: {  	v4 =	vsel vm0, $0x1, v0  }
0x95: {  	v4 =	vadd.s32 v4, v5  }
0x96: {  	(xrf0) =	vadd.scan.msk.s32 $0xffff, v4;
	_ =	sdelay $0x5  }
0x97: {  	v4, _, _ =	vpop (xrf0)  }
0x98: {  	(v2sf) =	vpush v4, $0xF;
	_ =	sdelay $0xd  }
0x99: {  	s19 =	simm.s32 $0x0  }
0x9a: {  	v5 =	vld [tilespmem:s19+$0x0];
	s20 =	spop (v2sf)  }
.Ltmp19:
0x9b: {  	p2 =	slt.s32 s20, s16;
	(pc) =	sbr.rel @!p1 .LBB2_23-.Ltmp19, $4  }
0x9c: {  	s18 =	smov.u32 @p2 s17  }
0x9d: {  	s17 =	sor.u32 $0x1000000, s18  }
0x9e: {  	v4 =	vmov s17  }
0x9f: {  	s21 =	simm.s32 $0x10;
	s20 =	sadd.s32 $0xFFFFFFFF, s15;
	vm0 =	vge.u32 v5, v4  }
.LBB2_22:
0xa0: {  	v5 =	vld [tilespmem:s21+$0x0];
	p2 =	sne.s32 s20, $0x1;
	s20 =	sadd.s32 $0xFFFFFFFF, s20;
	v6 =	vsel vm0, $0x1, v0  }
.Ltmp20:
0xa1: {  	v3 =	vadd.s32 v6, v3;
	(pc) =	sbr.rel @p2 .LBB2_22-.Ltmp20, $2  }
0xa2: {  	_ =	sdelay $0x2  }
0xa3: {  	s21 =	sadd.s32 $0x10, s21;
	vm0 =	vge.u32 v5, v4  }
.LBB2_23:
0xa4: {  	v4 =	vsel vm0, $0x1, v0  }
0xa5: {  	v3 =	vadd.s32 v4, v3  }
0xa6: {  	(xrf0) =	vadd.scan.msk.s32 $0xffff, v3;
	_ =	sdelay $0x5  }
0xa7: {  	v3, _, _ =	vpop (xrf0)  }
0xa8: {  	(v2sf) =	vpush v3, $0xF;
	_ =	sdelay $0xe  }
0xa9: {  	v5 =	vld [tilespmem:s19+$0x0];
	s20 =	spop (v2sf)  }
.Ltmp21:
0xaa: {  	p2 =	slt.s32 s20, s16;
	(pc) =	sbr.rel @!p1 .LBB2_25-.Ltmp21, $4  }
0xab: {  	s17 =	smov.u32 @p2 s18  }
0xac: {  	s18 =	sor.u32 $0x800000, s17  }
0xad: {  	v4 =	vmov s18  }
0xae: {  	s19 =	sadd.s32 $0xFFFFFFFF, s15;
	v3 =	vimm.s32 $0x0;
	s20 =	simm.s32 $0x10;
	vm0 =	vge.u32 v5, v4;
	v5 =	vimm.s32 $0x0  }
.LBB2_24:
0xaf: {  	v6 =	vld [tilespmem:s20+$0x0];
	p2 =	sne.s32 s19, $0x1;
	s19 =	sadd.s32 $0xFFFFFFFF, s19;
	v7 =	vsel vm0, $0x1, v0  }
.Ltmp22:
0xb0: {  	v5 =	vadd.s32 v7, v5;
	(pc) =	sbr.rel @p2 .LBB2_24-.Ltmp22, $2  }
0xb1: {  	_ =	sdelay $0x2  }
0xb2: {  	s20 =	sadd.s32 $0x10, s20;
	vm0 =	vge.u32 v6, v4  }
.LBB2_25:
0xb3: {  	v4 =	vsel vm0, $0x1, v0  }
0xb4: {  	v4 =	vadd.s32 v4, v5  }
0xb5: {  	(xrf0) =	vadd.scan.msk.s32 $0xffff, v4;
	_ =	sdelay $0x5  }
0xb6: {  	v4, _, _ =	vpop (xrf0)  }
0xb7: {  	(v2sf) =	vpush v4, $0xF;
	_ =	sdelay $0xd  }
0xb8: {  	s19 =	simm.s32 $0x0  }
0xb9: {  	v5 =	vld [tilespmem:s19+$0x0];
	s20 =	spop (v2sf)  }
.Ltmp23:
0xba: {  	p2 =	slt.s32 s20, s16;
	(pc) =	sbr.rel @!p1 .LBB2_27-.Ltmp23, $4  }
0xbb: {  	s18 =	smov.u32 @p2 s17  }
0xbc: {  	s17 =	sor.u32 $0x400000, s18  }
0xbd: {  	v4 =	vmov s17  }
0xbe: {  	s21 =	simm.s32 $0x10;
	s20 =	sadd.s32 $0xFFFFFFFF, s15;
	vm0 =	vge.u32 v5, v4  }
.LBB2_26:
0xbf: {  	v5 =	vld [tilespmem:s21+$0x0];
	p2 =	sne.s32 s20, $0x1;
	s20 =	sadd.s32 $0xFFFFFFFF, s20;
	v6 =	vsel vm0, $0x1, v0  }
.Ltmp24:
0xc0: {  	v3 =	vadd.s32 v6, v3;
	(pc) =	sbr.rel @p2 .LBB2_26-.Ltmp24, $2  }
0xc1: {  	_ =	sdelay $0x2  }
0xc2: {  	s21 =	sadd.s32 $0x10, s21;
	vm0 =	vge.u32 v5, v4  }
.LBB2_27:
0xc3: {  	v4 =	vsel vm0, $0x1, v0  }
0xc4: {  	v3 =	vadd.s32 v4, v3  }
0xc5: {  	(xrf0) =	vadd.scan.msk.s32 $0xffff, v3;
	_ =	sdelay $0x5  }
0xc6: {  	v3, _, _ =	vpop (xrf0)  }
0xc7: {  	(v2sf) =	vpush v3, $0xF;
	_ =	sdelay $0xe  }
0xc8: {  	v5 =	vld [tilespmem:s19+$0x0];
	s20 =	spop (v2sf)  }
.Ltmp25:
0xc9: {  	p2 =	slt.s32 s20, s16;
	(pc) =	sbr.rel @!p1 .LBB2_29-.Ltmp25, $4  }
0xca: {  	s17 =	smov.u32 @p2 s18  }
0xcb: {  	s18 =	sor.u32 $0x200000, s17  }
0xcc: {  	v4 =	vmov s18  }
0xcd: {  	s19 =	sadd.s32 $0xFFFFFFFF, s15;
	v3 =	vimm.s32 $0x0;
	s20 =	simm.s32 $0x10;
	vm0 =	vge.u32 v5, v4;
	v5 =	vimm.s32 $0x0  }
.LBB2_28:
0xce: {  	v6 =	vld [tilespmem:s20+$0x0];
	p2 =	sne.s32 s19, $0x1;
	s19 =	sadd.s32 $0xFFFFFFFF, s19;
	v7 =	vsel vm0, $0x1, v0  }
.Ltmp26:
0xcf: {  	v5 =	vadd.s32 v7, v5;
	(pc) =	sbr.rel @p2 .LBB2_28-.Ltmp26, $2  }
0xd0: {  	_ =	sdelay $0x2  }
0xd1: {  	s20 =	sadd.s32 $0x10, s20;
	vm0 =	vge.u32 v6, v4  }
.LBB2_29:
0xd2: {  	v4 =	vsel vm0, $0x1, v0  }
0xd3: {  	v4 =	vadd.s32 v4, v5  }
0xd4: {  	(xrf0) =	vadd.scan.msk.s32 $0xffff, v4;
	_ =	sdelay $0x5  }
0xd5: {  	v4, _, _ =	vpop (xrf0)  }
0xd6: {  	(v2sf) =	vpush v4, $0xF;
	_ =	sdelay $0xd  }
0xd7: {  	s19 =	simm.s32 $0x0  }
0xd8: {  	v5 =	vld [tilespmem:s19+$0x0];
	s20 =	spop (v2sf)  }
.Ltmp27:
0xd9: {  	p2 =	slt.s32 s20, s16;
	(pc) =	sbr.rel @!p1 .LBB2_31-.Ltmp27, $4  }
0xda: {  	s18 =	smov.u32 @p2 s17  }
0xdb: {  	s17 =	sor.u32 $0x100000, s18  }
0xdc: {  	v4 =	vmov s17  }
0xdd: {  	s21 =	simm.s32 $0x10;
	s20 =	sadd.s32 $0xFFFFFFFF, s15;
	vm0 =	vge.u32 v5, v4  }
.LBB2_30:
0xde: {  	v5 =	vld [tilespmem:s21+$0x0];
	p2 =	sne.s32 s20, $0x1;
	s20 =	sadd.s32 $0xFFFFFFFF, s20;
	v6 =	vsel vm0, $0x1, v0  }
.Ltmp28:
0xdf: {  	v3 =	vadd.s32 v6, v3;
	(pc) =	sbr.rel @p2 .LBB2_30-.Ltmp28, $2  }
0xe0: {  	_ =	sdelay $0x2  }
0xe1: {  	s21 =	sadd.s32 $0x10, s21;
	vm0 =	vge.u32 v5, v4  }
.LBB2_31:
0xe2: {  	v4 =	vsel vm0, $0x1, v0  }
0xe3: {  	v3 =	vadd.s32 v4, v3  }
0xe4: {  	(xrf0) =	vadd.scan.msk.s32 $0xffff, v3;
	_ =	sdelay $0x5  }
0xe5: {  	v3, _, _ =	vpop (xrf0)  }
0xe6: {  	(v2sf) =	vpush v3, $0xF;
	_ =	sdelay $0xe  }
0xe7: {  	v5 =	vld [tilespmem:s19+$0x0];
	s20 =	spop (v2sf)  }
.Ltmp29:
0xe8: {  	p2 =	slt.s32 s20, s16;
	(pc) =	sbr.rel @!p1 .LBB2_33-.Ltmp29, $4  }
0xe9: {  	s17 =	smov.u32 @p2 s18  }
0xea: {  	s18 =	sor.u32 $0x80000, s17  }
0xeb: {  	v4 =	vmov s18  }
0xec: {  	s19 =	sadd.s32 $0xFFFFFFFF, s15;
	v3 =	vimm.s32 $0x0;
	s20 =	simm.s32 $0x10;
	vm0 =	vge.u32 v5, v4;
	v5 =	vimm.s32 $0x0  }
.LBB2_32:
0xed: {  	v6 =	vld [tilespmem:s20+$0x0];
	p2 =	sne.s32 s19, $0x1;
	s19 =	sadd.s32 $0xFFFFFFFF, s19;
	v7 =	vsel vm0, $0x1, v0  }
.Ltmp30:
0xee: {  	v5 =	vadd.s32 v7, v5;
	(pc) =	sbr.rel @p2 .LBB2_32-.Ltmp30, $2  }
0xef: {  	_ =	sdelay $0x2  }
0xf0: {  	s20 =	sadd.s32 $0x10, s20;
	vm0 =	vge.u32 v6, v4  }
.LBB2_33:
0xf1: {  	v4 =	vsel vm0, $0x1, v0  }
0xf2: {  	v4 =	vadd.s32 v4, v5  }
0xf3: {  	(xrf0) =	vadd.scan.msk.s32 $0xffff, v4;
	_ =	sdelay $0x5  }
0xf4: {  	v4, _, _ =	vpop (xrf0)  }
0xf5: {  	(v2sf) =	vpush v4, $0xF;
	_ =	sdelay $0xd  }
0xf6: {  	s19 =	simm.s32 $0x0  }
0xf7: {  	v5 =	vld [tilespmem:s19+$0x0];
	s20 =	spop (v2sf)  }
.Ltmp31:
0xf8: {  	p2 =	slt.s32 s20, s16;
	(pc) =	sbr.rel @!p1 .LBB2_35-.Ltmp31, $4  }
0xf9: {  	s18 =	smov.u32 @p2 s17  }
0xfa: {  	s17 =	sor.u32 $0x40000, s18  }
0xfb: {  	v4 =	vmov s17  }
0xfc: {  	s21 =	simm.s32 $0x10;
	s20 =	sadd.s32 $0xFFFFFFFF, s15;
	vm0 =	vge.u32 v5, v4  }
.LBB2_34:
0xfd: {  	v5 =	vld [tilespmem:s21+$0x0];
	p2 =	sne.s32 s20, $0x1;
	s20 =	sadd.s32 $0xFFFFFFFF, s20;
	v6 =	vsel vm0, $0x1, v0  }
.Ltmp32:
0xfe: {  	v3 =	vadd.s32 v6, v3;
	(pc) =	sbr.rel @p2 .LBB2_34-.Ltmp32, $2  }
0xff: {  	_ =	sdelay $0x2  }
0x100: {  	s21 =	sadd.s32 $0x10, s21;
	vm0 =	vge.u32 v5, v4  }
.LBB2_35:
0x101: {  	v4 =	vsel vm0, $0x1, v0  }
0x102: {  	v3 =	vadd.s32 v4, v3  }
0x103: {  	(xrf0) =	vadd.scan.msk.s32 $0xffff, v3;
	_ =	sdelay $0x5  }
0x104: {  	v3, _, _ =	vpop (xrf0)  }
0x105: {  	(v2sf) =	vpush v3, $0xF;
	_ =	sdelay $0xe  }
0x106: {  	v5 =	vld [tilespmem:s19+$0x0];
	s20 =	spop (v2sf)  }
.Ltmp33:
0x107: {  	p2 =	slt.s32 s20, s16;
	(pc) =	sbr.rel @!p1 .LBB2_37-.Ltmp33, $4  }
0x108: {  	s17 =	smov.u32 @p2 s18  }
0x109: {  	s18 =	sor.u32 $0x20000, s17  }
0x10a: {  	v4 =	vmov s18  }
0x10b: {  	s19 =	sadd.s32 $0xFFFFFFFF, s15;
	v3 =	vimm.s32 $0x0;
	s20 =	simm.s32 $0x10;
	vm0 =	vge.u32 v5, v4;
	v5 =	vimm.s32 $0x0  }
.LBB2_36:
0x10c: {  	v6 =	vld [tilespmem:s20+$0x0];
	p2 =	sne.s32 s19, $0x1;
	s19 =	sadd.s32 $0xFFFFFFFF, s19;
	v7 =	vsel vm0, $0x1, v0  }
.Ltmp34:
0x10d: {  	v5 =	vadd.s32 v7, v5;
	(pc) =	sbr.rel @p2 .LBB2_36-.Ltmp34, $2  }
0x10e: {  	_ =	sdelay $0x2  }
0x10f: {  	s20 =	sadd.s32 $0x10, s20;
	vm0 =	vge.u32 v6, v4  }
.LBB2_37:
0x110: {  	v4 =	vsel vm0, $0x1, v0  }
0x111: {  	v4 =	vadd.s32 v4, v5  }
0x112: {  	(xrf0) =	vadd.scan.msk.s32 $0xffff, v4;
	_ =	sdelay $0x5  }
0x113: {  	v4, _, _ =	vpop (xrf0)  }
0x114: {  	(v2sf) =	vpush v4, $0xF;
	_ =	sdelay $0xd  }
0x115: {  	s19 =	simm.s32 $0x0  }
0x116: {  	v5 =	vld [tilespmem:s19+$0x0];
	s20 =	spop (v2sf)  }
.Ltmp35:
0x117: {  	p2 =	slt.s32 s20, s16;
	(pc) =	sbr.rel @!p1 .LBB2_39-.Ltmp35, $4  }
0x118: {  	s18 =	smov.u32 @p2 s17  }
0x119: {  	s20 =	sor.u32 $0x10000, s18  }
0x11a: {  	v4 =	vmov s20  }
0x11b: {  	s21 =	simm.s32 $0x10;
	s17 =	sadd.s32 $0xFFFFFFFF, s15;
	vm0 =	vge.u32 v5, v4  }
.LBB2_38:
0x11c: {  	v5 =	vld [tilespmem:s21+$0x0];
	p2 =	sne.s32 s17, $0x1;
	s17 =	sadd.s32 $0xFFFFFFFF, s17;
	v6 =	vsel vm0, $0x1, v0  }
.Ltmp36:
0x11d: {  	v3 =	vadd.s32 v6, v3;
	(pc) =	sbr.rel @p2 .LBB2_38-.Ltmp36, $2  }
0x11e: {  	_ =	sdelay $0x2  }
0x11f: {  	s21 =	sadd.s32 $0x10, s21;
	vm0 =	vge.u32 v5, v4  }
.LBB2_39:
0x120: {  	v4 =	vsel vm0, $0x1, v0  }
0x121: {  	v3 =	vadd.s32 v4, v3  }
0x122: {  	(xrf0) =	vadd.scan.msk.s32 $0xffff, v3;
	_ =	sdelay $0x5  }
0x123: {  	v3, _, _ =	vpop (xrf0)  }
0x124: {  	(v2sf) =	vpush v3, $0xF;
	_ =	sdelay $0xe  }
0x125: {  	v5 =	vld [tilespmem:s19+$0x0];
	s17 =	spop (v2sf)  }
.Ltmp37:
0x126: {  	p2 =	slt.s32 s17, s16;
	(pc) =	sbr.rel @!p1 .LBB2_41-.Ltmp37, $4  }
0x127: {  	s20 =	smov.u32 @p2 s18  }
0x128: {  	s21 =	sadd.s32 $0x10000, s20  }
0x129: {  	v4 =	vmov s21  }
0x12a: {  	v3 =	vimm.s32 $0x0;
	s17 =	sadd.s32 $0xFFFFFFFF, s15;
	s18 =	simm.s32 $0x10;
	vm0 =	vge.u32 v5, v4  }
.LBB2_40:
0x12b: {  	v5 =	vld [tilespmem:s18+$0x0];
	p2 =	sne.s32 s17, $0x1;
	s17 =	sadd.s32 $0xFFFFFFFF, s17;
	v6 =	vsel vm0, $0x1, v0  }
.Ltmp38:
0x12c: {  	v3 =	vadd.s32 v6, v3;
	(pc) =	sbr.rel @p2 .LBB2_40-.Ltmp38, $2  }
0x12d: {  	_ =	sdelay $0x2  }
0x12e: {  	s18 =	sadd.s32 $0x10, s18;
	vm0 =	vge.u32 v5, v4  }
.LBB2_41:
.Ltmp39:
0x12f: {  	(pc) =	sbr.rel @!p1 .LBB2_42-.Ltmp39, $3  }
0x130: {  	_ =	sdelay $0x1  }
0x131: {  	v4 =	vsel vm0, $0x1, v0;
	s18 =	simm.s32 $0x0  }
0x132: {  	v5 =	vmov s20;
	s17 =	sadd.s32 $0xFFFFFFFF, s15;
	p2 =	por $0x0, $0x0;
	v4 =	vadd.s32 v4, v3;
	v3 =	vld [tilespmem:s18+$0x0]  }
0x133: {  	_ =	sdelay $0x3  }
0x134: {  	v6 =	vand.u32 $0xFFFF0000, v3  }
0x135: {  	vm0 =	veq.s32 v6, v5  }
0x136: {  	v6 =	vsel vm0, $0x1, v0  }
0x137: {  	(xrf0) =	vadd.scan.msk.s32 $0xffff, v6;
	_ =	sdelay $0x2  }
0x138: {  	v6 =	vmov s18  }
0x139: {  	v6 =	vadd.s32 $0xFFFFFFFF, v6  }
0x13a: {  	v6 =	vbroadcast v6, $0x0  }
0x13b: {  	v7, _, _ =	vpop (xrf0)  }
0x13c: {  	v6 =	vadd.s32 v7, v6;
	(v2sf) =	vpush v7, $0xF  }
0x13d: {  	p3 =	sne.s32 s17, $0x1  }
.Ltmp40:
0x13e: {  	_ = 	snop;
	(pc) =	sbr.rel @!p3 .LBB2_44-.Ltmp40, $3  }
0x13f: {  	_ =	sdelay $0x1  }
0x140: {  	s22 =	simm.s32 $0x10;
	[tilespmem:v6+s11+$0x0] =	vst.idx.msk vm0, v3  }
0x141: {  	s23 =	sadd.s32 $0xFFFFFFFF, s17;
	p2 =	por $0x1, $0x1;
	s19 =	simm.s32 $0x0;
	v3 =	vld [tilespmem:s22+$0x0]  }
.LBB2_45:
0x142: {  	p3 =	sne.s32 s23, $0x1;
	_ =	sdelay $0x3  }
0x143: {  	v6 =	vand.u32 $0xFFFF0000, v3  }
0x144: {  	vm0 =	veq.s32 v6, v5  }
0x145: {  	v6 =	vsel vm0, $0x1, v0  }
0x146: {  	(xrf0) =	vadd.scan.msk.s32 $0xffff, v6  }
0x147: {  	s24 =	spop (v2sf)  }
0x148: {  	s19 =	sadd.s32 s19, s24  }
0x149: {  	v6 =	vmov s19  }
0x14a: {  	v6 =	vadd.s32 $0xFFFFFFFF, v6  }
0x14b: {  	v6 =	vbroadcast v6, $0x0  }
0x14c: {  	v7, _, _ =	vpop (xrf0)  }
0x14d: {  	v6 =	vadd.s32 v7, v6;
	(v2sf) =	vpush v7, $0xF;
	_ =	sdelay $0x1  }
.Ltmp41:
0x14e: {  	(pc) =	sbr.rel @p3 .LBB2_45-.Ltmp41, $3  }
0x14f: {  	_ =	sdelay $0x1  }
0x150: {  	s22 =	sadd.s32 $0x10, s22;
	[tilespmem:v6+s11+$0x0] =	vst.idx.msk vm0, v3  }
0x151: {  	s23 =	sadd.s32 $0xFFFFFFFF, s23;
	v3 =	vld [tilespmem:s22+$0x0]  }
.LBB2_46:
0x152: {  	_ =	sdelay $0x3  }
0x153: {  	v6 =	vand.u32 $0xFFFF0000, v3  }
0x154: {  	vm0 =	veq.s32 v6, v5  }
0x155: {  	v5 =	vsel vm0, $0x1, v0  }
0x156: {  	(xrf0) =	vadd.scan.msk.s32 $0xffff, v5;
	_ =	sdelay $0x5  }
0x157: {  	v5, _, _ =	vpop (xrf0)  }
0x158: {  	(v2sf) =	vpush v5, $0xF;
	_ =	sdelay $0x8  }
0x159: {  	(xrf0) =	vadd.scan.msk.s32 $0xffff, v4;
	_ =	sdelay $0x3  }
0x15a: {  	s22 =	spop @p2 (v2sf)  }
0x15b: {  	s19 =	sadd.s32 @p2 s19, s22  }
0x15c: {  	s18 =	smov.u32 @p2 s19;
	v4, _, _ =	vpop (xrf0);
	s28 =	spop (v2sf)  }
0x15d: {  	(v2sf) =	vpush v4, $0xF;
	s29 =	sadd.s32 s18, s28  }
0x15e: {  	s19 =	sadd.s32 $0xF, s29  }
0x15f: {  	s23 =	sand.u32 $0xF, s19  }
0x160: {  	s30 =	sshra.s32 s19, $0x1F;
	p3 =	slt.s32 s19, $0x1;
	p6 =	sne.s32 s23, $0x0  }
0x161: {  	s23 =	sshrl.u32 s30, $0x1C;
	p2 =	por !p3, !p6  }
0x162: {  	v4 =	vmov s18;
	s31 =	sadd.s32 s23, s19;
	s19 =	simm.s32 $0x1;
	p2 =	por !p2, !p2  }
0x163: {  	v4 =	vadd.s32 $0xFFFFFFFF, v4;
	s18 =	sshra.s32 s31, $0x4;
	s19 =	simm.s32 @!p2 $0x0  }
0x164: {  	v4 =	vbroadcast v4, $0x0;
	s19 =	ssub.s32 s18, s19  }
0x165: {  	v6 =	vadd.s32 s29, v1;
	s18 =	sshll.u32 s19, $0x4  }
0x166: {  	v4 =	vadd.s32 v5, v4;
	vm1 =	vlt.s32 v6, s18  }
0x167: {  	p2 =	slt.s32 s19, $0x1  }
.Ltmp42:
0x168: {  	_ = 	snop;
	(pc) =	sbr.rel @p2 .LBB2_50-.Ltmp42, $3  }
0x169: {  	_ =	sdelay $0x1  }
0x16a: {  	[tilespmem:v4+s11+$0x0] =	vst.idx.msk vm0, v3;
	v3 =	vimm.s32 $0x0;
	s23 =	simm.s32 $0x900  }
0x16b: {  	s22 =	sor.u32 $0x8000, s20;
	v4 =	vimm.s32 $0x0;
	s18 =	spop (v2sf);
	[tilespmem:v6+s23+$0x0] =	vst.idx.msk vm1, v3  }
0x16c: {  	v5 =	vld [tilespmem:s23+$0x0];
	p3 =	sne.s32 s19, $0x1  }
.Ltmp43:
0x16d: {  	_ = 	snop;
	(pc) =	sbr.rel @!p3 .LBB2_49-.Ltmp43, $3  }
0x16e: {  	_ =	sdelay $0x1  }
0x16f: {  	v4 =	vmov s22  }
0x170: {  	s23 =	sadd.s32 $0xFFFFFFFF, s19;
	s24 =	simm.s32 $0x910;
	vm0 =	vge.u32 v5, v4;
	v5 =	vimm.s32 $0x0  }
.LBB2_48:
0x171: {  	v6 =	vld [tilespmem:s24+$0x0];
	p3 =	sne.s32 s23, $0x1;
	s23 =	sadd.s32 $0xFFFFFFFF, s23;
	v7 =	vsel vm0, $0x1, v0  }
.Ltmp44:
0x172: {  	v5 =	vadd.s32 v7, v5;
	(pc) =	sbr.rel @p3 .LBB2_48-.Ltmp44, $2  }
0x173: {  	_ =	sdelay $0x2  }
0x174: {  	s24 =	sadd.s32 $0x10, s24;
	vm0 =	vge.u32 v6, v4  }
.LBB2_49:
0x175: {  	v4 =	vsel vm0, $0x1, v0  }
0x176: {  	v4 =	vadd.s32 v4, v5  }
.LBB2_50:
0x177: {  	(xrf0) =	vadd.scan.msk.s32 $0xffff, v4;
	_ =	sdelay $0x5  }
0x178: {  	v4, _, _ =	vpop (xrf0)  }
0x179: {  	(v2sf) =	vpush v4, $0xF;
	_ =	sdelay $0xd  }
0x17a: {  	p3 =	seq.s32 s21, $0x0  }
.Ltmp45:
0x17b: {  	s18 =	simm.s32 @p3 $0x0;
	s31 =	spop (v2sf);
	(pc) =	sbr.rel @p2 .LBB2_54-.Ltmp45, $4  }
0x17c: {  	s21 =	sadd.s32 s18, s31  }
0x17d: {  	p3 =	slt.s32 s21, s16  }
0x17e: {  	s22 =	smov.u32 @p3 s20  }
0x17f: {  	s20 =	sor.u32 $0x4000, s22  }
0x180: {  	s21 =	simm.s32 $0x900  }
0x181: {  	p3 =	sne.s32 s19, $0x1;
	v5 =	vld [tilespmem:s21+$0x0]  }
.Ltmp46:
0x182: {  	_ = 	snop;
	(pc) =	sbr.rel @!p3 .LBB2_53-.Ltmp46, $3  }
0x183: {  	_ =	sdelay $0x1  }
0x184: {  	v4 =	vmov s20  }
0x185: {  	s23 =	simm.s32 $0x910;
	s21 =	sadd.s32 $0xFFFFFFFF, s19;
	vm0 =	vge.u32 v5, v4  }
.LBB2_52:
0x186: {  	v5 =	vld [tilespmem:s23+$0x0];
	p3 =	sne.s32 s21, $0x1;
	s21 =	sadd.s32 $0xFFFFFFFF, s21;
	v6 =	vsel vm0, $0x1, v0  }
.Ltmp47:
0x187: {  	v3 =	vadd.s32 v6, v3;
	(pc) =	sbr.rel @p3 .LBB2_52-.Ltmp47, $2  }
0x188: {  	_ =	sdelay $0x2  }
0x189: {  	s23 =	sadd.s32 $0x10, s23;
	vm0 =	vge.u32 v5, v4  }
.LBB2_53:
0x18a: {  	v4 =	vsel vm0, $0x1, v0  }
0x18b: {  	v3 =	vadd.s32 v4, v3  }
.LBB2_54:
0x18c: {  	(xrf0) =	vadd.scan.msk.s32 $0xffff, v3;
	_ =	sdelay $0x5  }
0x18d: {  	v3, _, _ =	vpop (xrf0)  }
0x18e: {  	(v2sf) =	vpush v3, $0xF;
	_ =	sdelay $0xe  }
.Ltmp48:
0x18f: {  	s21 =	spop (v2sf);
	(pc) =	sbr.rel @p2 .LBB2_58-.Ltmp48, $4  }
0x190: {  	s21 =	sadd.s32 s18, s21  }
0x191: {  	p3 =	slt.s32 s21, s16  }
0x192: {  	s20 =	smov.u32 @p3 s22  }
0x193: {  	v4 =	vimm.s32 $0x0;
	v3 =	vimm.s32 $0x0;
	s21 =	sor.u32 $0x2000, s20  }
0x194: {  	s22 =	simm.s32 $0x900  }
0x195: {  	p3 =	sne.s32 s19, $0x1;
	v5 =	vld [tilespmem:s22+$0x0]  }
.Ltmp49:
0x196: {  	_ = 	snop;
	(pc) =	sbr.rel @!p3 .LBB2_57-.Ltmp49, $3  }
0x197: {  	_ =	sdelay $0x1  }
0x198: {  	v4 =	vmov s21  }
0x199: {  	s23 =	simm.s32 $0x910;
	s22 =	sadd.s32 $0xFFFFFFFF, s19;
	vm0 =	vge.u32 v5, v4;
	v5 =	vimm.s32 $0x0  }
.LBB2_56:
0x19a: {  	v6 =	vld [tilespmem:s23+$0x0];
	p3 =	sne.s32 s22, $0x1;
	s22 =	sadd.s32 $0xFFFFFFFF, s22;
	v7 =	vsel vm0, $0x1, v0  }
.Ltmp50:
0x19b: {  	v5 =	vadd.s32 v7, v5;
	(pc) =	sbr.rel @p3 .LBB2_56-.Ltmp50, $2  }
0x19c: {  	_ =	sdelay $0x2  }
0x19d: {  	s23 =	sadd.s32 $0x10, s23;
	vm0 =	vge.u32 v6, v4  }
.LBB2_57:
0x19e: {  	v4 =	vsel vm0, $0x1, v0  }
0x19f: {  	v4 =	vadd.s32 v4, v5  }
.LBB2_58:
0x1a0: {  	(xrf0) =	vadd.scan.msk.s32 $0xffff, v4;
	_ =	sdelay $0x5  }
0x1a1: {  	v4, _, _ =	vpop (xrf0)  }
0x1a2: {  	(v2sf) =	vpush v4, $0xF;
	_ =	sdelay $0xe  }
.Ltmp51:
0x1a3: {  	s22 =	spop (v2sf);
	(pc) =	sbr.rel @p2 .LBB2_62-.Ltmp51, $4  }
0x1a4: {  	s22 =	sadd.s32 s18, s22  }
0x1a5: {  	p3 =	slt.s32 s22, s16  }
0x1a6: {  	s21 =	smov.u32 @p3 s20  }
0x1a7: {  	s20 =	sor.u32 $0x1000, s21  }
0x1a8: {  	s22 =	simm.s32 $0x900  }
0x1a9: {  	p3 =	sne.s32 s19, $0x1;
	v5 =	vld [tilespmem:s22+$0x0]  }
.Ltmp52:
0x1aa: {  	_ = 	snop;
	(pc) =	sbr.rel @!p3 .LBB2_61-.Ltmp52, $3  }
0x1ab: {  	_ =	sdelay $0x1  }
0x1ac: {  	v4 =	vmov s20  }
0x1ad: {  	s23 =	simm.s32 $0x910;
	s22 =	sadd.s32 $0xFFFFFFFF, s19;
	vm0 =	vge.u32 v5, v4  }
.LBB2_60:
0x1ae: {  	v5 =	vld [tilespmem:s23+$0x0];
	p3 =	sne.s32 s22, $0x1;
	s22 =	sadd.s32 $0xFFFFFFFF, s22;
	v6 =	vsel vm0, $0x1, v0  }
.Ltmp53:
0x1af: {  	v3 =	vadd.s32 v6, v3;
	(pc) =	sbr.rel @p3 .LBB2_60-.Ltmp53, $2  }
0x1b0: {  	_ =	sdelay $0x2  }
0x1b1: {  	s23 =	sadd.s32 $0x10, s23;
	vm0 =	vge.u32 v5, v4  }
.LBB2_61:
0x1b2: {  	v4 =	vsel vm0, $0x1, v0  }
0x1b3: {  	v3 =	vadd.s32 v4, v3  }
.LBB2_62:
0x1b4: {  	(xrf0) =	vadd.scan.msk.s32 $0xffff, v3;
	_ =	sdelay $0x5  }
0x1b5: {  	v3, _, _ =	vpop (xrf0)  }
0x1b6: {  	(v2sf) =	vpush v3, $0xF;
	_ =	sdelay $0xe  }
.Ltmp54:
0x1b7: {  	s22 =	spop (v2sf);
	(pc) =	sbr.rel @p2 .LBB2_66-.Ltmp54, $4  }
0x1b8: {  	s22 =	sadd.s32 s18, s22  }
0x1b9: {  	p3 =	slt.s32 s22, s16  }
0x1ba: {  	s20 =	smov.u32 @p3 s21  }
0x1bb: {  	v4 =	vimm.s32 $0x0;
	v3 =	vimm.s32 $0x0;
	s21 =	sor.u32 $0x800, s20  }
0x1bc: {  	s22 =	simm.s32 $0x900  }
0x1bd: {  	p3 =	sne.s32 s19, $0x1;
	v5 =	vld [tilespmem:s22+$0x0]  }
.Ltmp55:
0x1be: {  	_ = 	snop;
	(pc) =	sbr.rel @!p3 .LBB2_65-.Ltmp55, $3  }
0x1bf: {  	_ =	sdelay $0x1  }
0x1c0: {  	v4 =	vmov s21  }
0x1c1: {  	s23 =	simm.s32 $0x910;
	s22 =	sadd.s32 $0xFFFFFFFF, s19;
	vm0 =	vge.u32 v5, v4;
	v5 =	vimm.s32 $0x0  }
.LBB2_64:
0x1c2: {  	v6 =	vld [tilespmem:s23+$0x0];
	p3 =	sne.s32 s22, $0x1;
	s22 =	sadd.s32 $0xFFFFFFFF, s22;
	v7 =	vsel vm0, $0x1, v0  }
.Ltmp56:
0x1c3: {  	v5 =	vadd.s32 v7, v5;
	(pc) =	sbr.rel @p3 .LBB2_64-.Ltmp56, $2  }
0x1c4: {  	_ =	sdelay $0x2  }
0x1c5: {  	s23 =	sadd.s32 $0x10, s23;
	vm0 =	vge.u32 v6, v4  }
.LBB2_65:
0x1c6: {  	v4 =	vsel vm0, $0x1, v0  }
0x1c7: {  	v4 =	vadd.s32 v4, v5  }
.LBB2_66:
0x1c8: {  	(xrf0) =	vadd.scan.msk.s32 $0xffff, v4;
	_ =	sdelay $0x5  }
0x1c9: {  	v4, _, _ =	vpop (xrf0)  }
0x1ca: {  	(v2sf) =	vpush v4, $0xF;
	_ =	sdelay $0xe  }
.Ltmp57:
0x1cb: {  	s22 =	spop (v2sf);
	(pc) =	sbr.rel @p2 .LBB2_70-.Ltmp57, $4  }
0x1cc: {  	s22 =	sadd.s32 s18, s22  }
0x1cd: {  	p3 =	slt.s32 s22, s16  }
0x1ce: {  	s21 =	smov.u32 @p3 s20  }
0x1cf: {  	s20 =	sor.u32 $0x400, s21  }
0x1d0: {  	s22 =	simm.s32 $0x900  }
0x1d1: {  	p3 =	sne.s32 s19, $0x1;
	v5 =	vld [tilespmem:s22+$0x0]  }
.Ltmp58:
0x1d2: {  	_ = 	snop;
	(pc) =	sbr.rel @!p3 .LBB2_69-.Ltmp58, $3  }
0x1d3: {  	_ =	sdelay $0x1  }
0x1d4: {  	v4 =	vmov s20  }
0x1d5: {  	s23 =	simm.s32 $0x910;
	s22 =	sadd.s32 $0xFFFFFFFF, s19;
	vm0 =	vge.u32 v5, v4  }
.LBB2_68:
0x1d6: {  	v5 =	vld [tilespmem:s23+$0x0];
	p3 =	sne.s32 s22, $0x1;
	s22 =	sadd.s32 $0xFFFFFFFF, s22;
	v6 =	vsel vm0, $0x1, v0  }
.Ltmp59:
0x1d7: {  	v3 =	vadd.s32 v6, v3;
	(pc) =	sbr.rel @p3 .LBB2_68-.Ltmp59, $2  }
0x1d8: {  	_ =	sdelay $0x2  }
0x1d9: {  	s23 =	sadd.s32 $0x10, s23;
	vm0 =	vge.u32 v5, v4  }
.LBB2_69:
0x1da: {  	v4 =	vsel vm0, $0x1, v0  }
0x1db: {  	v3 =	vadd.s32 v4, v3  }
.LBB2_70:
0x1dc: {  	(xrf0) =	vadd.scan.msk.s32 $0xffff, v3;
	_ =	sdelay $0x5  }
0x1dd: {  	v3, _, _ =	vpop (xrf0)  }
0x1de: {  	(v2sf) =	vpush v3, $0xF;
	_ =	sdelay $0xe  }
.Ltmp60:
0x1df: {  	s22 =	spop (v2sf);
	(pc) =	sbr.rel @p2 .LBB2_74-.Ltmp60, $4  }
0x1e0: {  	s22 =	sadd.s32 s18, s22  }
0x1e1: {  	p3 =	slt.s32 s22, s16  }
0x1e2: {  	s20 =	smov.u32 @p3 s21  }
0x1e3: {  	v4 =	vimm.s32 $0x0;
	v3 =	vimm.s32 $0x0;
	s21 =	sor.u32 $0x200, s20  }
0x1e4: {  	s22 =	simm.s32 $0x900  }
0x1e5: {  	p3 =	sne.s32 s19, $0x1;
	v5 =	vld [tilespmem:s22+$0x0]  }
.Ltmp61:
0x1e6: {  	_ = 	snop;
	(pc) =	sbr.rel @!p3 .LBB2_73-.Ltmp61, $3  }
0x1e7: {  	_ =	sdelay $0x1  }
0x1e8: {  	v4 =	vmov s21  }
0x1e9: {  	s23 =	simm.s32 $0x910;
	s22 =	sadd.s32 $0xFFFFFFFF, s19;
	vm0 =	vge.u32 v5, v4;
	v5 =	vimm.s32 $0x0  }
.LBB2_72:
0x1ea: {  	v6 =	vld [tilespmem:s23+$0x0];
	p3 =	sne.s32 s22, $0x1;
	s22 =	sadd.s32 $0xFFFFFFFF, s22;
	v7 =	vsel vm0, $0x1, v0  }
.Ltmp62:
0x1eb: {  	v5 =	vadd.s32 v7, v5;
	(pc) =	sbr.rel @p3 .LBB2_72-.Ltmp62, $2  }
0x1ec: {  	_ =	sdelay $0x2  }
0x1ed: {  	s23 =	sadd.s32 $0x10, s23;
	vm0 =	vge.u32 v6, v4  }
.LBB2_73:
0x1ee: {  	v4 =	vsel vm0, $0x1, v0  }
0x1ef: {  	v4 =	vadd.s32 v4, v5  }
.LBB2_74:
0x1f0: {  	(xrf0) =	vadd.scan.msk.s32 $0xffff, v4;
	_ =	sdelay $0x5  }
0x1f1: {  	v4, _, _ =	vpop (xrf0)  }
0x1f2: {  	(v2sf) =	vpush v4, $0xF;
	_ =	sdelay $0xe  }
.Ltmp63:
0x1f3: {  	s22 =	spop (v2sf);
	(pc) =	sbr.rel @p2 .LBB2_78-.Ltmp63, $4  }
0x1f4: {  	s22 =	sadd.s32 s18, s22  }
0x1f5: {  	p3 =	slt.s32 s22, s16  }
0x1f6: {  	s21 =	smov.u32 @p3 s20  }
0x1f7: {  	s20 =	sor.u32 $0x100, s21  }
0x1f8: {  	s22 =	simm.s32 $0x900  }
0x1f9: {  	p3 =	sne.s32 s19, $0x1;
	v5 =	vld [tilespmem:s22+$0x0]  }
.Ltmp64:
0x1fa: {  	_ = 	snop;
	(pc) =	sbr.rel @!p3 .LBB2_77-.Ltmp64, $3  }
0x1fb: {  	_ =	sdelay $0x1  }
0x1fc: {  	v4 =	vmov s20  }
0x1fd: {  	s23 =	simm.s32 $0x910;
	s22 =	sadd.s32 $0xFFFFFFFF, s19;
	vm0 =	vge.u32 v5, v4  }
.LBB2_76:
0x1fe: {  	v5 =	vld [tilespmem:s23+$0x0];
	p3 =	sne.s32 s22, $0x1;
	s22 =	sadd.s32 $0xFFFFFFFF, s22;
	v6 =	vsel vm0, $0x1, v0  }
.Ltmp65:
0x1ff: {  	v3 =	vadd.s32 v6, v3;
	(pc) =	sbr.rel @p3 .LBB2_76-.Ltmp65, $2  }
0x200: {  	_ =	sdelay $0x2  }
0x201: {  	s23 =	sadd.s32 $0x10, s23;
	vm0 =	vge.u32 v5, v4  }
.LBB2_77:
0x202: {  	v4 =	vsel vm0, $0x1, v0  }
0x203: {  	v3 =	vadd.s32 v4, v3  }
.LBB2_78:
0x204: {  	(xrf0) =	vadd.scan.msk.s32 $0xffff, v3;
	_ =	sdelay $0x5  }
0x205: {  	v3, _, _ =	vpop (xrf0)  }
0x206: {  	(v2sf) =	vpush v3, $0xF;
	_ =	sdelay $0xe  }
.Ltmp66:
0x207: {  	s22 =	spop (v2sf);
	(pc) =	sbr.rel @p2 .LBB2_82-.Ltmp66, $4  }
0x208: {  	s22 =	sadd.s32 s18, s22  }
0x209: {  	p3 =	slt.s32 s22, s16  }
0x20a: {  	s20 =	smov.u32 @p3 s21  }
0x20b: {  	v4 =	vimm.s32 $0x0;
	v3 =	vimm.s32 $0x0;
	s21 =	sor.u32 $0x80, s20  }
0x20c: {  	s22 =	simm.s32 $0x900  }
0x20d: {  	p3 =	sne.s32 s19, $0x1;
	v5 =	vld [tilespmem:s22+$0x0]  }
.Ltmp67:
0x20e: {  	_ = 	snop;
	(pc) =	sbr.rel @!p3 .LBB2_81-.Ltmp67, $3  }
0x20f: {  	_ =	sdelay $0x1  }
0x210: {  	v4 =	vmov s21  }
0x211: {  	s23 =	simm.s32 $0x910;
	s22 =	sadd.s32 $0xFFFFFFFF, s19;
	vm0 =	vge.u32 v5, v4;
	v5 =	vimm.s32 $0x0  }
.LBB2_80:
0x212: {  	v6 =	vld [tilespmem:s23+$0x0];
	p3 =	sne.s32 s22, $0x1;
	s22 =	sadd.s32 $0xFFFFFFFF, s22;
	v7 =	vsel vm0, $0x1, v0  }
.Ltmp68:
0x213: {  	v5 =	vadd.s32 v7, v5;
	(pc) =	sbr.rel @p3 .LBB2_80-.Ltmp68, $2  }
0x214: {  	_ =	sdelay $0x2  }
0x215: {  	s23 =	sadd.s32 $0x10, s23;
	vm0 =	vge.u32 v6, v4  }
.LBB2_81:
0x216: {  	v4 =	vsel vm0, $0x1, v0  }
0x217: {  	v4 =	vadd.s32 v4, v5  }
.LBB2_82:
0x218: {  	(xrf0) =	vadd.scan.msk.s32 $0xffff, v4;
	_ =	sdelay $0x5  }
0x219: {  	v4, _, _ =	vpop (xrf0)  }
0x21a: {  	(v2sf) =	vpush v4, $0xF;
	_ =	sdelay $0xe  }
.Ltmp69:
0x21b: {  	s22 =	spop (v2sf);
	(pc) =	sbr.rel @p2 .LBB2_86-.Ltmp69, $4  }
0x21c: {  	s22 =	sadd.s32 s18, s22  }
0x21d: {  	p3 =	slt.s32 s22, s16  }
0x21e: {  	s21 =	smov.u32 @p3 s20  }
0x21f: {  	s20 =	sor.u32 $0x40, s21  }
0x220: {  	s22 =	simm.s32 $0x900  }
0x221: {  	p3 =	sne.s32 s19, $0x1;
	v5 =	vld [tilespmem:s22+$0x0]  }
.Ltmp70:
0x222: {  	_ = 	snop;
	(pc) =	sbr.rel @!p3 .LBB2_85-.Ltmp70, $3  }
0x223: {  	_ =	sdelay $0x1  }
0x224: {  	v4 =	vmov s20  }
0x225: {  	s23 =	simm.s32 $0x910;
	s22 =	sadd.s32 $0xFFFFFFFF, s19;
	vm0 =	vge.u32 v5, v4  }
.LBB2_84:
0x226: {  	v5 =	vld [tilespmem:s23+$0x0];
	p3 =	sne.s32 s22, $0x1;
	s22 =	sadd.s32 $0xFFFFFFFF, s22;
	v6 =	vsel vm0, $0x1, v0  }
.Ltmp71:
0x227: {  	v3 =	vadd.s32 v6, v3;
	(pc) =	sbr.rel @p3 .LBB2_84-.Ltmp71, $2  }
0x228: {  	_ =	sdelay $0x2  }
0x229: {  	s23 =	sadd.s32 $0x10, s23;
	vm0 =	vge.u32 v5, v4  }
.LBB2_85:
0x22a: {  	v4 =	vsel vm0, $0x1, v0  }
0x22b: {  	v3 =	vadd.s32 v4, v3  }
.LBB2_86:
0x22c: {  	(xrf0) =	vadd.scan.msk.s32 $0xffff, v3;
	_ =	sdelay $0x5  }
0x22d: {  	v3, _, _ =	vpop (xrf0)  }
0x22e: {  	(v2sf) =	vpush v3, $0xF;
	_ =	sdelay $0xe  }
.Ltmp72:
0x22f: {  	s22 =	spop (v2sf);
	(pc) =	sbr.rel @p2 .LBB2_90-.Ltmp72, $4  }
0x230: {  	s22 =	sadd.s32 s18, s22  }
0x231: {  	p3 =	slt.s32 s22, s16  }
0x232: {  	s20 =	smov.u32 @p3 s21  }
0x233: {  	v4 =	vimm.s32 $0x0;
	v3 =	vimm.s32 $0x0;
	s21 =	sor.u32 $0x20, s20  }
0x234: {  	s22 =	simm.s32 $0x900  }
0x235: {  	p3 =	sne.s32 s19, $0x1;
	v5 =	vld [tilespmem:s22+$0x0]  }
.Ltmp73:
0x236: {  	_ = 	snop;
	(pc) =	sbr.rel @!p3 .LBB2_89-.Ltmp73, $3  }
0x237: {  	_ =	sdelay $0x1  }
0x238: {  	v4 =	vmov s21  }
0x239: {  	s23 =	simm.s32 $0x910;
	s22 =	sadd.s32 $0xFFFFFFFF, s19;
	vm0 =	vge.u32 v5, v4;
	v5 =	vimm.s32 $0x0  }
.LBB2_88:
0x23a: {  	v6 =	vld [tilespmem:s23+$0x0];
	p3 =	sne.s32 s22, $0x1;
	s22 =	sadd.s32 $0xFFFFFFFF, s22;
	v7 =	vsel vm0, $0x1, v0  }
.Ltmp74:
0x23b: {  	v5 =	vadd.s32 v7, v5;
	(pc) =	sbr.rel @p3 .LBB2_88-.Ltmp74, $2  }
0x23c: {  	_ =	sdelay $0x2  }
0x23d: {  	s23 =	sadd.s32 $0x10, s23;
	vm0 =	vge.u32 v6, v4  }
.LBB2_89:
0x23e: {  	v4 =	vsel vm0, $0x1, v0  }
0x23f: {  	v4 =	vadd.s32 v4, v5  }
.LBB2_90:
0x240: {  	(xrf0) =	vadd.scan.msk.s32 $0xffff, v4;
	_ =	sdelay $0x5  }
0x241: {  	v4, _, _ =	vpop (xrf0)  }
0x242: {  	(v2sf) =	vpush v4, $0xF;
	_ =	sdelay $0xe  }
.Ltmp75:
0x243: {  	s22 =	spop (v2sf);
	(pc) =	sbr.rel @p2 .LBB2_94-.Ltmp75, $4  }
0x244: {  	s22 =	sadd.s32 s18, s22  }
0x245: {  	p3 =	slt.s32 s22, s16  }
0x246: {  	s21 =	smov.u32 @p3 s20  }
0x247: {  	s20 =	sor.u32 $0x10, s21  }
0x248: {  	s22 =	simm.s32 $0x900  }
0x249: {  	p3 =	sne.s32 s19, $0x1;
	v5 =	vld [tilespmem:s22+$0x0]  }
.Ltmp76:
0x24a: {  	_ = 	snop;
	(pc) =	sbr.rel @!p3 .LBB2_93-.Ltmp76, $3  }
0x24b: {  	_ =	sdelay $0x1  }
0x24c: {  	v4 =	vmov s20  }
0x24d: {  	s23 =	simm.s32 $0x910;
	s22 =	sadd.s32 $0xFFFFFFFF, s19;
	vm0 =	vge.u32 v5, v4  }
.LBB2_92:
0x24e: {  	v5 =	vld [tilespmem:s23+$0x0];
	p3 =	sne.s32 s22, $0x1;
	s22 =	sadd.s32 $0xFFFFFFFF, s22;
	v6 =	vsel vm0, $0x1, v0  }
.Ltmp77:
0x24f: {  	v3 =	vadd.s32 v6, v3;
	(pc) =	sbr.rel @p3 .LBB2_92-.Ltmp77, $2  }
0x250: {  	_ =	sdelay $0x2  }
0x251: {  	s23 =	sadd.s32 $0x10, s23;
	vm0 =	vge.u32 v5, v4  }
.LBB2_93:
0x252: {  	v4 =	vsel vm0, $0x1, v0  }
0x253: {  	v3 =	vadd.s32 v4, v3  }
.LBB2_94:
0x254: {  	(xrf0) =	vadd.scan.msk.s32 $0xffff, v3;
	_ =	sdelay $0x5  }
0x255: {  	v3, _, _ =	vpop (xrf0)  }
0x256: {  	(v2sf) =	vpush v3, $0xF;
	_ =	sdelay $0xe  }
.Ltmp78:
0x257: {  	s22 =	spop (v2sf);
	(pc) =	sbr.rel @p2 .LBB2_98-.Ltmp78, $4  }
0x258: {  	s22 =	sadd.s32 s18, s22  }
0x259: {  	p3 =	slt.s32 s22, s16  }
0x25a: {  	s20 =	smov.u32 @p3 s21  }
0x25b: {  	v4 =	vimm.s32 $0x0;
	v3 =	vimm.s32 $0x0;
	s21 =	sor.u32 $0x8, s20  }
0x25c: {  	s22 =	simm.s32 $0x900  }
0x25d: {  	p3 =	sne.s32 s19, $0x1;
	v5 =	vld [tilespmem:s22+$0x0]  }
.Ltmp79:
0x25e: {  	_ = 	snop;
	(pc) =	sbr.rel @!p3 .LBB2_97-.Ltmp79, $3  }
0x25f: {  	_ =	sdelay $0x1  }
0x260: {  	v4 =	vmov s21  }
0x261: {  	s23 =	simm.s32 $0x910;
	s22 =	sadd.s32 $0xFFFFFFFF, s19;
	vm0 =	vge.u32 v5, v4;
	v5 =	vimm.s32 $0x0  }
.LBB2_96:
0x262: {  	v6 =	vld [tilespmem:s23+$0x0];
	p3 =	sne.s32 s22, $0x1;
	s22 =	sadd.s32 $0xFFFFFFFF, s22;
	v7 =	vsel vm0, $0x1, v0  }
.Ltmp80:
0x263: {  	v5 =	vadd.s32 v7, v5;
	(pc) =	sbr.rel @p3 .LBB2_96-.Ltmp80, $2  }
0x264: {  	_ =	sdelay $0x2  }
0x265: {  	s23 =	sadd.s32 $0x10, s23;
	vm0 =	vge.u32 v6, v4  }
.LBB2_97:
0x266: {  	v4 =	vsel vm0, $0x1, v0  }
0x267: {  	v4 =	vadd.s32 v4, v5  }
.LBB2_98:
0x268: {  	(xrf0) =	vadd.scan.msk.s32 $0xffff, v4;
	_ =	sdelay $0x5  }
0x269: {  	v4, _, _ =	vpop (xrf0)  }
0x26a: {  	(v2sf) =	vpush v4, $0xF;
	_ =	sdelay $0xe  }
.Ltmp81:
0x26b: {  	s22 =	spop (v2sf);
	(pc) =	sbr.rel @p2 .LBB2_102-.Ltmp81, $4  }
0x26c: {  	s22 =	sadd.s32 s18, s22  }
0x26d: {  	p3 =	slt.s32 s22, s16  }
0x26e: {  	s21 =	smov.u32 @p3 s20  }
0x26f: {  	s22 =	sor.u32 $0x4, s21  }
0x270: {  	s20 =	simm.s32 $0x900  }
0x271: {  	p3 =	sne.s32 s19, $0x1;
	v5 =	vld [tilespmem:s20+$0x0]  }
.Ltmp82:
0x272: {  	_ = 	snop;
	(pc) =	sbr.rel @!p3 .LBB2_101-.Ltmp82, $3  }
0x273: {  	_ =	sdelay $0x1  }
0x274: {  	v4 =	vmov s22  }
0x275: {  	s23 =	simm.s32 $0x910;
	s20 =	sadd.s32 $0xFFFFFFFF, s19;
	vm0 =	vge.u32 v5, v4  }
.LBB2_100:
0x276: {  	v5 =	vld [tilespmem:s23+$0x0];
	p3 =	sne.s32 s20, $0x1;
	s20 =	sadd.s32 $0xFFFFFFFF, s20;
	v6 =	vsel vm0, $0x1, v0  }
.Ltmp83:
0x277: {  	v3 =	vadd.s32 v6, v3;
	(pc) =	sbr.rel @p3 .LBB2_100-.Ltmp83, $2  }
0x278: {  	_ =	sdelay $0x2  }
0x279: {  	s23 =	sadd.s32 $0x10, s23;
	vm0 =	vge.u32 v5, v4  }
.LBB2_101:
0x27a: {  	v4 =	vsel vm0, $0x1, v0  }
0x27b: {  	v3 =	vadd.s32 v4, v3  }
.LBB2_102:
0x27c: {  	(xrf0) =	vadd.scan.msk.s32 $0xffff, v3;
	_ =	sdelay $0x5  }
0x27d: {  	v3, _, _ =	vpop (xrf0)  }
0x27e: {  	(v2sf) =	vpush v3, $0xF;
	_ =	sdelay $0xe  }
.Ltmp84:
0x27f: {  	s20 =	spop (v2sf);
	(pc) =	sbr.rel @p2 .LBB2_106-.Ltmp84, $4  }
0x280: {  	s20 =	sadd.s32 s18, s20  }
0x281: {  	p3 =	slt.s32 s20, s16  }
0x282: {  	s22 =	smov.u32 @p3 s21  }
0x283: {  	v4 =	vimm.s32 $0x0;
	v3 =	vimm.s32 $0x0;
	s20 =	sor.u32 $0x2, s22  }
0x284: {  	s21 =	simm.s32 $0x900  }
0x285: {  	p3 =	sne.s32 s19, $0x1;
	v5 =	vld [tilespmem:s21+$0x0]  }
.Ltmp85:
0x286: {  	_ = 	snop;
	(pc) =	sbr.rel @!p3 .LBB2_105-.Ltmp85, $3  }
0x287: {  	_ =	sdelay $0x1  }
0x288: {  	v4 =	vmov s20  }
0x289: {  	s23 =	simm.s32 $0x910;
	s21 =	sadd.s32 $0xFFFFFFFF, s19;
	vm0 =	vge.u32 v5, v4;
	v5 =	vimm.s32 $0x0  }
.LBB2_104:
0x28a: {  	v6 =	vld [tilespmem:s23+$0x0];
	p3 =	sne.s32 s21, $0x1;
	s21 =	sadd.s32 $0xFFFFFFFF, s21;
	v7 =	vsel vm0, $0x1, v0  }
.Ltmp86:
0x28b: {  	v5 =	vadd.s32 v7, v5;
	(pc) =	sbr.rel @p3 .LBB2_104-.Ltmp86, $2  }
0x28c: {  	_ =	sdelay $0x2  }
0x28d: {  	s23 =	sadd.s32 $0x10, s23;
	vm0 =	vge.u32 v6, v4  }
.LBB2_105:
0x28e: {  	v4 =	vsel vm0, $0x1, v0  }
0x28f: {  	v4 =	vadd.s32 v4, v5  }
.LBB2_106:
0x290: {  	(xrf0) =	vadd.scan.msk.s32 $0xffff, v4;
	_ =	sdelay $0x5  }
0x291: {  	v4, _, _ =	vpop (xrf0)  }
0x292: {  	(v2sf) =	vpush v4, $0xF;
	_ =	sdelay $0xe  }
.Ltmp87:
0x293: {  	s21 =	spop (v2sf);
	(pc) =	sbr.rel @p2 .LBB2_110-.Ltmp87, $4  }
0x294: {  	s21 =	sadd.s32 s18, s21  }
0x295: {  	p3 =	slt.s32 s21, s16  }
0x296: {  	s20 =	smov.u32 @p3 s22  }
0x297: {  	s21 =	sor.u32 $0x1, s20  }
0x298: {  	s22 =	simm.s32 $0x900  }
0x299: {  	p2 =	sne.s32 s19, $0x1;
	v5 =	vld [tilespmem:s22+$0x0]  }
.Ltmp88:
0x29a: {  	_ = 	snop;
	(pc) =	sbr.rel @!p2 .LBB2_109-.Ltmp88, $3  }
0x29b: {  	_ =	sdelay $0x1  }
0x29c: {  	v4 =	vmov s21  }
0x29d: {  	s19 =	sadd.s32 $0xFFFFFFFF, s19;
	s22 =	simm.s32 $0x910;
	vm0 =	vge.u32 v5, v4  }
.LBB2_108:
0x29e: {  	v5 =	vld [tilespmem:s22+$0x0];
	p2 =	sne.s32 s19, $0x1;
	s19 =	sadd.s32 $0xFFFFFFFF, s19;
	v6 =	vsel vm0, $0x1, v0  }
.Ltmp89:
0x29f: {  	v3 =	vadd.s32 v6, v3;
	(pc) =	sbr.rel @p2 .LBB2_108-.Ltmp89, $2  }
0x2a0: {  	_ =	sdelay $0x2  }
0x2a1: {  	s22 =	sadd.s32 $0x10, s22;
	vm0 =	vge.u32 v5, v4  }
.LBB2_109:
0x2a2: {  	v4 =	vsel vm0, $0x1, v0  }
0x2a3: {  	v3 =	vadd.s32 v4, v3  }
.LBB2_110:
0x2a4: {  	(xrf0) =	vadd.scan.msk.s32 $0xffff, v3;
	_ =	sdelay $0x5  }
0x2a5: {  	v3, _, _ =	vpop (xrf0)  }
0x2a6: {  	(v2sf) =	vpush v3, $0xF;
	_ =	sdelay $0xd  }
0x2a7: {  	s19 =	simm.s32 $0x0  }
0x2a8: {  	v5 =	vld [tilespmem:s19+$0x0];
	s22 =	spop (v2sf)  }
.Ltmp90:
0x2a9: {  	s18 =	sadd.s32 s18, s22;
	(pc) =	sbr.rel @!p1 .LBB2_112-.Ltmp90, $4  }
0x2aa: {  	p2 =	slt.s32 s18, s16  }
0x2ab: {  	s21 =	smov.u32 @p2 s20  }
0x2ac: {  	v3 =	vmov s21  }
0x2ad: {  	v4 =	vimm.s32 $0x0;
	s18 =	simm.s32 $0x10;
	vm0 =	vge.u32 v5, v3;
	v5 =	vimm.s32 $0x0  }
.LBB2_111:
0x2ae: {  	v6 =	vld [tilespmem:s18+$0x0];
	p2 =	sne.s32 s17, $0x1;
	s17 =	sadd.s32 $0xFFFFFFFF, s17;
	v7 =	vsel vm0, $0x1, v0  }
.Ltmp91:
0x2af: {  	v5 =	vadd.s32 v7, v5;
	(pc) =	sbr.rel @p2 .LBB2_111-.Ltmp91, $2  }
0x2b0: {  	_ =	sdelay $0x2  }
0x2b1: {  	s18 =	sadd.s32 $0x10, s18;
	vm0 =	vge.u32 v6, v3  }
.LBB2_112:
0x2b2: {  	v6 =	vld [tilespmem:s19+$0x0]  }
.Ltmp92:
0x2b3: {  	_ = 	snop;
	(pc) =	sbr.rel @!p1 .LBB2_114-.Ltmp92, $3  }
0x2b4: {  	_ =	sdelay $0x1  }
0x2b5: {  	v7 =	vsel vm0, $0x1, v0  }
0x2b6: {  	s17 =	sadd.s32 $0xFFFFFFFF, s15;
	s18 =	simm.s32 $0x10;
	v5 =	vadd.s32 v7, v5;
	vm0 =	veq.s32 v6, v3  }
.LBB2_113:
0x2b7: {  	v6 =	vld [tilespmem:s18+$0x0];
	p1 =	sne.s32 s17, $0x1;
	s17 =	sadd.s32 $0xFFFFFFFF, s17;
	v7 =	vsel vm0, $0x1, v0  }
.Ltmp93:
0x2b8: {  	v4 =	vadd.s32 v7, v4;
	(pc) =	sbr.rel @p1 .LBB2_113-.Ltmp93, $2  }
0x2b9: {  	_ =	sdelay $0x2  }
0x2ba: {  	s18 =	sadd.s32 $0x10, s18;
	vm0 =	veq.s32 v6, v3  }
.LBB2_114:
0x2bb: {  	v6 =	vsel vm0, $0x1, v0  }
0x2bc: {  	(xrf0) =	vadd.scan.msk.s32 $0xffff, v5;
	v4 =	vadd.s32 v6, v4  }
0x2bd: {  	(xrf0) =	vadd.scan.msk.s32 $0xffff, v4;
	_ =	sdelay $0x4  }
0x2be: {  	v4, _, _ =	vpop (xrf0)  }
0x2bf: {  	(v2sf) =	vpush v4, $0xF;
	v4, _, _ =	vpop (xrf0)  }
0x2c0: {  	(v2sf) =	vpush v4, $0xF;
	_ =	sdelay $0xb  }
0x2c1: {  	p2 =	seq.s32 s15, $0x1  }
.Ltmp94:
0x2c2: {  	_ = 	snop;
	(pc) =	sbr.rel @p2 .LBB2_115-.Ltmp94, $4  }
0x2c3: {  	s17 =	spop (v2sf)  }
0x2c4: {  	s16 =	ssub.s32 s16, s17;
	s18 =	spop (v2sf)  }
0x2c5: {  	s17 =	simm.s32 $0x0;
	s16 =	sadd.s32 s18, s16  }
0x2c6: {  	s15 =	sadd.s32 $0xFFFFFFFF, s15;
	p1 =	por $0x0, $0x0;
	v5 =	vld [tilespmem:s17+$0x0];
	v4 =	vmov s16;
	s16 =	simm.s32 $0x480  }
0x2c7: {  	_ =	sdelay $0x3  }
0x2c8: {  	vm0 =	veq.s32 v5, v3  }
0x2c9: {  	v6 =	vsel vm0, $0x1, v0  }
0x2ca: {  	(xrf0) =	vadd.scan.msk.s32 $0xffff, v6;
	_ =	sdelay $0x5  }
0x2cb: {  	v6, _, _ =	vpop (xrf0)  }
0x2cc: {  	v7 =	vadd.s32 s17, v6;
	(v2sf) =	vpush v6, $0xF  }
0x2cd: {  	p2 =	seq.s32 s15, $0x1;
	vm1 =	vle.s32 v7, v4  }
.Ltmp95:
0x2ce: {  	vm2 =	vgt.u32 v5, v3;
	vm0 =	vmand vm0, vm1;
	(pc) =	sbr.rel @p2 .LBB2_117-.Ltmp95, $4  }
0x2cf: {  	vm0 =	vmor vm2, vm0  }
0x2d0: {  	v5 =	vsel vm0, $0x3F800000, v2  }
0x2d1: {  	s19 =	simm.s32 $0x10;
	s20 =	sadd.s32 $0xFFFFFFFF, s15;
	[tilespmem:s16+$0x0] =	vst v5  }
0x2d2: {  	p1 =	por $0x1, $0x1;
	s18 =	simm.s32 $0x0;
	s15 =	simm.s32 $0x480;
	v5 =	vld [tilespmem:s19+$0x0]  }
.LBB2_118:
0x2d3: {  	p2 =	seq.s32 s20, $0x1;
	_ =	sdelay $0x3  }
0x2d4: {  	vm0 =	veq.s32 v5, v3;
	vm1 =	vgt.u32 v5, v3  }
0x2d5: {  	v5 =	vsel vm0, $0x1, v0  }
0x2d6: {  	(xrf0) =	vadd.scan.msk.s32 $0xffff, v5;
	_ =	sdelay $0x1  }
0x2d7: {  	s21 =	spop (v2sf)  }
0x2d8: {  	s18 =	sadd.s32 s18, s21;
	_ =	sdelay $0x2  }
0x2d9: {  	v5, _, _ =	vpop (xrf0)  }
0x2da: {  	v6 =	vadd.s32 s18, v5;
	(v2sf) =	vpush v5, $0xF  }
0x2db: {  	vm2 =	vle.s32 v6, v4  }
.Ltmp96:
0x2dc: {  	vm0 =	vmand vm0, vm2;
	(pc) =	sbr.rel @!p2 .LBB2_118-.Ltmp96, $4  }
0x2dd: {  	vm0 =	vmor vm1, vm0  }
0x2de: {  	s15 =	sadd.s32 $0x10, s15;
	v5 =	vsel vm0, $0x3F800000, v2  }
0x2df: {  	s19 =	sadd.s32 $0x10, s19;
	[tilespmem:s15+$0x0] =	vst v5  }
0x2e0: {  	s20 =	sadd.s32 $0xFFFFFFFF, s20;
	v5 =	vld [tilespmem:s19+$0x0]  }
.LBB2_119:
0x2e1: {  	_ =	sdelay $0x3  }
0x2e2: {  	vm0 =	veq.s32 v5, v3  }
0x2e3: {  	v6 =	vsel vm0, $0x1, v0  }
0x2e4: {  	(xrf0) =	vadd.scan.msk.s32 $0xffff, v6;
	_ =	sdelay $0x3  }
0x2e5: {  	s19 =	spop @p1 (v2sf)  }
0x2e6: {  	s18 =	sadd.s32 @p1 s18, s19  }
0x2e7: {  	s17 =	smov.u32 @p1 s18;
	v6, _, _ =	vpop (xrf0)  }
0x2e8: {  	(v2sf) =	vpush v6, $0xF;
	v6 =	vadd.s32 s17, v6  }
0x2e9: {  	vm1 =	vle.s32 v6, v4  }
0x2ea: {  	vm2 =	vgt.u32 v5, v3;
	vm0 =	vmand vm0, vm1  }
0x2eb: {  	s15 =	sadd.s32 @p1 $0x10, s15;
	vm0 =	vmor vm2, vm0  }
0x2ec: {  	s16 =	smov.u32 @p1 s15;
	v3 =	vsel vm0, $0x3F800000, v2  }
0x2ed: {  	[tilespmem:s16+$0x0] =	vst v3;
	v3 =	vimm.f32 @p0 $0.0e+00  }
0x2ee: {  	[tilespmem:$0x6C0] =	vst @p0 v3  }
0x2ef: {  	[tilespmem:$0x6D0] =	vst @p0 v3  }
0x2f0: {  	[tilespmem:$0x6E0] =	vst @p0 v3  }
0x2f1: {  	[tilespmem:$0x6F0] =	vst @p0 v3  }
0x2f2: {  	[tilespmem:$0x700] =	vst @p0 v3  }
0x2f3: {  	[tilespmem:$0x710] =	vst @p0 v3  }
0x2f4: {  	[tilespmem:$0x720] =	vst @p0 v3  }
0x2f5: {  	[tilespmem:$0x730] =	vst @p0 v3  }
0x2f6: {  	[tilespmem:$0x740] =	vst @p0 v3  }
0x2f7: {  	[tilespmem:$0x750] =	vst @p0 v3  }
0x2f8: {  	[tilespmem:$0x760] =	vst @p0 v3  }
0x2f9: {  	[tilespmem:$0x770] =	vst @p0 v3  }
0x2fa: {  	[tilespmem:$0x780] =	vst @p0 v3  }
0x2fb: {  	[tilespmem:$0x790] =	vst @p0 v3  }
0x2fc: {  	[tilespmem:$0x7A0] =	vst @p0 v3  }
0x2fd: {  	[tilespmem:$0x7B0] =	vst @p0 v3  }
0x2fe: {  	[tilespmem:$0x7C0] =	vst @p0 v3  }
0x2ff: {  	[tilespmem:$0x7D0] =	vst @p0 v3  }
0x300: {  	[tilespmem:$0x7E0] =	vst @p0 v3  }
0x301: {  	[tilespmem:$0x7F0] =	vst @p0 v3  }
0x302: {  	[tilespmem:$0x800] =	vst @p0 v3  }
0x303: {  	[tilespmem:$0x810] =	vst @p0 v3  }
0x304: {  	[tilespmem:$0x820] =	vst @p0 v3  }
0x305: {  	[tilespmem:$0x830] =	vst @p0 v3  }
0x306: {  	[tilespmem:$0x840] =	vst @p0 v3  }
0x307: {  	[tilespmem:$0x850] =	vst @p0 v3  }
0x308: {  	[tilespmem:$0x860] =	vst @p0 v3  }
0x309: {  	[tilespmem:$0x870] =	vst @p0 v3  }
0x30a: {  	[tilespmem:$0x880] =	vst @p0 v3  }
0x30b: {  	[tilespmem:$0x890] =	vst @p0 v3  }
0x30c: {  	[tilespmem:$0x8A0] =	vst @p0 v3  }
0x30d: {  	[tilespmem:$0x8B0] =	vst @p0 v3  }
0x30e: {  	[tilespmem:$0x8C0] =	vst @p0 v3  }
0x30f: {  	[tilespmem:$0x8D0] =	vst @p0 v3  }
0x310: {  	s13 =	sadd.s32 $0x1, s13;
	[tilespmem:$0x8E0] =	vst @p0 v3  }
0x311: {  	s14 =	sadd.s32 s3, s14;
	[tilespmem:$0x8F0] =	vst @p0 v3;
	p0 =	sne.s32 s13, $0x6  }
0x312: {  	[hbm4b:s14+s8] =	stream.strided.scatter [tilespmem:s12], [sflag:$0x1], $0x480, s9, s8, $0x38;
	[tilespmem:$0xE00] =	vst v63  }
.Ltmp97:
0x313: {  	_ = 	snop;
	(pc) =	sbr.rel @p0 .LBB2_2-.Ltmp97, $4  }
.Ltmp98:
0x314: {  	s31 =	spop (v2sf);
	(pc) =	sbr.rel @!p0 .LBB2_120-.Ltmp98, $4  }
0x315: {  	_ =	swait.ge [sflag:s10], $0x480  }
0x316: {  	[sflag:s10] =	ssyncset.done $0x0  }
0x317: {  	[sflag:s10] =	ssyncadd.s32 $0xFFFFFB80  }
0x318: {  	_ = 	snop  }
.LBB2_3:
.Ltmp99:
0x319: {  	(pc) =	sbr.rel .LBB2_7-.Ltmp99, $2  }
0x31a: {  	_ =	sdelay $0x2  }
0x31b: {  	s18 =	simm.s32 $0x0  }
.LBB2_42:
.Ltmp100:
0x31c: {  	(pc) =	sbr.rel .LBB2_46-.Ltmp100, $2  }
0x31d: {  	_ =	sdelay $0x2  }
0x31e: {  	s19 =	simm.s32 $0x0  }
.LBB2_115:
.Ltmp101:
0x31f: {  	(pc) =	sbr.rel .LBB2_119-.Ltmp101, $2  }
0x320: {  	_ =	sdelay $0x2  }
0x321: {  	s18 =	simm.s32 $0x0;
	s15 =	simm.s32 $0x480  }
.LBB2_5:
.Ltmp102:
0x322: {  	(pc) =	sbr.rel .LBB2_7-.Ltmp102, $2  }
0x323: {  	_ =	sdelay $0x2  }
0x324: {  	s18 =	simm.s32 $0x0  }
.LBB2_44:
.Ltmp103:
0x325: {  	(pc) =	sbr.rel .LBB2_46-.Ltmp103, $2  }
0x326: {  	_ =	sdelay $0x2  }
0x327: {  	s19 =	simm.s32 $0x0  }
.LBB2_117:
.Ltmp104:
0x328: {  	(pc) =	sbr.rel .LBB2_119-.Ltmp104, $2  }
0x329: {  	_ =	sdelay $0x2  }
0x32a: {  	s18 =	simm.s32 $0x0;
	s15 =	simm.s32 $0x480  }
.LBB2_121:
0x32b: {  	_ =	sfence.sel $0x180000  }
0x32c: {  	[bflag:$0x0] =	sbarrier.arrive $0xFFFF  }
0x32d: {  	p0 =	sne.s32 s1, $0x0;
	_ =	strace $0x90000047  }
0x32e: {  	s0 =	sadd.s32 @!p0 $0x100000, s0;
	[bflag:$0x2] =	sbarrier.arrive $0xFFFF  }
0x32f: {  	[sflag:s0] =	ssyncadd.tile.s32 @!p0 $0x1;
	_ =	shalt  }
.Lfunc_end2:
_tile_overlayer_lowered:
.L_overlay_start_2:
0x330: {  	(tag) =	ssettag $0x2  }
0x331: {  	s0 =	rddreg [dreg:$0x0];
	s2 =	stileid.u32  }
0x332: {  	s1 =	rddreg [dreg:$0x1];
	p0 =	sne.s32 s2, $0x0  }
0x333: {  	s3 =	rddreg [dreg:$0x2];
	[bflag:$0x3] =	sbarrier.arrive $0xFFFF;
	s2 =	simm.s32 @!p0 $0x1C01  }
0x334: {  	[timem:s3], [sflag:s2] =	dma.local @!p0 [hbm:s0], s1  }
0x335: {  	s0 =	simm.s32 @!p0 $0x1  }
0x336: {  	_ =	swait.ge @!p0 [sflag:s0], s1  }
0x337: {  	s1 =	ssub.s32 @!p0 $0x0, s1;
	[sflag:s0] =	ssyncset.done @!p0 $0x0  }
0x338: {  	[sflag:s0] =	ssyncadd.s32 @!p0 s1  }
0x339: {  	[bflag:$0x3] =	sbarrier.arrive $0xFFFF  }
0x33a: {  	_ =	shalt  }

</sc_bundles>
